<compile_context>
chip_gen: v7x
topology: tpu7x:2x2x1
jax: 0.10.2.dev20260603
libtpu: 0.0.44.dev20260713+nightly
codegen_flags: <defaults>
</compile_context>

<pallas_src>
import functools

import jax
import jax.numpy as jnp
from jax import lax
from jax.experimental import pallas as pl
from jax.experimental.pallas import tpu as pltpu
from jax.experimental.pallas import tpu_sc as plsc

_NB = 4
_NBUF = 4


def _make_sc_kernel(B, T, D):
    info = plsc.get_sparse_core_info()
    NC = info.num_cores
    NW = NC * info.num_subcores
    b_per_w = B // NW
    nchunk = b_per_w // _NB
    CH = _NB * T
    mesh = plsc.VectorSubcoreMesh(core_axis_name="c", subcore_axis_name="s")

    @functools.partial(
        pl.kernel,
        mesh=mesh,
        out_type=jax.ShapeDtypeStruct((B, T, D), jnp.float32),
        scratch_types=(
            [pltpu.VMEM_SHARED((4, D), jnp.float32)]
            + [pltpu.VMEM((CH,), jnp.int32) for _ in range(_NBUF)]
            + [pltpu.VMEM((_NB, T, D), jnp.float32) for _ in range(_NBUF)]
            + [pltpu.SemaphoreType.DMA, pltpu.SemaphoreType.DMA,
               pltpu.SemaphoreType.DMA]
        ),
    )
    def k(cue_hbm, table_hbm, out_hbm, tbl_sh, *rest):
        idx_v = rest[:_NBUF]
        rows_v = rest[_NBUF:2 * _NBUF]
        sem_i, sem_g, sem_w = rest[2 * _NBUF:]
        cid = lax.axis_index("c")
        sid = lax.axis_index("s")
        wid = sid * NC + cid
        b0 = wid * b_per_w

        @pl.when(sid == 0)
        def _():
            pltpu.sync_copy(table_hbm, tbl_sh)

        plsc.subcore_barrier()

        idx_cp = [None] * _NBUF
        for c in range(_NBUF):
            bc = b0 + c * _NB
            idx_cp[c] = pltpu.async_copy(
                cue_hbm.at[pl.ds(bc * T, CH)], idx_v[c], sem_i)

        wr_pending = [0] * _NBUF
        wr_cp = [[None] * _NB for _ in range(_NBUF)]
        for c in range(nchunk):
            buf = c % _NBUF
            bc = b0 + c * _NB
            idx_cp[buf].wait()
            for j in range(wr_pending[buf]):
                wr_cp[buf][j].wait()
            wr_cp[buf][0] = pltpu.async_copy(
                rows_v[buf], out_hbm.at[pl.ds(bc, _NB)], sem_w)
            wr_pending[buf] = 1
            cn = c + _NBUF
            if cn < nchunk:
                bn = b0 + cn * _NB
                idx_cp[buf] = pltpu.async_copy(
                    cue_hbm.at[pl.ds(bn * T, CH)], idx_v[buf], sem_i)
        for buf in range(_NBUF):
            for j in range(wr_pending[buf]):
                wr_cp[buf][j].wait()

    return k


def kernel(cue, table):
    B, T = cue.shape
    D = table.shape[1]
    cue_flat = cue.reshape(-1).astype(jnp.int32)
    return _make_sc_kernel(B, T, D)(cue_flat, table)

# --- scband reference (transcript-rebuilt; emitter-appended) ---
"""Pipeline reference for scband-temporal-cue-embedding-14680198218183 (READ-ONLY COPY).

The authoritative reference and input builder live on the scoring server;
editing this copy changes nothing except your own understanding.
"""

import jax, jax.numpy as jnp
import numpy as np

NUM_CUES = 4  # len(TEMPORAL_CUES)
EMBED_DIM = 128

def setup_inputs(seed: int = 0) -> dict:
    key = jax.random.key(seed)
    k1, k2 = jax.random.split(key)
    cue = jax.random.randint(k1, (4096, 50), 0, NUM_CUES, dtype=jnp.int64)
    table = jax.random.normal(k2, (NUM_CUES, EMBED_DIM), dtype=jnp.float32)
    return {"cue": cue, "table": table}

def reference(cue, table):
    # Batched/vectorized translation of TemporalCueEmbedding.forward:
    # each cue index (already mapped via CUE2IDX) looks up a row of the
    # embedding table: self.embedding(torch.tensor(idx)).
    return jnp.take(table, cue, axis=0)

if __name__ == "__main__":
    import jax
    _d = setup_inputs()
    print(jax.jit(kernel)(*tuple(_d.values())))

</pallas_src>

<mosaic_0001>
#map = affine_map<(d0, d1) -> (0)>
#map1 = affine_map<(d0, d1) -> (0, 0)>
#map2 = affine_map<(d0, d1) -> (0, 0, 0)>
module attributes {stable_mosaic.version = 14 : i64} {
  func.func @k(%arg0: i32, %arg1: i32, %arg2: memref<204800xi32, #tpu.memory_space<hbm>>, %arg3: memref<4x128xf32, #tpu.memory_space<hbm>>, %arg4: memref<4096x50x128xf32, #tpu.memory_space<hbm>>, %arg5: memref<4x128xf32, #tpu.memory_space<vmem_shared>>, %arg6: memref<200xi32, #tpu.memory_space<vmem>>, %arg7: memref<200xi32, #tpu.memory_space<vmem>>, %arg8: memref<200xi32, #tpu.memory_space<vmem>>, %arg9: memref<200xi32, #tpu.memory_space<vmem>>, %arg10: memref<4x50x128xf32, #tpu.memory_space<vmem>>, %arg11: memref<4x50x128xf32, #tpu.memory_space<vmem>>, %arg12: memref<4x50x128xf32, #tpu.memory_space<vmem>>, %arg13: memref<4x50x128xf32, #tpu.memory_space<vmem>>, %arg14: memref<!tpu.dma_semaphore, #tpu.memory_space<semaphore_mem>>, %arg15: memref<!tpu.dma_semaphore, #tpu.memory_space<semaphore_mem>>, %arg16: memref<!tpu.dma_semaphore, #tpu.memory_space<semaphore_mem>>) attributes {dimension_semantics = [#tpu.dimension_semantics<core_parallel>, #tpu.dimension_semantics<subcore_parallel>], iteration_bounds = array<i64: 2, 16>, scalar_prefetch = 0 : i64, scratch_operands = 12 : i64, tpu.core_type = #tpu.core_type<sc_vector_subcore>, window_params = [{transform_indices = #map}, {transform_indices = #map1}, {transform_indices = #map2}]} {
    %mul3A = arith.constant 2 : i32
    %mul3A_0 = arith.muli %arg1, %mul3A : i32
    %add3A = arith.addi %mul3A_0, %arg0 : i32
    %mul3A_1 = arith.constant 128 : i32
    %mul3A_2 = arith.muli %add3A, %mul3A_1 : i32
    %eq3A = arith.constant 0 : i32
    %eq3A_3 = arith.cmpi eq, %arg1, %eq3A : i32
    %convert_element_type3A = arith.extui %eq3A_3 : i1 to i32
    %cond3A = arith.constant 0 : i32
    %cond3A_4 = arith.cmpi ne, %convert_element_type3A, %cond3A : i32
    scf.if %cond3A_4 {
      "tpu.region"() ({
        %run_scoped3A = tpu.sem_alloc : memref<!tpu.dma_semaphore, #tpu.memory_space<semaphore_mem>>
        tpu.enqueue_dma source(%arg3 : memref<4x128xf32, #tpu.memory_space<hbm>>) target(%arg5 : memref<4x128xf32, #tpu.memory_space<vmem_shared>>) target_semaphore(%run_scoped3A : memref<!tpu.dma_semaphore, #tpu.memory_space<semaphore_mem>>)
        tpu.wait_dma2 semaphore(%run_scoped3A : memref<!tpu.dma_semaphore, #tpu.memory_space<semaphore_mem>>) src(%arg3 : memref<4x128xf32, #tpu.memory_space<hbm>>) dst(%arg5 : memref<4x128xf32, #tpu.memory_space<vmem_shared>>)
        tpu.yield
      }) : () -> ()
    } else {
    }
    %barrier3A = arith.constant 0 : index
    tpu.barrier barrier_id(%barrier3A)
    %add3A_5 = arith.constant 0 : i32
    %add3A_6 = arith.addi %mul3A_2, %add3A_5 : i32
    %mul3A_7 = arith.constant 50 : i32
    %mul3A_8 = arith.muli %add3A_6, %mul3A_7 : i32
    %dma_start3A = tpu.memref_slice %arg2[%mul3A_8] : memref<204800xi32, #tpu.memory_space<hbm>> -> memref<200xi32, #tpu.memory_space<hbm>>
    %dma_start3A_9 = tpu.memref_slice %arg2[%mul3A_8] : memref<204800xi32, #tpu.memory_space<hbm>> -> memref<200xi32, #tpu.memory_space<hbm>>
    tpu.enqueue_dma source(%dma_start3A_9 : memref<200xi32, #tpu.memory_space<hbm>>) target(%arg6 : memref<200xi32, #tpu.memory_space<vmem>>) target_semaphore(%arg14 : memref<!tpu.dma_semaphore, #tpu.memory_space<semaphore_mem>>)
    %add3A_10 = arith.constant 4 : i32
    %add3A_11 = arith.addi %mul3A_2, %add3A_10 : i32
    %mul3A_12 = arith.constant 50 : i32
    %mul3A_13 = arith.muli %add3A_11, %mul3A_12 : i32
    %dma_start3A_14 = tpu.memref_slice %arg2[%mul3A_13] : memref<204800xi32, #tpu.memory_space<hbm>> -> memref<200xi32, #tpu.memory_space<hbm>>
    %dma_start3A_15 = tpu.memref_slice %arg2[%mul3A_13] : memref<204800xi32, #tpu.memory_space<hbm>> -> memref<200xi32, #tpu.memory_space<hbm>>
    tpu.enqueue_dma source(%dma_start3A_15 : memref<200xi32, #tpu.memory_space<hbm>>) target(%arg7 : memref<200xi32, #tpu.memory_space<vmem>>) target_semaphore(%arg14 : memref<!tpu.dma_semaphore, #tpu.memory_space<semaphore_mem>>)
    %add3A_16 = arith.constant 8 : i32
    %add3A_17 = arith.addi %mul3A_2, %add3A_16 : i32
    %mul3A_18 = arith.constant 50 : i32
    %mul3A_19 = arith.muli %add3A_17, %mul3A_18 : i32
    %dma_start3A_20 = tpu.memref_slice %arg2[%mul3A_19] : memref<204800xi32, #tpu.memory_space<hbm>> -> memref<200xi32, #tpu.memory_space<hbm>>
    %dma_start3A_21 = tpu.memref_slice %arg2[%mul3A_19] : memref<204800xi32, #tpu.memory_space<hbm>> -> memref<200xi32, #tpu.memory_space<hbm>>
    tpu.enqueue_dma source(%dma_start3A_21 : memref<200xi32, #tpu.memory_space<hbm>>) target(%arg8 : memref<200xi32, #tpu.memory_space<vmem>>) target_semaphore(%arg14 : memref<!tpu.dma_semaphore, #tpu.memory_space<semaphore_mem>>)
    %add3A_22 = arith.constant 12 : i32
    %add3A_23 = arith.addi %mul3A_2, %add3A_22 : i32
    %mul3A_24 = arith.constant 50 : i32
    %mul3A_25 = arith.muli %add3A_23, %mul3A_24 : i32
    %dma_start3A_26 = tpu.memref_slice %arg2[%mul3A_25] : memref<204800xi32, #tpu.memory_space<hbm>> -> memref<200xi32, #tpu.memory_space<hbm>>
    %dma_start3A_27 = tpu.memref_slice %arg2[%mul3A_25] : memref<204800xi32, #tpu.memory_space<hbm>> -> memref<200xi32, #tpu.memory_space<hbm>>
    tpu.enqueue_dma source(%dma_start3A_27 : memref<200xi32, #tpu.memory_space<hbm>>) target(%arg9 : memref<200xi32, #tpu.memory_space<vmem>>) target_semaphore(%arg14 : memref<!tpu.dma_semaphore, #tpu.memory_space<semaphore_mem>>)
    %add3A_28 = arith.constant 0 : i32
    %add3A_29 = arith.addi %mul3A_2, %add3A_28 : i32
    %dma_wait3A = tpu.memref_slice %arg2[%mul3A_8] : memref<204800xi32, #tpu.memory_space<hbm>> -> memref<200xi32, #tpu.memory_space<hbm>>
    %dma_wait3A_30 = tpu.memref_slice %arg2[%mul3A_8] : memref<204800xi32, #tpu.memory_space<hbm>> -> memref<200xi32, #tpu.memory_space<hbm>>
    tpu.wait_dma2 semaphore(%arg14 : memref<!tpu.dma_semaphore, #tpu.memory_space<semaphore_mem>>) src(%dma_wait3A_30 : memref<200xi32, #tpu.memory_space<hbm>>) dst(%arg6 : memref<200xi32, #tpu.memory_space<vmem>>)
    %dma_start3A_31 = arith.constant 0 : i32
    %dma_start3A_32 = arith.constant 0 : i32
    %dma_start3A_33 = tpu.memref_slice %arg4[%add3A_29, %dma_start3A_31, %dma_start3A_32] : memref<4096x50x128xf32, #tpu.memory_space<hbm>> -> memref<4x50x128xf32, #tpu.memory_space<hbm>>
    %dma_start3A_34 = arith.constant 0 : i32
    %dma_start3A_35 = arith.constant 0 : i32
    %dma_start3A_36 = tpu.memref_slice %arg4[%add3A_29, %dma_start3A_34, %dma_start3A_35] : memref<4096x50x128xf32, #tpu.memory_space<hbm>> -> memref<4x50x128xf32, #tpu.memory_space<hbm>>
    tpu.enqueue_dma source(%arg10 : memref<4x50x128xf32, #tpu.memory_space<vmem>>) target(%dma_start3A_36 : memref<4x50x128xf32, #tpu.memory_space<hbm>>) target_semaphore(%arg16 : memref<!tpu.dma_semaphore, #tpu.memory_space<semaphore_mem>>)
    %add3A_37 = arith.constant 16 : i32
    %add3A_38 = arith.addi %mul3A_2, %add3A_37 : i32
    %mul3A_39 = arith.constant 50 : i32
    %mul3A_40 = arith.muli %add3A_38, %mul3A_39 : i32
    %dma_start3A_41 = tpu.memref_slice %arg2[%mul3A_40] : memref<204800xi32, #tpu.memory_space<hbm>> -> memref<200xi32, #tpu.memory_space<hbm>>
    %dma_start3A_42 = tpu.memref_slice %arg2[%mul3A_40] : memref<204800xi32, #tpu.memory_space<hbm>> -> memref<200xi32, #tpu.memory_space<hbm>>
    tpu.enqueue_dma source(%dma_start3A_42 : memref<200xi32, #tpu.memory_space<hbm>>) target(%arg6 : memref<200xi32, #tpu.memory_space<vmem>>) target_semaphore(%arg14 : memref<!tpu.dma_semaphore, #tpu.memory_space<semaphore_mem>>)
    %add3A_43 = arith.constant 4 : i32
    %add3A_44 = arith.addi %mul3A_2, %add3A_43 : i32
    %dma_wait3A_45 = tpu.memref_slice %arg2[%mul3A_13] : memref<204800xi32, #tpu.memory_space<hbm>> -> memref<200xi32, #tpu.memory_space<hbm>>
    %dma_wait3A_46 = tpu.memref_slice %arg2[%mul3A_13] : memref<204800xi32, #tpu.memory_space<hbm>> -> memref<200xi32, #tpu.memory_space<hbm>>
    tpu.wait_dma2 semaphore(%arg14 : memref<!tpu.dma_semaphore, #tpu.memory_space<semaphore_mem>>) src(%dma_wait3A_46 : memref<200xi32, #tpu.memory_space<hbm>>) dst(%arg7 : memref<200xi32, #tpu.memory_space<vmem>>)
    %dma_start3A_47 = arith.constant 0 : i32
    %dma_start3A_48 = arith.constant 0 : i32
    %dma_start3A_49 = tpu.memref_slice %arg4[%add3A_44, %dma_start3A_47, %dma_start3A_48] : memref<4096x50x128xf32, #tpu.memory_space<hbm>> -> memref<4x50x128xf32, #tpu.memory_space<hbm>>
    %dma_start3A_50 = arith.constant 0 : i32
    %dma_start3A_51 = arith.constant 0 : i32
    %dma_start3A_52 = tpu.memref_slice %arg4[%add3A_44, %dma_start3A_50, %dma_start3A_51] : memref<4096x50x128xf32, #tpu.memory_space<hbm>> -> memref<4x50x128xf32, #tpu.memory_space<hbm>>
    tpu.enqueue_dma source(%arg11 : memref<4x50x128xf32, #tpu.memory_space<vmem>>) target(%dma_start3A_52 : memref<4x50x128xf32, #tpu.memory_space<hbm>>) target_semaphore(%arg16 : memref<!tpu.dma_semaphore, #tpu.memory_space<semaphore_mem>>)
    %add3A_53 = arith.constant 20 : i32
    %add3A_54 = arith.addi %mul3A_2, %add3A_53 : i32
    %mul3A_55 = arith.constant 50 : i32
    %mul3A_56 = arith.muli %add3A_54, %mul3A_55 : i32
    %dma_start3A_57 = tpu.memref_slice %arg2[%mul3A_56] : memref<204800xi32, #tpu.memory_space<hbm>> -> memref<200xi32, #tpu.memory_space<hbm>>
    %dma_start3A_58 = tpu.memref_slice %arg2[%mul3A_56] : memref<204800xi32, #tpu.memory_space<hbm>> -> memref<200xi32, #tpu.memory_space<hbm>>
    tpu.enqueue_dma source(%dma_start3A_58 : memref<200xi32, #tpu.memory_space<hbm>>) target(%arg7 : memref<200xi32, #tpu.memory_space<vmem>>) target_semaphore(%arg14 : memref<!tpu.dma_semaphore, #tpu.memory_space<semaphore_mem>>)
    %add3A_59 = arith.constant 8 : i32
    %add3A_60 = arith.addi %mul3A_2, %add3A_59 : i32
    %dma_wait3A_61 = tpu.memref_slice %arg2[%mul3A_19] : memref<204800xi32, #tpu.memory_space<hbm>> -> memref<200xi32, #tpu.memory_space<hbm>>
    %dma_wait3A_62 = tpu.memref_slice %arg2[%mul3A_19] : memref<204800xi32, #tpu.memory_space<hbm>> -> memref<200xi32, #tpu.memory_space<hbm>>
    tpu.wait_dma2 semaphore(%arg14 : memref<!tpu.dma_semaphore, #tpu.memory_space<semaphore_mem>>) src(%dma_wait3A_62 : memref<200xi32, #tpu.memory_space<hbm>>) dst(%arg8 : memref<200xi32, #tpu.memory_space<vmem>>)
    %dma_start3A_63 = arith.constant 0 : i32
    %dma_start3A_64 = arith.constant 0 : i32
    %dma_start3A_65 = tpu.memref_slice %arg4[%add3A_60, %dma_start3A_63, %dma_start3A_64] : memref<4096x50x128xf32, #tpu.memory_space<hbm>> -> memref<4x50x128xf32, #tpu.memory_space<hbm>>
    %dma_start3A_66 = arith.constant 0 : i32
    %dma_start3A_67 = arith.constant 0 : i32
    %dma_start3A_68 = tpu.memref_slice %arg4[%add3A_60, %dma_start3A_66, %dma_start3A_67] : memref<4096x50x128xf32, #tpu.memory_space<hbm>> -> memref<4x50x128xf32, #tpu.memory_space<hbm>>
    tpu.enqueue_dma source(%arg12 : memref<4x50x128xf32, #tpu.memory_space<vmem>>) target(%dma_start3A_68 : memref<4x50x128xf32, #tpu.memory_space<hbm>>) target_semaphore(%arg16 : memref<!tpu.dma_semaphore, #tpu.memory_space<semaphore_mem>>)
    %add3A_69 = arith.constant 24 : i32
    %add3A_70 = arith.addi %mul3A_2, %add3A_69 : i32
    %mul3A_71 = arith.constant 50 : i32
    %mul3A_72 = arith.muli %add3A_70, %mul3A_71 : i32
    %dma_start3A_73 = tpu.memref_slice %arg2[%mul3A_72] : memref<204800xi32, #tpu.memory_space<hbm>> -> memref<200xi32, #tpu.memory_space<hbm>>
    %dma_start3A_74 = tpu.memref_slice %arg2[%mul3A_72] : memref<204800xi32, #tpu.memory_space<hbm>> -> memref<200xi32, #tpu.memory_space<hbm>>
    tpu.enqueue_dma source(%dma_start3A_74 : memref<200xi32, #tpu.memory_space<hbm>>) target(%arg8 : memref<200xi32, #tpu.memory_space<vmem>>) target_semaphore(%arg14 : memref<!tpu.dma_semaphore, #tpu.memory_space<semaphore_mem>>)
    %add3A_75 = arith.constant 12 : i32
    %add3A_76 = arith.addi %mul3A_2, %add3A_75 : i32
    %dma_wait3A_77 = tpu.memref_slice %arg2[%mul3A_25] : memref<204800xi32, #tpu.memory_space<hbm>> -> memref<200xi32, #tpu.memory_space<hbm>>
    %dma_wait3A_78 = tpu.memref_slice %arg2[%mul3A_25] : memref<204800xi32, #tpu.memory_space<hbm>> -> memref<200xi32, #tpu.memory_space<hbm>>
    tpu.wait_dma2 semaphore(%arg14 : memref<!tpu.dma_semaphore, #tpu.memory_space<semaphore_mem>>) src(%dma_wait3A_78 : memref<200xi32, #tpu.memory_space<hbm>>) dst(%arg9 : memref<200xi32, #tpu.memory_space<vmem>>)
    %dma_start3A_79 = arith.constant 0 : i32
    %dma_start3A_80 = arith.constant 0 : i32
    %dma_start3A_81 = tpu.memref_slice %arg4[%add3A_76, %dma_start3A_79, %dma_start3A_80] : memref<4096x50x128xf32, #tpu.memory_space<hbm>> -> memref<4x50x128xf32, #tpu.memory_space<hbm>>
    %dma_start3A_82 = arith.constant 0 : i32
    %dma_start3A_83 = arith.constant 0 : i32
    %dma_start3A_84 = tpu.memref_slice %arg4[%add3A_76, %dma_start3A_82, %dma_start3A_83] : memref<4096x50x128xf32, #tpu.memory_space<hbm>> -> memref<4x50x128xf32, #tpu.memory_space<hbm>>
    tpu.enqueue_dma source(%arg13 : memref<4x50x128xf32, #tpu.memory_space<vmem>>) target(%dma_start3A_84 : memref<4x50x128xf32, #tpu.memory_space<hbm>>) target_semaphore(%arg16 : memref<!tpu.dma_semaphore, #tpu.memory_space<semaphore_mem>>)
    %add3A_85 = arith.constant 28 : i32
    %add3A_86 = arith.addi %mul3A_2, %add3A_85 : i32
    %mul3A_87 = arith.constant 50 : i32
    %mul3A_88 = arith.muli %add3A_86, %mul3A_87 : i32
    %dma_start3A_89 = tpu.memref_slice %arg2[%mul3A_88] : memref<204800xi32, #tpu.memory_space<hbm>> -> memref<200xi32, #tpu.memory_space<hbm>>
    %dma_start3A_90 = tpu.memref_slice %arg2[%mul3A_88] : memref<204800xi32, #tpu.memory_space<hbm>> -> memref<200xi32, #tpu.memory_space<hbm>>
    tpu.enqueue_dma source(%dma_start3A_90 : memref<200xi32, #tpu.memory_space<hbm>>) target(%arg9 : memref<200xi32, #tpu.memory_space<vmem>>) target_semaphore(%arg14 : memref<!tpu.dma_semaphore, #tpu.memory_space<semaphore_mem>>)
    %add3A_91 = arith.constant 16 : i32
    %add3A_92 = arith.addi %mul3A_2, %add3A_91 : i32
    %dma_wait3A_93 = tpu.memref_slice %arg2[%mul3A_40] : memref<204800xi32, #tpu.memory_space<hbm>> -> memref<200xi32, #tpu.memory_space<hbm>>
    %dma_wait3A_94 = tpu.memref_slice %arg2[%mul3A_40] : memref<204800xi32, #tpu.memory_space<hbm>> -> memref<200xi32, #tpu.memory_space<hbm>>
    tpu.wait_dma2 semaphore(%arg14 : memref<!tpu.dma_semaphore, #tpu.memory_space<semaphore_mem>>) src(%dma_wait3A_94 : memref<200xi32, #tpu.memory_space<hbm>>) dst(%arg6 : memref<200xi32, #tpu.memory_space<vmem>>)
    %dma_wait3A_95 = arith.constant 0 : i32
    %dma_wait3A_96 = arith.constant 0 : i32
    %dma_wait3A_97 = tpu.memref_slice %arg4[%add3A_29, %dma_wait3A_95, %dma_wait3A_96] : memref<4096x50x128xf32, #tpu.memory_space<hbm>> -> memref<4x50x128xf32, #tpu.memory_space<hbm>>
    %dma_wait3A_98 = arith.constant 0 : i32
    %dma_wait3A_99 = arith.constant 0 : i32
    %dma_wait3A_100 = tpu.memref_slice %arg4[%add3A_29, %dma_wait3A_98, %dma_wait3A_99] : memref<4096x50x128xf32, #tpu.memory_space<hbm>> -> memref<4x50x128xf32, #tpu.memory_space<hbm>>
    tpu.wait_dma2 semaphore(%arg16 : memref<!tpu.dma_semaphore, #tpu.memory_space<semaphore_mem>>) src(%arg10 : memref<4x50x128xf32, #tpu.memory_space<vmem>>) dst(%dma_wait3A_100 : memref<4x50x128xf32, #tpu.memory_space<hbm>>)
    %dma_start3A_101 = arith.constant 0 : i32
    %dma_start3A_102 = arith.constant 0 : i32
    %dma_start3A_103 = tpu.memref_slice %arg4[%add3A_92, %dma_start3A_101, %dma_start3A_102] : memref<4096x50x128xf32, #tpu.memory_space<hbm>> -> memref<4x50x128xf32, #tpu.memory_space<hbm>>
    %dma_start3A_104 = arith.constant 0 : i32
    %dma_start3A_105 = arith.constant 0 : i32
    %dma_start3A_106 = tpu.memref_slice %arg4[%add3A_92, %dma_start3A_104, %dma_start3A_105] : memref<4096x50x128xf32, #tpu.memory_space<hbm>> -> memref<4x50x128xf32, #tpu.memory_space<hbm>>
    tpu.enqueue_dma source(%arg10 : memref<4x50x128xf32, #tpu.memory_space<vmem>>) target(%dma_start3A_106 : memref<4x50x128xf32, #tpu.memory_space<hbm>>) target_semaphore(%arg16 : memref<!tpu.dma_semaphore, #tpu.memory_space<semaphore_mem>>)
    %add3A_107 = arith.constant 32 : i32
    %add3A_108 = arith.addi %mul3A_2, %add3A_107 : i32
    %mul3A_109 = arith.constant 50 : i32
    %mul3A_110 = arith.muli %add3A_108, %mul3A_109 : i32
    %dma_start3A_111 = tpu.memref_slice %arg2[%mul3A_110] : memref<204800xi32, #tpu.memory_space<hbm>> -> memref<200xi32, #tpu.memory_space<hbm>>
    %dma_start3A_112 = tpu.memref_slice %arg2[%mul3A_110] : memref<204800xi32, #tpu.memory_space<hbm>> -> memref<200xi32, #tpu.memory_space<hbm>>
    tpu.enqueue_dma source(%dma_start3A_112 : memref<200xi32, #tpu.memory_space<hbm>>) target(%arg6 : memref<200xi32, #tpu.memory_space<vmem>>) target_semaphore(%arg14 : memref<!tpu.dma_semaphore, #tpu.memory_space<semaphore_mem>>)
    %add3A_113 = arith.constant 20 : i32
    %add3A_114 = arith.addi %mul3A_2, %add3A_113 : i32
    %dma_wait3A_115 = tpu.memref_slice %arg2[%mul3A_56] : memref<204800xi32, #tpu.memory_space<hbm>> -> memref<200xi32, #tpu.memory_space<hbm>>
    %dma_wait3A_116 = tpu.memref_slice %arg2[%mul3A_56] : memref<204800xi32, #tpu.memory_space<hbm>> -> memref<200xi32, #tpu.memory_space<hbm>>
    tpu.wait_dma2 semaphore(%arg14 : memref<!tpu.dma_semaphore, #tpu.memory_space<semaphore_mem>>) src(%dma_wait3A_116 : memref<200xi32, #tpu.memory_space<hbm>>) dst(%arg7 : memref<200xi32, #tpu.memory_space<vmem>>)
    %dma_wait3A_117 = arith.constant 0 : i32
    %dma_wait3A_118 = arith.constant 0 : i32
    %dma_wait3A_119 = tpu.memref_slice %arg4[%add3A_44, %dma_wait3A_117, %dma_wait3A_118] : memref<4096x50x128xf32, #tpu.memory_space<hbm>> -> memref<4x50x128xf32, #tpu.memory_space<hbm>>
    %dma_wait3A_120 = arith.constant 0 : i32
    %dma_wait3A_121 = arith.constant 0 : i32
    %dma_wait3A_122 = tpu.memref_slice %arg4[%add3A_44, %dma_wait3A_120, %dma_wait3A_121] : memref<4096x50x128xf32, #tpu.memory_space<hbm>> -> memref<4x50x128xf32, #tpu.memory_space<hbm>>
    tpu.wait_dma2 semaphore(%arg16 : memref<!tpu.dma_semaphore, #tpu.memory_space<semaphore_mem>>) src(%arg11 : memref<4x50x128xf32, #tpu.memory_space<vmem>>) dst(%dma_wait3A_122 : memref<4x50x128xf32, #tpu.memory_space<hbm>>)
    %dma_start3A_123 = arith.constant 0 : i32
    %dma_start3A_124 = arith.constant 0 : i32
    %dma_start3A_125 = tpu.memref_slice %arg4[%add3A_114, %dma_start3A_123, %dma_start3A_124] : memref<4096x50x128xf32, #tpu.memory_space<hbm>> -> memref<4x50x128xf32, #tpu.memory_space<hbm>>
    %dma_start3A_126 = arith.constant 0 : i32
    %dma_start3A_127 = arith.constant 0 : i32
    %dma_start3A_128 = tpu.memref_slice %arg4[%add3A_114, %dma_start3A_126, %dma_start3A_127] : memref<4096x50x128xf32, #tpu.memory_space<hbm>> -> memref<4x50x128xf32, #tpu.memory_space<hbm>>
    tpu.enqueue_dma source(%arg11 : memref<4x50x128xf32, #tpu.memory_space<vmem>>) target(%dma_start3A_128 : memref<4x50x128xf32, #tpu.memory_space<hbm>>) target_semaphore(%arg16 : memref<!tpu.dma_semaphore, #tpu.memory_space<semaphore_mem>>)
    %add3A_129 = arith.constant 36 : i32
    %add3A_130 = arith.addi %mul3A_2, %add3A_129 : i32
    %mul3A_131 = arith.constant 50 : i32
    %mul3A_132 = arith.muli %add3A_130, %mul3A_131 : i32
    %dma_start3A_133 = tpu.memref_slice %arg2[%mul3A_132] : memref<204800xi32, #tpu.memory_space<hbm>> -> memref<200xi32, #tpu.memory_space<hbm>>
    %dma_start3A_134 = tpu.memref_slice %arg2[%mul3A_132] : memref<204800xi32, #tpu.memory_space<hbm>> -> memref<200xi32, #tpu.memory_space<hbm>>
    tpu.enqueue_dma source(%dma_start3A_134 : memref<200xi32, #tpu.memory_space<hbm>>) target(%arg7 : memref<200xi32, #tpu.memory_space<vmem>>) target_semaphore(%arg14 : memref<!tpu.dma_semaphore, #tpu.memory_space<semaphore_mem>>)
    %add3A_135 = arith.constant 24 : i32
    %add3A_136 = arith.addi %mul3A_2, %add3A_135 : i32
    %dma_wait3A_137 = tpu.memref_slice %arg2[%mul3A_72] : memref<204800xi32, #tpu.memory_space<hbm>> -> memref<200xi32, #tpu.memory_space<hbm>>
    %dma_wait3A_138 = tpu.memref_slice %arg2[%mul3A_72] : memref<204800xi32, #tpu.memory_space<hbm>> -> memref<200xi32, #tpu.memory_space<hbm>>
    tpu.wait_dma2 semaphore(%arg14 : memref<!tpu.dma_semaphore, #tpu.memory_space<semaphore_mem>>) src(%dma_wait3A_138 : memref<200xi32, #tpu.memory_space<hbm>>) dst(%arg8 : memref<200xi32, #tpu.memory_space<vmem>>)
    %dma_wait3A_139 = arith.constant 0 : i32
    %dma_wait3A_140 = arith.constant 0 : i32
    %dma_wait3A_141 = tpu.memref_slice %arg4[%add3A_60, %dma_wait3A_139, %dma_wait3A_140] : memref<4096x50x128xf32, #tpu.memory_space<hbm>> -> memref<4x50x128xf32, #tpu.memory_space<hbm>>
    %dma_wait3A_142 = arith.constant 0 : i32
    %dma_wait3A_143 = arith.constant 0 : i32
    %dma_wait3A_144 = tpu.memref_slice %arg4[%add3A_60, %dma_wait3A_142, %dma_wait3A_143] : memref<4096x50x128xf32, #tpu.memory_space<hbm>> -> memref<4x50x128xf32, #tpu.memory_space<hbm>>
    tpu.wait_dma2 semaphore(%arg16 : memref<!tpu.dma_semaphore, #tpu.memory_space<semaphore_mem>>) src(%arg12 : memref<4x50x128xf32, #tpu.memory_space<vmem>>) dst(%dma_wait3A_144 : memref<4x50x128xf32, #tpu.memory_space<hbm>>)
    %dma_start3A_145 = arith.constant 0 : i32
    %dma_start3A_146 = arith.constant 0 : i32
    %dma_start3A_147 = tpu.memref_slice %arg4[%add3A_136, %dma_start3A_145, %dma_start3A_146] : memref<4096x50x128xf32, #tpu.memory_space<hbm>> -> memref<4x50x128xf32, #tpu.memory_space<hbm>>
    %dma_start3A_148 = arith.constant 0 : i32
    %dma_start3A_149 = arith.constant 0 : i32
    %dma_start3A_150 = tpu.memref_slice %arg4[%add3A_136, %dma_start3A_148, %dma_start3A_149] : memref<4096x50x128xf32, #tpu.memory_space<hbm>> -> memref<4x50x128xf32, #tpu.memory_space<hbm>>
    tpu.enqueue_dma source(%arg12 : memref<4x50x128xf32, #tpu.memory_space<vmem>>) target(%dma_start3A_150 : memref<4x50x128xf32, #tpu.memory_space<hbm>>) target_semaphore(%arg16 : memref<!tpu.dma_semaphore, #tpu.memory_space<semaphore_mem>>)
    %add3A_151 = arith.constant 40 : i32
    %add3A_152 = arith.addi %mul3A_2, %add3A_151 : i32
    %mul3A_153 = arith.constant 50 : i32
    %mul3A_154 = arith.muli %add3A_152, %mul3A_153 : i32
    %dma_start3A_155 = tpu.memref_slice %arg2[%mul3A_154] : memref<204800xi32, #tpu.memory_space<hbm>> -> memref<200xi32, #tpu.memory_space<hbm>>
    %dma_start3A_156 = tpu.memref_slice %arg2[%mul3A_154] : memref<204800xi32, #tpu.memory_space<hbm>> -> memref<200xi32, #tpu.memory_space<hbm>>
    tpu.enqueue_dma source(%dma_start3A_156 : memref<200xi32, #tpu.memory_space<hbm>>) target(%arg8 : memref<200xi32, #tpu.memory_space<vmem>>) target_semaphore(%arg14 : memref<!tpu.dma_semaphore, #tpu.memory_space<semaphore_mem>>)
    %add3A_157 = arith.constant 28 : i32
    %add3A_158 = arith.addi %mul3A_2, %add3A_157 : i32
    %dma_wait3A_159 = tpu.memref_slice %arg2[%mul3A_88] : memref<204800xi32, #tpu.memory_space<hbm>> -> memref<200xi32, #tpu.memory_space<hbm>>
    %dma_wait3A_160 = tpu.memref_slice %arg2[%mul3A_88] : memref<204800xi32, #tpu.memory_space<hbm>> -> memref<200xi32, #tpu.memory_space<hbm>>
    tpu.wait_dma2 semaphore(%arg14 : memref<!tpu.dma_semaphore, #tpu.memory_space<semaphore_mem>>) src(%dma_wait3A_160 : memref<200xi32, #tpu.memory_space<hbm>>) dst(%arg9 : memref<200xi32, #tpu.memory_space<vmem>>)
    %dma_wait3A_161 = arith.constant 0 : i32
    %dma_wait3A_162 = arith.constant 0 : i32
    %dma_wait3A_163 = tpu.memref_slice %arg4[%add3A_76, %dma_wait3A_161, %dma_wait3A_162] : memref<4096x50x128xf32, #tpu.memory_space<hbm>> -> memref<4x50x128xf32, #tpu.memory_space<hbm>>
    %dma_wait3A_164 = arith.constant 0 : i32
    %dma_wait3A_165 = arith.constant 0 : i32
    %dma_wait3A_166 = tpu.memref_slice %arg4[%add3A_76, %dma_wait3A_164, %dma_wait3A_165] : memref<4096x50x128xf32, #tpu.memory_space<hbm>> -> memref<4x50x128xf32, #tpu.memory_space<hbm>>
    tpu.wait_dma2 semaphore(%arg16 : memref<!tpu.dma_semaphore, #tpu.memory_space<semaphore_mem>>) src(%arg13 : memref<4x50x128xf32, #tpu.memory_space<vmem>>) dst(%dma_wait3A_166 : memref<4x50x128xf32, #tpu.memory_space<hbm>>)
    %dma_start3A_167 = arith.constant 0 : i32
    %dma_start3A_168 = arith.constant 0 : i32
    %dma_start3A_169 = tpu.memref_slice %arg4[%add3A_158, %dma_start3A_167, %dma_start3A_168] : memref<4096x50x128xf32, #tpu.memory_space<hbm>> -> memref<4x50x128xf32, #tpu.memory_space<hbm>>
    %dma_start3A_170 = arith.constant 0 : i32
    %dma_start3A_171 = arith.constant 0 : i32
    %dma_start3A_172 = tpu.memref_slice %arg4[%add3A_158, %dma_start3A_170, %dma_start3A_171] : memref<4096x50x128xf32, #tpu.memory_space<hbm>> -> memref<4x50x128xf32, #tpu.memory_space<hbm>>
    tpu.enqueue_dma source(%arg13 : memref<4x50x128xf32, #tpu.memory_space<vmem>>) target(%dma_start3A_172 : memref<4x50x128xf32, #tpu.memory_space<hbm>>) target_semaphore(%arg16 : memref<!tpu.dma_semaphore, #tpu.memory_space<semaphore_mem>>)
    %add3A_173 = arith.constant 44 : i32
    %add3A_174 = arith.addi %mul3A_2, %add3A_173 : i32
    %mul3A_175 = arith.constant 50 : i32
    %mul3A_176 = arith.muli %add3A_174, %mul3A_175 : i32
    %dma_start3A_177 = tpu.memref_slice %arg2[%mul3A_176] : memref<204800xi32, #tpu.memory_space<hbm>> -> memref<200xi32, #tpu.memory_space<hbm>>
    %dma_start3A_178 = tpu.memref_slice %arg2[%mul3A_176] : memref<204800xi32, #tpu.memory_space<hbm>> -> memref<200xi32, #tpu.memory_space<hbm>>
    tpu.enqueue_dma source(%dma_start3A_178 : memref<200xi32, #tpu.memory_space<hbm>>) target(%arg9 : memref<200xi32, #tpu.memory_space<vmem>>) target_semaphore(%arg14 : memref<!tpu.dma_semaphore, #tpu.memory_space<semaphore_mem>>)
    %add3A_179 = arith.constant 32 : i32
    %add3A_180 = arith.addi %mul3A_2, %add3A_179 : i32
    %dma_wait3A_181 = tpu.memref_slice %arg2[%mul3A_110] : memref<204800xi32, #tpu.memory_space<hbm>> -> memref<200xi32, #tpu.memory_space<hbm>>
    %dma_wait3A_182 = tpu.memref_slice %arg2[%mul3A_110] : memref<204800xi32, #tpu.memory_space<hbm>> -> memref<200xi32, #tpu.memory_space<hbm>>
    tpu.wait_dma2 semaphore(%arg14 : memref<!tpu.dma_semaphore, #tpu.memory_space<semaphore_mem>>) src(%dma_wait3A_182 : memref<200xi32, #tpu.memory_space<hbm>>) dst(%arg6 : memref<200xi32, #tpu.memory_space<vmem>>)
    %dma_wait3A_183 = arith.constant 0 : i32
    %dma_wait3A_184 = arith.constant 0 : i32
    %dma_wait3A_185 = tpu.memref_slice %arg4[%add3A_92, %dma_wait3A_183, %dma_wait3A_184] : memref<4096x50x128xf32, #tpu.memory_space<hbm>> -> memref<4x50x128xf32, #tpu.memory_space<hbm>>
    %dma_wait3A_186 = arith.constant 0 : i32
    %dma_wait3A_187 = arith.constant 0 : i32
    %dma_wait3A_188 = tpu.memref_slice %arg4[%add3A_92, %dma_wait3A_186, %dma_wait3A_187] : memref<4096x50x128xf32, #tpu.memory_space<hbm>> -> memref<4x50x128xf32, #tpu.memory_space<hbm>>
    tpu.wait_dma2 semaphore(%arg16 : memref<!tpu.dma_semaphore, #tpu.memory_space<semaphore_mem>>) src(%arg10 : memref<4x50x128xf32, #tpu.memory_space<vmem>>) dst(%dma_wait3A_188 : memref<4x50x128xf32, #tpu.memory_space<hbm>>)
    %dma_start3A_189 = arith.constant 0 : i32
    %dma_start3A_190 = arith.constant 0 : i32
    %dma_start3A_191 = tpu.memref_slice %arg4[%add3A_180, %dma_start3A_189, %dma_start3A_190] : memref<4096x50x128xf32, #tpu.memory_space<hbm>> -> memref<4x50x128xf32, #tpu.memory_space<hbm>>
    %dma_start3A_192 = arith.constant 0 : i32
    %dma_start3A_193 = arith.constant 0 : i32
    %dma_start3A_194 = tpu.memref_slice %arg4[%add3A_180, %dma_start3A_192, %dma_start3A_193] : memref<4096x50x128xf32, #tpu.memory_space<hbm>> -> memref<4x50x128xf32, #tpu.memory_space<hbm>>
    tpu.enqueue_dma source(%arg10 : memref<4x50x128xf32, #tpu.memory_space<vmem>>) target(%dma_start3A_194 : memref<4x50x128xf32, #tpu.memory_space<hbm>>) target_semaphore(%arg16 : memref<!tpu.dma_semaphore, #tpu.memory_space<semaphore_mem>>)
    %add3A_195 = arith.constant 48 : i32
    %add3A_196 = arith.addi %mul3A_2, %add3A_195 : i32
    %mul3A_197 = arith.constant 50 : i32
    %mul3A_198 = arith.muli %add3A_196, %mul3A_197 : i32
    %dma_start3A_199 = tpu.memref_slice %arg2[%mul3A_198] : memref<204800xi32, #tpu.memory_space<hbm>> -> memref<200xi32, #tpu.memory_space<hbm>>
    %dma_start3A_200 = tpu.memref_slice %arg2[%mul3A_198] : memref<204800xi32, #tpu.memory_space<hbm>> -> memref<200xi32, #tpu.memory_space<hbm>>
    tpu.enqueue_dma source(%dma_start3A_200 : memref<200xi32, #tpu.memory_space<hbm>>) target(%arg6 : memref<200xi32, #tpu.memory_space<vmem>>) target_semaphore(%arg14 : memref<!tpu.dma_semaphore, #tpu.memory_space<semaphore_mem>>)
    %add3A_201 = arith.constant 36 : i32
    %add3A_202 = arith.addi %mul3A_2, %add3A_201 : i32
    %dma_wait3A_203 = tpu.memref_slice %arg2[%mul3A_132] : memref<204800xi32, #tpu.memory_space<hbm>> -> memref<200xi32, #tpu.memory_space<hbm>>
    %dma_wait3A_204 = tpu.memref_slice %arg2[%mul3A_132] : memref<204800xi32, #tpu.memory_space<hbm>> -> memref<200xi32, #tpu.memory_space<hbm>>
    tpu.wait_dma2 semaphore(%arg14 : memref<!tpu.dma_semaphore, #tpu.memory_space<semaphore_mem>>) src(%dma_wait3A_204 : memref<200xi32, #tpu.memory_space<hbm>>) dst(%arg7 : memref<200xi32, #tpu.memory_space<vmem>>)
    %dma_wait3A_205 = arith.constant 0 : i32
    %dma_wait3A_206 = arith.constant 0 : i32
    %dma_wait3A_207 = tpu.memref_slice %arg4[%add3A_114, %dma_wait3A_205, %dma_wait3A_206] : memref<4096x50x128xf32, #tpu.memory_space<hbm>> -> memref<4x50x128xf32, #tpu.memory_space<hbm>>
    %dma_wait3A_208 = arith.constant 0 : i32
    %dma_wait3A_209 = arith.constant 0 : i32
    %dma_wait3A_210 = tpu.memref_slice %arg4[%add3A_114, %dma_wait3A_208, %dma_wait3A_209] : memref<4096x50x128xf32, #tpu.memory_space<hbm>> -> memref<4x50x128xf32, #tpu.memory_space<hbm>>
    tpu.wait_dma2 semaphore(%arg16 : memref<!tpu.dma_semaphore, #tpu.memory_space<semaphore_mem>>) src(%arg11 : memref<4x50x128xf32, #tpu.memory_space<vmem>>) dst(%dma_wait3A_210 : memref<4x50x128xf32, #tpu.memory_space<hbm>>)
    %dma_start3A_211 = arith.constant 0 : i32
    %dma_start3A_212 = arith.constant 0 : i32
    %dma_start3A_213 = tpu.memref_slice %arg4[%add3A_202, %dma_start3A_211, %dma_start3A_212] : memref<4096x50x128xf32, #tpu.memory_space<hbm>> -> memref<4x50x128xf32, #tpu.memory_space<hbm>>
    %dma_start3A_214 = arith.constant 0 : i32
    %dma_start3A_215 = arith.constant 0 : i32
    %dma_start3A_216 = tpu.memref_slice %arg4[%add3A_202, %dma_start3A_214, %dma_start3A_215] : memref<4096x50x128xf32, #tpu.memory_space<hbm>> -> memref<4x50x128xf32, #tpu.memory_space<hbm>>
    tpu.enqueue_dma source(%arg11 : memref<4x50x128xf32, #tpu.memory_space<vmem>>) target(%dma_start3A_216 : memref<4x50x128xf32, #tpu.memory_space<hbm>>) target_semaphore(%arg16 : memref<!tpu.dma_semaphore, #tpu.memory_space<semaphore_mem>>)
    %add3A_217 = arith.constant 52 : i32
    %add3A_218 = arith.addi %mul3A_2, %add3A_217 : i32
    %mul3A_219 = arith.constant 50 : i32
    %mul3A_220 = arith.muli %add3A_218, %mul3A_219 : i32
    %dma_start3A_221 = tpu.memref_slice %arg2[%mul3A_220] : memref<204800xi32, #tpu.memory_space<hbm>> -> memref<200xi32, #tpu.memory_space<hbm>>
    %dma_start3A_222 = tpu.memref_slice %arg2[%mul3A_220] : memref<204800xi32, #tpu.memory_space<hbm>> -> memref<200xi32, #tpu.memory_space<hbm>>
    tpu.enqueue_dma source(%dma_start3A_222 : memref<200xi32, #tpu.memory_space<hbm>>) target(%arg7 : memref<200xi32, #tpu.memory_space<vmem>>) target_semaphore(%arg14 : memref<!tpu.dma_semaphore, #tpu.memory_space<semaphore_mem>>)
    %add3A_223 = arith.constant 40 : i32
    %add3A_224 = arith.addi %mul3A_2, %add3A_223 : i32
    %dma_wait3A_225 = tpu.memref_slice %arg2[%mul3A_154] : memref<204800xi32, #tpu.memory_space<hbm>> -> memref<200xi32, #tpu.memory_space<hbm>>
    %dma_wait3A_226 = tpu.memref_slice %arg2[%mul3A_154] : memref<204800xi32, #tpu.memory_space<hbm>> -> memref<200xi32, #tpu.memory_space<hbm>>
    tpu.wait_dma2 semaphore(%arg14 : memref<!tpu.dma_semaphore, #tpu.memory_space<semaphore_mem>>) src(%dma_wait3A_226 : memref<200xi32, #tpu.memory_space<hbm>>) dst(%arg8 : memref<200xi32, #tpu.memory_space<vmem>>)
    %dma_wait3A_227 = arith.constant 0 : i32
    %dma_wait3A_228 = arith.constant 0 : i32
    %dma_wait3A_229 = tpu.memref_slice %arg4[%add3A_136, %dma_wait3A_227, %dma_wait3A_228] : memref<4096x50x128xf32, #tpu.memory_space<hbm>> -> memref<4x50x128xf32, #tpu.memory_space<hbm>>
    %dma_wait3A_230 = arith.constant 0 : i32
    %dma_wait3A_231 = arith.constant 0 : i32
    %dma_wait3A_232 = tpu.memref_slice %arg4[%add3A_136, %dma_wait3A_230, %dma_wait3A_231] : memref<4096x50x128xf32, #tpu.memory_space<hbm>> -> memref<4x50x128xf32, #tpu.memory_space<hbm>>
    tpu.wait_dma2 semaphore(%arg16 : memref<!tpu.dma_semaphore, #tpu.memory_space<semaphore_mem>>) src(%arg12 : memref<4x50x128xf32, #tpu.memory_space<vmem>>) dst(%dma_wait3A_232 : memref<4x50x128xf32, #tpu.memory_space<hbm>>)
    %dma_start3A_233 = arith.constant 0 : i32
    %dma_start3A_234 = arith.constant 0 : i32
    %dma_start3A_235 = tpu.memref_slice %arg4[%add3A_224, %dma_start3A_233, %dma_start3A_234] : memref<4096x50x128xf32, #tpu.memory_space<hbm>> -> memref<4x50x128xf32, #tpu.memory_space<hbm>>
    %dma_start3A_236 = arith.constant 0 : i32
    %dma_start3A_237 = arith.constant 0 : i32
    %dma_start3A_238 = tpu.memref_slice %arg4[%add3A_224, %dma_start3A_236, %dma_start3A_237] : memref<4096x50x128xf32, #tpu.memory_space<hbm>> -> memref<4x50x128xf32, #tpu.memory_space<hbm>>
    tpu.enqueue_dma source(%arg12 : memref<4x50x128xf32, #tpu.memory_space<vmem>>) target(%dma_start3A_238 : memref<4x50x128xf32, #tpu.memory_space<hbm>>) target_semaphore(%arg16 : memref<!tpu.dma_semaphore, #tpu.memory_space<semaphore_mem>>)
    %add3A_239 = arith.constant 56 : i32
    %add3A_240 = arith.addi %mul3A_2, %add3A_239 : i32
    %mul3A_241 = arith.constant 50 : i32
    %mul3A_242 = arith.muli %add3A_240, %mul3A_241 : i32
    %dma_start3A_243 = tpu.memref_slice %arg2[%mul3A_242] : memref<204800xi32, #tpu.memory_space<hbm>> -> memref<200xi32, #tpu.memory_space<hbm>>
    %dma_start3A_244 = tpu.memref_slice %arg2[%mul3A_242] : memref<204800xi32, #tpu.memory_space<hbm>> -> memref<200xi32, #tpu.memory_space<hbm>>
    tpu.enqueue_dma source(%dma_start3A_244 : memref<200xi32, #tpu.memory_space<hbm>>) target(%arg8 : memref<200xi32, #tpu.memory_space<vmem>>) target_semaphore(%arg14 : memref<!tpu.dma_semaphore, #tpu.memory_space<semaphore_mem>>)
    %add3A_245 = arith.constant 44 : i32
    %add3A_246 = arith.addi %mul3A_2, %add3A_245 : i32
    %dma_wait3A_247 = tpu.memref_slice %arg2[%mul3A_176] : memref<204800xi32, #tpu.memory_space<hbm>> -> memref<200xi32, #tpu.memory_space<hbm>>
    %dma_wait3A_248 = tpu.memref_slice %arg2[%mul3A_176] : memref<204800xi32, #tpu.memory_space<hbm>> -> memref<200xi32, #tpu.memory_space<hbm>>
    tpu.wait_dma2 semaphore(%arg14 : memref<!tpu.dma_semaphore, #tpu.memory_space<semaphore_mem>>) src(%dma_wait3A_248 : memref<200xi32, #tpu.memory_space<hbm>>) dst(%arg9 : memref<200xi32, #tpu.memory_space<vmem>>)
    %dma_wait3A_249 = arith.constant 0 : i32
    %dma_wait3A_250 = arith.constant 0 : i32
    %dma_wait3A_251 = tpu.memref_slice %arg4[%add3A_158, %dma_wait3A_249, %dma_wait3A_250] : memref<4096x50x128xf32, #tpu.memory_space<hbm>> -> memref<4x50x128xf32, #tpu.memory_space<hbm>>
    %dma_wait3A_252 = arith.constant 0 : i32
    %dma_wait3A_253 = arith.constant 0 : i32
    %dma_wait3A_254 = tpu.memref_slice %arg4[%add3A_158, %dma_wait3A_252, %dma_wait3A_253] : memref<4096x50x128xf32, #tpu.memory_space<hbm>> -> memref<4x50x128xf32, #tpu.memory_space<hbm>>
    tpu.wait_dma2 semaphore(%arg16 : memref<!tpu.dma_semaphore, #tpu.memory_space<semaphore_mem>>) src(%arg13 : memref<4x50x128xf32, #tpu.memory_space<vmem>>) dst(%dma_wait3A_254 : memref<4x50x128xf32, #tpu.memory_space<hbm>>)
    %dma_start3A_255 = arith.constant 0 : i32
    %dma_start3A_256 = arith.constant 0 : i32
    %dma_start3A_257 = tpu.memref_slice %arg4[%add3A_246, %dma_start3A_255, %dma_start3A_256] : memref<4096x50x128xf32, #tpu.memory_space<hbm>> -> memref<4x50x128xf32, #tpu.memory_space<hbm>>
    %dma_start3A_258 = arith.constant 0 : i32
    %dma_start3A_259 = arith.constant 0 : i32
    %dma_start3A_260 = tpu.memref_slice %arg4[%add3A_246, %dma_start3A_258, %dma_start3A_259] : memref<4096x50x128xf32, #tpu.memory_space<hbm>> -> memref<4x50x128xf32, #tpu.memory_space<hbm>>
    tpu.enqueue_dma source(%arg13 : memref<4x50x128xf32, #tpu.memory_space<vmem>>) target(%dma_start3A_260 : memref<4x50x128xf32, #tpu.memory_space<hbm>>) target_semaphore(%arg16 : memref<!tpu.dma_semaphore, #tpu.memory_space<semaphore_mem>>)
    %add3A_261 = arith.constant 60 : i32
    %add3A_262 = arith.addi %mul3A_2, %add3A_261 : i32
    %mul3A_263 = arith.constant 50 : i32
    %mul3A_264 = arith.muli %add3A_262, %mul3A_263 : i32
    %dma_start3A_265 = tpu.memref_slice %arg2[%mul3A_264] : memref<204800xi32, #tpu.memory_space<hbm>> -> memref<200xi32, #tpu.memory_space<hbm>>
    %dma_start3A_266 = tpu.memref_slice %arg2[%mul3A_264] : memref<204800xi32, #tpu.memory_space<hbm>> -> memref<200xi32, #tpu.memory_space<hbm>>
    tpu.enqueue_dma source(%dma_start3A_266 : memref<200xi32, #tpu.memory_space<hbm>>) target(%arg9 : memref<200xi32, #tpu.memory_space<vmem>>) target_semaphore(%arg14 : memref<!tpu.dma_semaphore, #tpu.memory_space<semaphore_mem>>)
    %add3A_267 = arith.constant 48 : i32
    %add3A_268 = arith.addi %mul3A_2, %add3A_267 : i32
    %dma_wait3A_269 = tpu.memref_slice %arg2[%mul3A_198] : memref<204800xi32, #tpu.memory_space<hbm>> -> memref<200xi32, #tpu.memory_space<hbm>>
    %dma_wait3A_270 = tpu.memref_slice %arg2[%mul3A_198] : memref<204800xi32, #tpu.memory_space<hbm>> -> memref<200xi32, #tpu.memory_space<hbm>>
    tpu.wait_dma2 semaphore(%arg14 : memref<!tpu.dma_semaphore, #tpu.memory_space<semaphore_mem>>) src(%dma_wait3A_270 : memref<200xi32, #tpu.memory_space<hbm>>) dst(%arg6 : memref<200xi32, #tpu.memory_space<vmem>>)
    %dma_wait3A_271 = arith.constant 0 : i32
    %dma_wait3A_272 = arith.constant 0 : i32
    %dma_wait3A_273 = tpu.memref_slice %arg4[%add3A_180, %dma_wait3A_271, %dma_wait3A_272] : memref<4096x50x128xf32, #tpu.memory_space<hbm>> -> memref<4x50x128xf32, #tpu.memory_space<hbm>>
    %dma_wait3A_274 = arith.constant 0 : i32
    %dma_wait3A_275 = arith.constant 0 : i32
    %dma_wait3A_276 = tpu.memref_slice %arg4[%add3A_180, %dma_wait3A_274, %dma_wait3A_275] : memref<4096x50x128xf32, #tpu.memory_space<hbm>> -> memref<4x50x128xf32, #tpu.memory_space<hbm>>
    tpu.wait_dma2 semaphore(%arg16 : memref<!tpu.dma_semaphore, #tpu.memory_space<semaphore_mem>>) src(%arg10 : memref<4x50x128xf32, #tpu.memory_space<vmem>>) dst(%dma_wait3A_276 : memref<4x50x128xf32, #tpu.memory_space<hbm>>)
    %dma_start3A_277 = arith.constant 0 : i32
    %dma_start3A_278 = arith.constant 0 : i32
    %dma_start3A_279 = tpu.memref_slice %arg4[%add3A_268, %dma_start3A_277, %dma_start3A_278] : memref<4096x50x128xf32, #tpu.memory_space<hbm>> -> memref<4x50x128xf32, #tpu.memory_space<hbm>>
    %dma_start3A_280 = arith.constant 0 : i32
    %dma_start3A_281 = arith.constant 0 : i32
    %dma_start3A_282 = tpu.memref_slice %arg4[%add3A_268, %dma_start3A_280, %dma_start3A_281] : memref<4096x50x128xf32, #tpu.memory_space<hbm>> -> memref<4x50x128xf32, #tpu.memory_space<hbm>>
    tpu.enqueue_dma source(%arg10 : memref<4x50x128xf32, #tpu.memory_space<vmem>>) target(%dma_start3A_282 : memref<4x50x128xf32, #tpu.memory_space<hbm>>) target_semaphore(%arg16 : memref<!tpu.dma_semaphore, #tpu.memory_space<semaphore_mem>>)
    %add3A_283 = arith.constant 64 : i32
    %add3A_284 = arith.addi %mul3A_2, %add3A_283 : i32
    %mul3A_285 = arith.constant 50 : i32
    %mul3A_286 = arith.muli %add3A_284, %mul3A_285 : i32
    %dma_start3A_287 = tpu.memref_slice %arg2[%mul3A_286] : memref<204800xi32, #tpu.memory_space<hbm>> -> memref<200xi32, #tpu.memory_space<hbm>>
    %dma_start3A_288 = tpu.memref_slice %arg2[%mul3A_286] : memref<204800xi32, #tpu.memory_space<hbm>> -> memref<200xi32, #tpu.memory_space<hbm>>
    tpu.enqueue_dma source(%dma_start3A_288 : memref<200xi32, #tpu.memory_space<hbm>>) target(%arg6 : memref<200xi32, #tpu.memory_space<vmem>>) target_semaphore(%arg14 : memref<!tpu.dma_semaphore, #tpu.memory_space<semaphore_mem>>)
    %add3A_289 = arith.constant 52 : i32
    %add3A_290 = arith.addi %mul3A_2, %add3A_289 : i32
    %dma_wait3A_291 = tpu.memref_slice %arg2[%mul3A_220] : memref<204800xi32, #tpu.memory_space<hbm>> -> memref<200xi32, #tpu.memory_space<hbm>>
    %dma_wait3A_292 = tpu.memref_slice %arg2[%mul3A_220] : memref<204800xi32, #tpu.memory_space<hbm>> -> memref<200xi32, #tpu.memory_space<hbm>>
    tpu.wait_dma2 semaphore(%arg14 : memref<!tpu.dma_semaphore, #tpu.memory_space<semaphore_mem>>) src(%dma_wait3A_292 : memref<200xi32, #tpu.memory_space<hbm>>) dst(%arg7 : memref<200xi32, #tpu.memory_space<vmem>>)
    %dma_wait3A_293 = arith.constant 0 : i32
    %dma_wait3A_294 = arith.constant 0 : i32
    %dma_wait3A_295 = tpu.memref_slice %arg4[%add3A_202, %dma_wait3A_293, %dma_wait3A_294] : memref<4096x50x128xf32, #tpu.memory_space<hbm>> -> memref<4x50x128xf32, #tpu.memory_space<hbm>>
    %dma_wait3A_296 = arith.constant 0 : i32
    %dma_wait3A_297 = arith.constant 0 : i32
    %dma_wait3A_298 = tpu.memref_slice %arg4[%add3A_202, %dma_wait3A_296, %dma_wait3A_297] : memref<4096x50x128xf32, #tpu.memory_space<hbm>> -> memref<4x50x128xf32, #tpu.memory_space<hbm>>
    tpu.wait_dma2 semaphore(%arg16 : memref<!tpu.dma_semaphore, #tpu.memory_space<semaphore_mem>>) src(%arg11 : memref<4x50x128xf32, #tpu.memory_space<vmem>>) dst(%dma_wait3A_298 : memref<4x50x128xf32, #tpu.memory_space<hbm>>)
    %dma_start3A_299 = arith.constant 0 : i32
    %dma_start3A_300 = arith.constant 0 : i32
    %dma_start3A_301 = tpu.memref_slice %arg4[%add3A_290, %dma_start3A_299, %dma_start3A_300] : memref<4096x50x128xf32, #tpu.memory_space<hbm>> -> memref<4x50x128xf32, #tpu.memory_space<hbm>>
    %dma_start3A_302 = arith.constant 0 : i32
    %dma_start3A_303 = arith.constant 0 : i32
    %dma_start3A_304 = tpu.memref_slice %arg4[%add3A_290, %dma_start3A_302, %dma_start3A_303] : memref<4096x50x128xf32, #tpu.memory_space<hbm>> -> memref<4x50x128xf32, #tpu.memory_space<hbm>>
    tpu.enqueue_dma source(%arg11 : memref<4x50x128xf32, #tpu.memory_space<vmem>>) target(%dma_start3A_304 : memref<4x50x128xf32, #tpu.memory_space<hbm>>) target_semaphore(%arg16 : memref<!tpu.dma_semaphore, #tpu.memory_space<semaphore_mem>>)
    %add3A_305 = arith.constant 68 : i32
    %add3A_306 = arith.addi %mul3A_2, %add3A_305 : i32
    %mul3A_307 = arith.constant 50 : i32
    %mul3A_308 = arith.muli %add3A_306, %mul3A_307 : i32
    %dma_start3A_309 = tpu.memref_slice %arg2[%mul3A_308] : memref<204800xi32, #tpu.memory_space<hbm>> -> memref<200xi32, #tpu.memory_space<hbm>>
    %dma_start3A_310 = tpu.memref_slice %arg2[%mul3A_308] : memref<204800xi32, #tpu.memory_space<hbm>> -> memref<200xi32, #tpu.memory_space<hbm>>
    tpu.enqueue_dma source(%dma_start3A_310 : memref<200xi32, #tpu.memory_space<hbm>>) target(%arg7 : memref<200xi32, #tpu.memory_space<vmem>>) target_semaphore(%arg14 : memref<!tpu.dma_semaphore, #tpu.memory_space<semaphore_mem>>)
    %add3A_311 = arith.constant 56 : i32
    %add3A_312 = arith.addi %mul3A_2, %add3A_311 : i32
    %dma_wait3A_313 = tpu.memref_slice %arg2[%mul3A_242] : memref<204800xi32, #tpu.memory_space<hbm>> -> memref<200xi32, #tpu.memory_space<hbm>>
    %dma_wait3A_314 = tpu.memref_slice %arg2[%mul3A_242] : memref<204800xi32, #tpu.memory_space<hbm>> -> memref<200xi32, #tpu.memory_space<hbm>>
    tpu.wait_dma2 semaphore(%arg14 : memref<!tpu.dma_semaphore, #tpu.memory_space<semaphore_mem>>) src(%dma_wait3A_314 : memref<200xi32, #tpu.memory_space<hbm>>) dst(%arg8 : memref<200xi32, #tpu.memory_space<vmem>>)
    %dma_wait3A_315 = arith.constant 0 : i32
    %dma_wait3A_316 = arith.constant 0 : i32
    %dma_wait3A_317 = tpu.memref_slice %arg4[%add3A_224, %dma_wait3A_315, %dma_wait3A_316] : memref<4096x50x128xf32, #tpu.memory_space<hbm>> -> memref<4x50x128xf32, #tpu.memory_space<hbm>>
    %dma_wait3A_318 = arith.constant 0 : i32
    %dma_wait3A_319 = arith.constant 0 : i32
    %dma_wait3A_320 = tpu.memref_slice %arg4[%add3A_224, %dma_wait3A_318, %dma_wait3A_319] : memref<4096x50x128xf32, #tpu.memory_space<hbm>> -> memref<4x50x128xf32, #tpu.memory_space<hbm>>
    tpu.wait_dma2 semaphore(%arg16 : memref<!tpu.dma_semaphore, #tpu.memory_space<semaphore_mem>>) src(%arg12 : memref<4x50x128xf32, #tpu.memory_space<vmem>>) dst(%dma_wait3A_320 : memref<4x50x128xf32, #tpu.memory_space<hbm>>)
    %dma_start3A_321 = arith.constant 0 : i32
    %dma_start3A_322 = arith.constant 0 : i32
    %dma_start3A_323 = tpu.memref_slice %arg4[%add3A_312, %dma_start3A_321, %dma_start3A_322] : memref<4096x50x128xf32, #tpu.memory_space<hbm>> -> memref<4x50x128xf32, #tpu.memory_space<hbm>>
    %dma_start3A_324 = arith.constant 0 : i32
    %dma_start3A_325 = arith.constant 0 : i32
    %dma_start3A_326 = tpu.memref_slice %arg4[%add3A_312, %dma_start3A_324, %dma_start3A_325] : memref<4096x50x128xf32, #tpu.memory_space<hbm>> -> memref<4x50x128xf32, #tpu.memory_space<hbm>>
    tpu.enqueue_dma source(%arg12 : memref<4x50x128xf32, #tpu.memory_space<vmem>>) target(%dma_start3A_326 : memref<4x50x128xf32, #tpu.memory_space<hbm>>) target_semaphore(%arg16 : memref<!tpu.dma_semaphore, #tpu.memory_space<semaphore_mem>>)
    %add3A_327 = arith.constant 72 : i32
    %add3A_328 = arith.addi %mul3A_2, %add3A_327 : i32
    %mul3A_329 = arith.constant 50 : i32
    %mul3A_330 = arith.muli %add3A_328, %mul3A_329 : i32
    %dma_start3A_331 = tpu.memref_slice %arg2[%mul3A_330] : memref<204800xi32, #tpu.memory_space<hbm>> -> memref<200xi32, #tpu.memory_space<hbm>>
    %dma_start3A_332 = tpu.memref_slice %arg2[%mul3A_330] : memref<204800xi32, #tpu.memory_space<hbm>> -> memref<200xi32, #tpu.memory_space<hbm>>
    tpu.enqueue_dma source(%dma_start3A_332 : memref<200xi32, #tpu.memory_space<hbm>>) target(%arg8 : memref<200xi32, #tpu.memory_space<vmem>>) target_semaphore(%arg14 : memref<!tpu.dma_semaphore, #tpu.memory_space<semaphore_mem>>)
    %add3A_333 = arith.constant 60 : i32
    %add3A_334 = arith.addi %mul3A_2, %add3A_333 : i32
    %dma_wait3A_335 = tpu.memref_slice %arg2[%mul3A_264] : memref<204800xi32, #tpu.memory_space<hbm>> -> memref<200xi32, #tpu.memory_space<hbm>>
    %dma_wait3A_336 = tpu.memref_slice %arg2[%mul3A_264] : memref<204800xi32, #tpu.memory_space<hbm>> -> memref<200xi32, #tpu.memory_space<hbm>>
    tpu.wait_dma2 semaphore(%arg14 : memref<!tpu.dma_semaphore, #tpu.memory_space<semaphore_mem>>) src(%dma_wait3A_336 : memref<200xi32, #tpu.memory_space<hbm>>) dst(%arg9 : memref<200xi32, #tpu.memory_space<vmem>>)
    %dma_wait3A_337 = arith.constant 0 : i32
    %dma_wait3A_338 = arith.constant 0 : i32
    %dma_wait3A_339 = tpu.memref_slice %arg4[%add3A_246, %dma_wait3A_337, %dma_wait3A_338] : memref<4096x50x128xf32, #tpu.memory_space<hbm>> -> memref<4x50x128xf32, #tpu.memory_space<hbm>>
    %dma_wait3A_340 = arith.constant 0 : i32
    %dma_wait3A_341 = arith.constant 0 : i32
    %dma_wait3A_342 = tpu.memref_slice %arg4[%add3A_246, %dma_wait3A_340, %dma_wait3A_341] : memref<4096x50x128xf32, #tpu.memory_space<hbm>> -> memref<4x50x128xf32, #tpu.memory_space<hbm>>
    tpu.wait_dma2 semaphore(%arg16 : memref<!tpu.dma_semaphore, #tpu.memory_space<semaphore_mem>>) src(%arg13 : memref<4x50x128xf32, #tpu.memory_space<vmem>>) dst(%dma_wait3A_342 : memref<4x50x128xf32, #tpu.memory_space<hbm>>)
    %dma_start3A_343 = arith.constant 0 : i32
    %dma_start3A_344 = arith.constant 0 : i32
    %dma_start3A_345 = tpu.memref_slice %arg4[%add3A_334, %dma_start3A_343, %dma_start3A_344] : memref<4096x50x128xf32, #tpu.memory_space<hbm>> -> memref<4x50x128xf32, #tpu.memory_space<hbm>>
    %dma_start3A_346 = arith.constant 0 : i32
    %dma_start3A_347 = arith.constant 0 : i32
    %dma_start3A_348 = tpu.memref_slice %arg4[%add3A_334, %dma_start3A_346, %dma_start3A_347] : memref<4096x50x128xf32, #tpu.memory_space<hbm>> -> memref<4x50x128xf32, #tpu.memory_space<hbm>>
    tpu.enqueue_dma source(%arg13 : memref<4x50x128xf32, #tpu.memory_space<vmem>>) target(%dma_start3A_348 : memref<4x50x128xf32, #tpu.memory_space<hbm>>) target_semaphore(%arg16 : memref<!tpu.dma_semaphore, #tpu.memory_space<semaphore_mem>>)
    %add3A_349 = arith.constant 76 : i32
    %add3A_350 = arith.addi %mul3A_2, %add3A_349 : i32
    %mul3A_351 = arith.constant 50 : i32
    %mul3A_352 = arith.muli %add3A_350, %mul3A_351 : i32
    %dma_start3A_353 = tpu.memref_slice %arg2[%mul3A_352] : memref<204800xi32, #tpu.memory_space<hbm>> -> memref<200xi32, #tpu.memory_space<hbm>>
    %dma_start3A_354 = tpu.memref_slice %arg2[%mul3A_352] : memref<204800xi32, #tpu.memory_space<hbm>> -> memref<200xi32, #tpu.memory_space<hbm>>
    tpu.enqueue_dma source(%dma_start3A_354 : memref<200xi32, #tpu.memory_space<hbm>>) target(%arg9 : memref<200xi32, #tpu.memory_space<vmem>>) target_semaphore(%arg14 : memref<!tpu.dma_semaphore, #tpu.memory_space<semaphore_mem>>)
    %add3A_355 = arith.constant 64 : i32
    %add3A_356 = arith.addi %mul3A_2, %add3A_355 : i32
    %dma_wait3A_357 = tpu.memref_slice %arg2[%mul3A_286] : memref<204800xi32, #tpu.memory_space<hbm>> -> memref<200xi32, #tpu.memory_space<hbm>>
    %dma_wait3A_358 = tpu.memref_slice %arg2[%mul3A_286] : memref<204800xi32, #tpu.memory_space<hbm>> -> memref<200xi32, #tpu.memory_space<hbm>>
    tpu.wait_dma2 semaphore(%arg14 : memref<!tpu.dma_semaphore, #tpu.memory_space<semaphore_mem>>) src(%dma_wait3A_358 : memref<200xi32, #tpu.memory_space<hbm>>) dst(%arg6 : memref<200xi32, #tpu.memory_space<vmem>>)
    %dma_wait3A_359 = arith.constant 0 : i32
    %dma_wait3A_360 = arith.constant 0 : i32
    %dma_wait3A_361 = tpu.memref_slice %arg4[%add3A_268, %dma_wait3A_359, %dma_wait3A_360] : memref<4096x50x128xf32, #tpu.memory_space<hbm>> -> memref<4x50x128xf32, #tpu.memory_space<hbm>>
    %dma_wait3A_362 = arith.constant 0 : i32
    %dma_wait3A_363 = arith.constant 0 : i32
    %dma_wait3A_364 = tpu.memref_slice %arg4[%add3A_268, %dma_wait3A_362, %dma_wait3A_363] : memref<4096x50x128xf32, #tpu.memory_space<hbm>> -> memref<4x50x128xf32, #tpu.memory_space<hbm>>
    tpu.wait_dma2 semaphore(%arg16 : memref<!tpu.dma_semaphore, #tpu.memory_space<semaphore_mem>>) src(%arg10 : memref<4x50x128xf32, #tpu.memory_space<vmem>>) dst(%dma_wait3A_364 : memref<4x50x128xf32, #tpu.memory_space<hbm>>)
    %dma_start3A_365 = arith.constant 0 : i32
    %dma_start3A_366 = arith.constant 0 : i32
    %dma_start3A_367 = tpu.memref_slice %arg4[%add3A_356, %dma_start3A_365, %dma_start3A_366] : memref<4096x50x128xf32, #tpu.memory_space<hbm>> -> memref<4x50x128xf32, #tpu.memory_space<hbm>>
    %dma_start3A_368 = arith.constant 0 : i32
    %dma_start3A_369 = arith.constant 0 : i32
    %dma_start3A_370 = tpu.memref_slice %arg4[%add3A_356, %dma_start3A_368, %dma_start3A_369] : memref<4096x50x128xf32, #tpu.memory_space<hbm>> -> memref<4x50x128xf32, #tpu.memory_space<hbm>>
    tpu.enqueue_dma source(%arg10 : memref<4x50x128xf32, #tpu.memory_space<vmem>>) target(%dma_start3A_370 : memref<4x50x128xf32, #tpu.memory_space<hbm>>) target_semaphore(%arg16 : memref<!tpu.dma_semaphore, #tpu.memory_space<semaphore_mem>>)
    %add3A_371 = arith.constant 80 : i32
    %add3A_372 = arith.addi %mul3A_2, %add3A_371 : i32
    %mul3A_373 = arith.constant 50 : i32
    %mul3A_374 = arith.muli %add3A_372, %mul3A_373 : i32
    %dma_start3A_375 = tpu.memref_slice %arg2[%mul3A_374] : memref<204800xi32, #tpu.memory_space<hbm>> -> memref<200xi32, #tpu.memory_space<hbm>>
    %dma_start3A_376 = tpu.memref_slice %arg2[%mul3A_374] : memref<204800xi32, #tpu.memory_space<hbm>> -> memref<200xi32, #tpu.memory_space<hbm>>
    tpu.enqueue_dma source(%dma_start3A_376 : memref<200xi32, #tpu.memory_space<hbm>>) target(%arg6 : memref<200xi32, #tpu.memory_space<vmem>>) target_semaphore(%arg14 : memref<!tpu.dma_semaphore, #tpu.memory_space<semaphore_mem>>)
    %add3A_377 = arith.constant 68 : i32
    %add3A_378 = arith.addi %mul3A_2, %add3A_377 : i32
    %dma_wait3A_379 = tpu.memref_slice %arg2[%mul3A_308] : memref<204800xi32, #tpu.memory_space<hbm>> -> memref<200xi32, #tpu.memory_space<hbm>>
    %dma_wait3A_380 = tpu.memref_slice %arg2[%mul3A_308] : memref<204800xi32, #tpu.memory_space<hbm>> -> memref<200xi32, #tpu.memory_space<hbm>>
    tpu.wait_dma2 semaphore(%arg14 : memref<!tpu.dma_semaphore, #tpu.memory_space<semaphore_mem>>) src(%dma_wait3A_380 : memref<200xi32, #tpu.memory_space<hbm>>) dst(%arg7 : memref<200xi32, #tpu.memory_space<vmem>>)
    %dma_wait3A_381 = arith.constant 0 : i32
    %dma_wait3A_382 = arith.constant 0 : i32
    %dma_wait3A_383 = tpu.memref_slice %arg4[%add3A_290, %dma_wait3A_381, %dma_wait3A_382] : memref<4096x50x128xf32, #tpu.memory_space<hbm>> -> memref<4x50x128xf32, #tpu.memory_space<hbm>>
    %dma_wait3A_384 = arith.constant 0 : i32
    %dma_wait3A_385 = arith.constant 0 : i32
    %dma_wait3A_386 = tpu.memref_slice %arg4[%add3A_290, %dma_wait3A_384, %dma_wait3A_385] : memref<4096x50x128xf32, #tpu.memory_space<hbm>> -> memref<4x50x128xf32, #tpu.memory_space<hbm>>
    tpu.wait_dma2 semaphore(%arg16 : memref<!tpu.dma_semaphore, #tpu.memory_space<semaphore_mem>>) src(%arg11 : memref<4x50x128xf32, #tpu.memory_space<vmem>>) dst(%dma_wait3A_386 : memref<4x50x128xf32, #tpu.memory_space<hbm>>)
    %dma_start3A_387 = arith.constant 0 : i32
    %dma_start3A_388 = arith.constant 0 : i32
    %dma_start3A_389 = tpu.memref_slice %arg4[%add3A_378, %dma_start3A_387, %dma_start3A_388] : memref<4096x50x128xf32, #tpu.memory_space<hbm>> -> memref<4x50x128xf32, #tpu.memory_space<hbm>>
    %dma_start3A_390 = arith.constant 0 : i32
    %dma_start3A_391 = arith.constant 0 : i32
    %dma_start3A_392 = tpu.memref_slice %arg4[%add3A_378, %dma_start3A_390, %dma_start3A_391] : memref<4096x50x128xf32, #tpu.memory_space<hbm>> -> memref<4x50x128xf32, #tpu.memory_space<hbm>>
    tpu.enqueue_dma source(%arg11 : memref<4x50x128xf32, #tpu.memory_space<vmem>>) target(%dma_start3A_392 : memref<4x50x128xf32, #tpu.memory_space<hbm>>) target_semaphore(%arg16 : memref<!tpu.dma_semaphore, #tpu.memory_space<semaphore_mem>>)
    %add3A_393 = arith.constant 84 : i32
    %add3A_394 = arith.addi %mul3A_2, %add3A_393 : i32
    %mul3A_395 = arith.constant 50 : i32
    %mul3A_396 = arith.muli %add3A_394, %mul3A_395 : i32
    %dma_start3A_397 = tpu.memref_slice %arg2[%mul3A_396] : memref<204800xi32, #tpu.memory_space<hbm>> -> memref<200xi32, #tpu.memory_space<hbm>>
    %dma_start3A_398 = tpu.memref_slice %arg2[%mul3A_396] : memref<204800xi32, #tpu.memory_space<hbm>> -> memref<200xi32, #tpu.memory_space<hbm>>
    tpu.enqueue_dma source(%dma_start3A_398 : memref<200xi32, #tpu.memory_space<hbm>>) target(%arg7 : memref<200xi32, #tpu.memory_space<vmem>>) target_semaphore(%arg14 : memref<!tpu.dma_semaphore, #tpu.memory_space<semaphore_mem>>)
    %add3A_399 = arith.constant 72 : i32
    %add3A_400 = arith.addi %mul3A_2, %add3A_399 : i32
    %dma_wait3A_401 = tpu.memref_slice %arg2[%mul3A_330] : memref<204800xi32, #tpu.memory_space<hbm>> -> memref<200xi32, #tpu.memory_space<hbm>>
    %dma_wait3A_402 = tpu.memref_slice %arg2[%mul3A_330] : memref<204800xi32, #tpu.memory_space<hbm>> -> memref<200xi32, #tpu.memory_space<hbm>>
    tpu.wait_dma2 semaphore(%arg14 : memref<!tpu.dma_semaphore, #tpu.memory_space<semaphore_mem>>) src(%dma_wait3A_402 : memref<200xi32, #tpu.memory_space<hbm>>) dst(%arg8 : memref<200xi32, #tpu.memory_space<vmem>>)
    %dma_wait3A_403 = arith.constant 0 : i32
    %dma_wait3A_404 = arith.constant 0 : i32
    %dma_wait3A_405 = tpu.memref_slice %arg4[%add3A_312, %dma_wait3A_403, %dma_wait3A_404] : memref<4096x50x128xf32, #tpu.memory_space<hbm>> -> memref<4x50x128xf32, #tpu.memory_space<hbm>>
    %dma_wait3A_406 = arith.constant 0 : i32
    %dma_wait3A_407 = arith.constant 0 : i32
    %dma_wait3A_408 = tpu.memref_slice %arg4[%add3A_312, %dma_wait3A_406, %dma_wait3A_407] : memref<4096x50x128xf32, #tpu.memory_space<hbm>> -> memref<4x50x128xf32, #tpu.memory_space<hbm>>
    tpu.wait_dma2 semaphore(%arg16 : memref<!tpu.dma_semaphore, #tpu.memory_space<semaphore_mem>>) src(%arg12 : memref<4x50x128xf32, #tpu.memory_space<vmem>>) dst(%dma_wait3A_408 : memref<4x50x128xf32, #tpu.memory_space<hbm>>)
    %dma_start3A_409 = arith.constant 0 : i32
    %dma_start3A_410 = arith.constant 0 : i32
    %dma_start3A_411 = tpu.memref_slice %arg4[%add3A_400, %dma_start3A_409, %dma_start3A_410] : memref<4096x50x128xf32, #tpu.memory_space<hbm>> -> memref<4x50x128xf32, #tpu.memory_space<hbm>>
    %dma_start3A_412 = arith.constant 0 : i32
    %dma_start3A_413 = arith.constant 0 : i32
    %dma_start3A_414 = tpu.memref_slice %arg4[%add3A_400, %dma_start3A_412, %dma_start3A_413] : memref<4096x50x128xf32, #tpu.memory_space<hbm>> -> memref<4x50x128xf32, #tpu.memory_space<hbm>>
    tpu.enqueue_dma source(%arg12 : memref<4x50x128xf32, #tpu.memory_space<vmem>>) target(%dma_start3A_414 : memref<4x50x128xf32, #tpu.memory_space<hbm>>) target_semaphore(%arg16 : memref<!tpu.dma_semaphore, #tpu.memory_space<semaphore_mem>>)
    %add3A_415 = arith.constant 88 : i32
    %add3A_416 = arith.addi %mul3A_2, %add3A_415 : i32
    %mul3A_417 = arith.constant 50 : i32
    %mul3A_418 = arith.muli %add3A_416, %mul3A_417 : i32
    %dma_start3A_419 = tpu.memref_slice %arg2[%mul3A_418] : memref<204800xi32, #tpu.memory_space<hbm>> -> memref<200xi32, #tpu.memory_space<hbm>>
    %dma_start3A_420 = tpu.memref_slice %arg2[%mul3A_418] : memref<204800xi32, #tpu.memory_space<hbm>> -> memref<200xi32, #tpu.memory_space<hbm>>
    tpu.enqueue_dma source(%dma_start3A_420 : memref<200xi32, #tpu.memory_space<hbm>>) target(%arg8 : memref<200xi32, #tpu.memory_space<vmem>>) target_semaphore(%arg14 : memref<!tpu.dma_semaphore, #tpu.memory_space<semaphore_mem>>)
    %add3A_421 = arith.constant 76 : i32
    %add3A_422 = arith.addi %mul3A_2, %add3A_421 : i32
    %dma_wait3A_423 = tpu.memref_slice %arg2[%mul3A_352] : memref<204800xi32, #tpu.memory_space<hbm>> -> memref<200xi32, #tpu.memory_space<hbm>>
    %dma_wait3A_424 = tpu.memref_slice %arg2[%mul3A_352] : memref<204800xi32, #tpu.memory_space<hbm>> -> memref<200xi32, #tpu.memory_space<hbm>>
    tpu.wait_dma2 semaphore(%arg14 : memref<!tpu.dma_semaphore, #tpu.memory_space<semaphore_mem>>) src(%dma_wait3A_424 : memref<200xi32, #tpu.memory_space<hbm>>) dst(%arg9 : memref<200xi32, #tpu.memory_space<vmem>>)
    %dma_wait3A_425 = arith.constant 0 : i32
    %dma_wait3A_426 = arith.constant 0 : i32
    %dma_wait3A_427 = tpu.memref_slice %arg4[%add3A_334, %dma_wait3A_425, %dma_wait3A_426] : memref<4096x50x128xf32, #tpu.memory_space<hbm>> -> memref<4x50x128xf32, #tpu.memory_space<hbm>>
    %dma_wait3A_428 = arith.constant 0 : i32
    %dma_wait3A_429 = arith.constant 0 : i32
    %dma_wait3A_430 = tpu.memref_slice %arg4[%add3A_334, %dma_wait3A_428, %dma_wait3A_429] : memref<4096x50x128xf32, #tpu.memory_space<hbm>> -> memref<4x50x128xf32, #tpu.memory_space<hbm>>
    tpu.wait_dma2 semaphore(%arg16 : memref<!tpu.dma_semaphore, #tpu.memory_space<semaphore_mem>>) src(%arg13 : memref<4x50x128xf32, #tpu.memory_space<vmem>>) dst(%dma_wait3A_430 : memref<4x50x128xf32, #tpu.memory_space<hbm>>)
    %dma_start3A_431 = arith.constant 0 : i32
    %dma_start3A_432 = arith.constant 0 : i32
    %dma_start3A_433 = tpu.memref_slice %arg4[%add3A_422, %dma_start3A_431, %dma_start3A_432] : memref<4096x50x128xf32, #tpu.memory_space<hbm>> -> memref<4x50x128xf32, #tpu.memory_space<hbm>>
    %dma_start3A_434 = arith.constant 0 : i32
    %dma_start3A_435 = arith.constant 0 : i32
    %dma_start3A_436 = tpu.memref_slice %arg4[%add3A_422, %dma_start3A_434, %dma_start3A_435] : memref<4096x50x128xf32, #tpu.memory_space<hbm>> -> memref<4x50x128xf32, #tpu.memory_space<hbm>>
    tpu.enqueue_dma source(%arg13 : memref<4x50x128xf32, #tpu.memory_space<vmem>>) target(%dma_start3A_436 : memref<4x50x128xf32, #tpu.memory_space<hbm>>) target_semaphore(%arg16 : memref<!tpu.dma_semaphore, #tpu.memory_space<semaphore_mem>>)
    %add3A_437 = arith.constant 92 : i32
    %add3A_438 = arith.addi %mul3A_2, %add3A_437 : i32
    %mul3A_439 = arith.constant 50 : i32
    %mul3A_440 = arith.muli %add3A_438, %mul3A_439 : i32
    %dma_start3A_441 = tpu.memref_slice %arg2[%mul3A_440] : memref<204800xi32, #tpu.memory_space<hbm>> -> memref<200xi32, #tpu.memory_space<hbm>>
    %dma_start3A_442 = tpu.memref_slice %arg2[%mul3A_440] : memref<204800xi32, #tpu.memory_space<hbm>> -> memref<200xi32, #tpu.memory_space<hbm>>
    tpu.enqueue_dma source(%dma_start3A_442 : memref<200xi32, #tpu.memory_space<hbm>>) target(%arg9 : memref<200xi32, #tpu.memory_space<vmem>>) target_semaphore(%arg14 : memref<!tpu.dma_semaphore, #tpu.memory_space<semaphore_mem>>)
    %add3A_443 = arith.constant 80 : i32
    %add3A_444 = arith.addi %mul3A_2, %add3A_443 : i32
    %dma_wait3A_445 = tpu.memref_slice %arg2[%mul3A_374] : memref<204800xi32, #tpu.memory_space<hbm>> -> memref<200xi32, #tpu.memory_space<hbm>>
    %dma_wait3A_446 = tpu.memref_slice %arg2[%mul3A_374] : memref<204800xi32, #tpu.memory_space<hbm>> -> memref<200xi32, #tpu.memory_space<hbm>>
    tpu.wait_dma2 semaphore(%arg14 : memref<!tpu.dma_semaphore, #tpu.memory_space<semaphore_mem>>) src(%dma_wait3A_446 : memref<200xi32, #tpu.memory_space<hbm>>) dst(%arg6 : memref<200xi32, #tpu.memory_space<vmem>>)
    %dma_wait3A_447 = arith.constant 0 : i32
    %dma_wait3A_448 = arith.constant 0 : i32
    %dma_wait3A_449 = tpu.memref_slice %arg4[%add3A_356, %dma_wait3A_447, %dma_wait3A_448] : memref<4096x50x128xf32, #tpu.memory_space<hbm>> -> memref<4x50x128xf32, #tpu.memory_space<hbm>>
    %dma_wait3A_450 = arith.constant 0 : i32
    %dma_wait3A_451 = arith.constant 0 : i32
    %dma_wait3A_452 = tpu.memref_slice %arg4[%add3A_356, %dma_wait3A_450, %dma_wait3A_451] : memref<4096x50x128xf32, #tpu.memory_space<hbm>> -> memref<4x50x128xf32, #tpu.memory_space<hbm>>
    tpu.wait_dma2 semaphore(%arg16 : memref<!tpu.dma_semaphore, #tpu.memory_space<semaphore_mem>>) src(%arg10 : memref<4x50x128xf32, #tpu.memory_space<vmem>>) dst(%dma_wait3A_452 : memref<4x50x128xf32, #tpu.memory_space<hbm>>)
    %dma_start3A_453 = arith.constant 0 : i32
    %dma_start3A_454 = arith.constant 0 : i32
    %dma_start3A_455 = tpu.memref_slice %arg4[%add3A_444, %dma_start3A_453, %dma_start3A_454] : memref<4096x50x128xf32, #tpu.memory_space<hbm>> -> memref<4x50x128xf32, #tpu.memory_space<hbm>>
    %dma_start3A_456 = arith.constant 0 : i32
    %dma_start3A_457 = arith.constant 0 : i32
    %dma_start3A_458 = tpu.memref_slice %arg4[%add3A_444, %dma_start3A_456, %dma_start3A_457] : memref<4096x50x128xf32, #tpu.memory_space<hbm>> -> memref<4x50x128xf32, #tpu.memory_space<hbm>>
    tpu.enqueue_dma source(%arg10 : memref<4x50x128xf32, #tpu.memory_space<vmem>>) target(%dma_start3A_458 : memref<4x50x128xf32, #tpu.memory_space<hbm>>) target_semaphore(%arg16 : memref<!tpu.dma_semaphore, #tpu.memory_space<semaphore_mem>>)
    %add3A_459 = arith.constant 96 : i32
    %add3A_460 = arith.addi %mul3A_2, %add3A_459 : i32
    %mul3A_461 = arith.constant 50 : i32
    %mul3A_462 = arith.muli %add3A_460, %mul3A_461 : i32
    %dma_start3A_463 = tpu.memref_slice %arg2[%mul3A_462] : memref<204800xi32, #tpu.memory_space<hbm>> -> memref<200xi32, #tpu.memory_space<hbm>>
    %dma_start3A_464 = tpu.memref_slice %arg2[%mul3A_462] : memref<204800xi32, #tpu.memory_space<hbm>> -> memref<200xi32, #tpu.memory_space<hbm>>
    tpu.enqueue_dma source(%dma_start3A_464 : memref<200xi32, #tpu.memory_space<hbm>>) target(%arg6 : memref<200xi32, #tpu.memory_space<vmem>>) target_semaphore(%arg14 : memref<!tpu.dma_semaphore, #tpu.memory_space<semaphore_mem>>)
    %add3A_465 = arith.constant 84 : i32
    %add3A_466 = arith.addi %mul3A_2, %add3A_465 : i32
    %dma_wait3A_467 = tpu.memref_slice %arg2[%mul3A_396] : memref<204800xi32, #tpu.memory_space<hbm>> -> memref<200xi32, #tpu.memory_space<hbm>>
    %dma_wait3A_468 = tpu.memref_slice %arg2[%mul3A_396] : memref<204800xi32, #tpu.memory_space<hbm>> -> memref<200xi32, #tpu.memory_space<hbm>>
    tpu.wait_dma2 semaphore(%arg14 : memref<!tpu.dma_semaphore, #tpu.memory_space<semaphore_mem>>) src(%dma_wait3A_468 : memref<200xi32, #tpu.memory_space<hbm>>) dst(%arg7 : memref<200xi32, #tpu.memory_space<vmem>>)
    %dma_wait3A_469 = arith.constant 0 : i32
    %dma_wait3A_470 = arith.constant 0 : i32
    %dma_wait3A_471 = tpu.memref_slice %arg4[%add3A_378, %dma_wait3A_469, %dma_wait3A_470] : memref<4096x50x128xf32, #tpu.memory_space<hbm>> -> memref<4x50x128xf32, #tpu.memory_space<hbm>>
    %dma_wait3A_472 = arith.constant 0 : i32
    %dma_wait3A_473 = arith.constant 0 : i32
    %dma_wait3A_474 = tpu.memref_slice %arg4[%add3A_378, %dma_wait3A_472, %dma_wait3A_473] : memref<4096x50x128xf32, #tpu.memory_space<hbm>> -> memref<4x50x128xf32, #tpu.memory_space<hbm>>
    tpu.wait_dma2 semaphore(%arg16 : memref<!tpu.dma_semaphore, #tpu.memory_space<semaphore_mem>>) src(%arg11 : memref<4x50x128xf32, #tpu.memory_space<vmem>>) dst(%dma_wait3A_474 : memref<4x50x128xf32, #tpu.memory_space<hbm>>)
    %dma_start3A_475 = arith.constant 0 : i32
    %dma_start3A_476 = arith.constant 0 : i32
    %dma_start3A_477 = tpu.memref_slice %arg4[%add3A_466, %dma_start3A_475, %dma_start3A_476] : memref<4096x50x128xf32, #tpu.memory_space<hbm>> -> memref<4x50x128xf32, #tpu.memory_space<hbm>>
    %dma_start3A_478 = arith.constant 0 : i32
    %dma_start3A_479 = arith.constant 0 : i32
    %dma_start3A_480 = tpu.memref_slice %arg4[%add3A_466, %dma_start3A_478, %dma_start3A_479] : memref<4096x50x128xf32, #tpu.memory_space<hbm>> -> memref<4x50x128xf32, #tpu.memory_space<hbm>>
    tpu.enqueue_dma source(%arg11 : memref<4x50x128xf32, #tpu.memory_space<vmem>>) target(%dma_start3A_480 : memref<4x50x128xf32, #tpu.memory_space<hbm>>) target_semaphore(%arg16 : memref<!tpu.dma_semaphore, #tpu.memory_space<semaphore_mem>>)
    %add3A_481 = arith.constant 100 : i32
    %add3A_482 = arith.addi %mul3A_2, %add3A_481 : i32
    %mul3A_483 = arith.constant 50 : i32
    %mul3A_484 = arith.muli %add3A_482, %mul3A_483 : i32
    %dma_start3A_485 = tpu.memref_slice %arg2[%mul3A_484] : memref<204800xi32, #tpu.memory_space<hbm>> -> memref<200xi32, #tpu.memory_space<hbm>>
    %dma_start3A_486 = tpu.memref_slice %arg2[%mul3A_484] : memref<204800xi32, #tpu.memory_space<hbm>> -> memref<200xi32, #tpu.memory_space<hbm>>
    tpu.enqueue_dma source(%dma_start3A_486 : memref<200xi32, #tpu.memory_space<hbm>>) target(%arg7 : memref<200xi32, #tpu.memory_space<vmem>>) target_semaphore(%arg14 : memref<!tpu.dma_semaphore, #tpu.memory_space<semaphore_mem>>)
    %add3A_487 = arith.constant 88 : i32
    %add3A_488 = arith.addi %mul3A_2, %add3A_487 : i32
    %dma_wait3A_489 = tpu.memref_slice %arg2[%mul3A_418] : memref<204800xi32, #tpu.memory_space<hbm>> -> memref<200xi32, #tpu.memory_space<hbm>>
    %dma_wait3A_490 = tpu.memref_slice %arg2[%mul3A_418] : memref<204800xi32, #tpu.memory_space<hbm>> -> memref<200xi32, #tpu.memory_space<hbm>>
    tpu.wait_dma2 semaphore(%arg14 : memref<!tpu.dma_semaphore, #tpu.memory_space<semaphore_mem>>) src(%dma_wait3A_490 : memref<200xi32, #tpu.memory_space<hbm>>) dst(%arg8 : memref<200xi32, #tpu.memory_space<vmem>>)
    %dma_wait3A_491 = arith.constant 0 : i32
    %dma_wait3A_492 = arith.constant 0 : i32
    %dma_wait3A_493 = tpu.memref_slice %arg4[%add3A_400, %dma_wait3A_491, %dma_wait3A_492] : memref<4096x50x128xf32, #tpu.memory_space<hbm>> -> memref<4x50x128xf32, #tpu.memory_space<hbm>>
    %dma_wait3A_494 = arith.constant 0 : i32
    %dma_wait3A_495 = arith.constant 0 : i32
    %dma_wait3A_496 = tpu.memref_slice %arg4[%add3A_400, %dma_wait3A_494, %dma_wait3A_495] : memref<4096x50x128xf32, #tpu.memory_space<hbm>> -> memref<4x50x128xf32, #tpu.memory_space<hbm>>
    tpu.wait_dma2 semaphore(%arg16 : memref<!tpu.dma_semaphore, #tpu.memory_space<semaphore_mem>>) src(%arg12 : memref<4x50x128xf32, #tpu.memory_space<vmem>>) dst(%dma_wait3A_496 : memref<4x50x128xf32, #tpu.memory_space<hbm>>)
    %dma_start3A_497 = arith.constant 0 : i32
    %dma_start3A_498 = arith.constant 0 : i32
    %dma_start3A_499 = tpu.memref_slice %arg4[%add3A_488, %dma_start3A_497, %dma_start3A_498] : memref<4096x50x128xf32, #tpu.memory_space<hbm>> -> memref<4x50x128xf32, #tpu.memory_space<hbm>>
    %dma_start3A_500 = arith.constant 0 : i32
    %dma_start3A_501 = arith.constant 0 : i32
    %dma_start3A_502 = tpu.memref_slice %arg4[%add3A_488, %dma_start3A_500, %dma_start3A_501] : memref<4096x50x128xf32, #tpu.memory_space<hbm>> -> memref<4x50x128xf32, #tpu.memory_space<hbm>>
    tpu.enqueue_dma source(%arg12 : memref<4x50x128xf32, #tpu.memory_space<vmem>>) target(%dma_start3A_502 : memref<4x50x128xf32, #tpu.memory_space<hbm>>) target_semaphore(%arg16 : memref<!tpu.dma_semaphore, #tpu.memory_space<semaphore_mem>>)
    %add3A_503 = arith.constant 104 : i32
    %add3A_504 = arith.addi %mul3A_2, %add3A_503 : i32
    %mul3A_505 = arith.constant 50 : i32
    %mul3A_506 = arith.muli %add3A_504, %mul3A_505 : i32
    %dma_start3A_507 = tpu.memref_slice %arg2[%mul3A_506] : memref<204800xi32, #tpu.memory_space<hbm>> -> memref<200xi32, #tpu.memory_space<hbm>>
    %dma_start3A_508 = tpu.memref_slice %arg2[%mul3A_506] : memref<204800xi32, #tpu.memory_space<hbm>> -> memref<200xi32, #tpu.memory_space<hbm>>
    tpu.enqueue_dma source(%dma_start3A_508 : memref<200xi32, #tpu.memory_space<hbm>>) target(%arg8 : memref<200xi32, #tpu.memory_space<vmem>>) target_semaphore(%arg14 : memref<!tpu.dma_semaphore, #tpu.memory_space<semaphore_mem>>)
    %add3A_509 = arith.constant 92 : i32
    %add3A_510 = arith.addi %mul3A_2, %add3A_509 : i32
    %dma_wait3A_511 = tpu.memref_slice %arg2[%mul3A_440] : memref<204800xi32, #tpu.memory_space<hbm>> -> memref<200xi32, #tpu.memory_space<hbm>>
    %dma_wait3A_512 = tpu.memref_slice %arg2[%mul3A_440] : memref<204800xi32, #tpu.memory_space<hbm>> -> memref<200xi32, #tpu.memory_space<hbm>>
    tpu.wait_dma2 semaphore(%arg14 : memref<!tpu.dma_semaphore, #tpu.memory_space<semaphore_mem>>) src(%dma_wait3A_512 : memref<200xi32, #tpu.memory_space<hbm>>) dst(%arg9 : memref<200xi32, #tpu.memory_space<vmem>>)
    %dma_wait3A_513 = arith.constant 0 : i32
    %dma_wait3A_514 = arith.constant 0 : i32
    %dma_wait3A_515 = tpu.memref_slice %arg4[%add3A_422, %dma_wait3A_513, %dma_wait3A_514] : memref<4096x50x128xf32, #tpu.memory_space<hbm>> -> memref<4x50x128xf32, #tpu.memory_space<hbm>>
    %dma_wait3A_516 = arith.constant 0 : i32
    %dma_wait3A_517 = arith.constant 0 : i32
    %dma_wait3A_518 = tpu.memref_slice %arg4[%add3A_422, %dma_wait3A_516, %dma_wait3A_517] : memref<4096x50x128xf32, #tpu.memory_space<hbm>> -> memref<4x50x128xf32, #tpu.memory_space<hbm>>
    tpu.wait_dma2 semaphore(%arg16 : memref<!tpu.dma_semaphore, #tpu.memory_space<semaphore_mem>>) src(%arg13 : memref<4x50x128xf32, #tpu.memory_space<vmem>>) dst(%dma_wait3A_518 : memref<4x50x128xf32, #tpu.memory_space<hbm>>)
    %dma_start3A_519 = arith.constant 0 : i32
    %dma_start3A_520 = arith.constant 0 : i32
    %dma_start3A_521 = tpu.memref_slice %arg4[%add3A_510, %dma_start3A_519, %dma_start3A_520] : memref<4096x50x128xf32, #tpu.memory_space<hbm>> -> memref<4x50x128xf32, #tpu.memory_space<hbm>>
    %dma_start3A_522 = arith.constant 0 : i32
    %dma_start3A_523 = arith.constant 0 : i32
    %dma_start3A_524 = tpu.memref_slice %arg4[%add3A_510, %dma_start3A_522, %dma_start3A_523] : memref<4096x50x128xf32, #tpu.memory_space<hbm>> -> memref<4x50x128xf32, #tpu.memory_space<hbm>>
    tpu.enqueue_dma source(%arg13 : memref<4x50x128xf32, #tpu.memory_space<vmem>>) target(%dma_start3A_524 : memref<4x50x128xf32, #tpu.memory_space<hbm>>) target_semaphore(%arg16 : memref<!tpu.dma_semaphore, #tpu.memory_space<semaphore_mem>>)
    %add3A_525 = arith.constant 108 : i32
    %add3A_526 = arith.addi %mul3A_2, %add3A_525 : i32
    %mul3A_527 = arith.constant 50 : i32
    %mul3A_528 = arith.muli %add3A_526, %mul3A_527 : i32
    %dma_start3A_529 = tpu.memref_slice %arg2[%mul3A_528] : memref<204800xi32, #tpu.memory_space<hbm>> -> memref<200xi32, #tpu.memory_space<hbm>>
    %dma_start3A_530 = tpu.memref_slice %arg2[%mul3A_528] : memref<204800xi32, #tpu.memory_space<hbm>> -> memref<200xi32, #tpu.memory_space<hbm>>
    tpu.enqueue_dma source(%dma_start3A_530 : memref<200xi32, #tpu.memory_space<hbm>>) target(%arg9 : memref<200xi32, #tpu.memory_space<vmem>>) target_semaphore(%arg14 : memref<!tpu.dma_semaphore, #tpu.memory_space<semaphore_mem>>)
    %add3A_531 = arith.constant 96 : i32
    %add3A_532 = arith.addi %mul3A_2, %add3A_531 : i32
    %dma_wait3A_533 = tpu.memref_slice %arg2[%mul3A_462] : memref<204800xi32, #tpu.memory_space<hbm>> -> memref<200xi32, #tpu.memory_space<hbm>>
    %dma_wait3A_534 = tpu.memref_slice %arg2[%mul3A_462] : memref<204800xi32, #tpu.memory_space<hbm>> -> memref<200xi32, #tpu.memory_space<hbm>>
    tpu.wait_dma2 semaphore(%arg14 : memref<!tpu.dma_semaphore, #tpu.memory_space<semaphore_mem>>) src(%dma_wait3A_534 : memref<200xi32, #tpu.memory_space<hbm>>) dst(%arg6 : memref<200xi32, #tpu.memory_space<vmem>>)
    %dma_wait3A_535 = arith.constant 0 : i32
    %dma_wait3A_536 = arith.constant 0 : i32
    %dma_wait3A_537 = tpu.memref_slice %arg4[%add3A_444, %dma_wait3A_535, %dma_wait3A_536] : memref<4096x50x128xf32, #tpu.memory_space<hbm>> -> memref<4x50x128xf32, #tpu.memory_space<hbm>>
    %dma_wait3A_538 = arith.constant 0 : i32
    %dma_wait3A_539 = arith.constant 0 : i32
    %dma_wait3A_540 = tpu.memref_slice %arg4[%add3A_444, %dma_wait3A_538, %dma_wait3A_539] : memref<4096x50x128xf32, #tpu.memory_space<hbm>> -> memref<4x50x128xf32, #tpu.memory_space<hbm>>
    tpu.wait_dma2 semaphore(%arg16 : memref<!tpu.dma_semaphore, #tpu.memory_space<semaphore_mem>>) src(%arg10 : memref<4x50x128xf32, #tpu.memory_space<vmem>>) dst(%dma_wait3A_540 : memref<4x50x128xf32, #tpu.memory_space<hbm>>)
    %dma_start3A_541 = arith.constant 0 : i32
    %dma_start3A_542 = arith.constant 0 : i32
    %dma_start3A_543 = tpu.memref_slice %arg4[%add3A_532, %dma_start3A_541, %dma_start3A_542] : memref<4096x50x128xf32, #tpu.memory_space<hbm>> -> memref<4x50x128xf32, #tpu.memory_space<hbm>>
    %dma_start3A_544 = arith.constant 0 : i32
    %dma_start3A_545 = arith.constant 0 : i32
    %dma_start3A_546 = tpu.memref_slice %arg4[%add3A_532, %dma_start3A_544, %dma_start3A_545] : memref<4096x50x128xf32, #tpu.memory_space<hbm>> -> memref<4x50x128xf32, #tpu.memory_space<hbm>>
    tpu.enqueue_dma source(%arg10 : memref<4x50x128xf32, #tpu.memory_space<vmem>>) target(%dma_start3A_546 : memref<4x50x128xf32, #tpu.memory_space<hbm>>) target_semaphore(%arg16 : memref<!tpu.dma_semaphore, #tpu.memory_space<semaphore_mem>>)
    %add3A_547 = arith.constant 112 : i32
    %add3A_548 = arith.addi %mul3A_2, %add3A_547 : i32
    %mul3A_549 = arith.constant 50 : i32
    %mul3A_550 = arith.muli %add3A_548, %mul3A_549 : i32
    %dma_start3A_551 = tpu.memref_slice %arg2[%mul3A_550] : memref<204800xi32, #tpu.memory_space<hbm>> -> memref<200xi32, #tpu.memory_space<hbm>>
    %dma_start3A_552 = tpu.memref_slice %arg2[%mul3A_550] : memref<204800xi32, #tpu.memory_space<hbm>> -> memref<200xi32, #tpu.memory_space<hbm>>
    tpu.enqueue_dma source(%dma_start3A_552 : memref<200xi32, #tpu.memory_space<hbm>>) target(%arg6 : memref<200xi32, #tpu.memory_space<vmem>>) target_semaphore(%arg14 : memref<!tpu.dma_semaphore, #tpu.memory_space<semaphore_mem>>)
    %add3A_553 = arith.constant 100 : i32
    %add3A_554 = arith.addi %mul3A_2, %add3A_553 : i32
    %dma_wait3A_555 = tpu.memref_slice %arg2[%mul3A_484] : memref<204800xi32, #tpu.memory_space<hbm>> -> memref<200xi32, #tpu.memory_space<hbm>>
    %dma_wait3A_556 = tpu.memref_slice %arg2[%mul3A_484] : memref<204800xi32, #tpu.memory_space<hbm>> -> memref<200xi32, #tpu.memory_space<hbm>>
    tpu.wait_dma2 semaphore(%arg14 : memref<!tpu.dma_semaphore, #tpu.memory_space<semaphore_mem>>) src(%dma_wait3A_556 : memref<200xi32, #tpu.memory_space<hbm>>) dst(%arg7 : memref<200xi32, #tpu.memory_space<vmem>>)
    %dma_wait3A_557 = arith.constant 0 : i32
    %dma_wait3A_558 = arith.constant 0 : i32
    %dma_wait3A_559 = tpu.memref_slice %arg4[%add3A_466, %dma_wait3A_557, %dma_wait3A_558] : memref<4096x50x128xf32, #tpu.memory_space<hbm>> -> memref<4x50x128xf32, #tpu.memory_space<hbm>>
    %dma_wait3A_560 = arith.constant 0 : i32
    %dma_wait3A_561 = arith.constant 0 : i32
    %dma_wait3A_562 = tpu.memref_slice %arg4[%add3A_466, %dma_wait3A_560, %dma_wait3A_561] : memref<4096x50x128xf32, #tpu.memory_space<hbm>> -> memref<4x50x128xf32, #tpu.memory_space<hbm>>
    tpu.wait_dma2 semaphore(%arg16 : memref<!tpu.dma_semaphore, #tpu.memory_space<semaphore_mem>>) src(%arg11 : memref<4x50x128xf32, #tpu.memory_space<vmem>>) dst(%dma_wait3A_562 : memref<4x50x128xf32, #tpu.memory_space<hbm>>)
    %dma_start3A_563 = arith.constant 0 : i32
    %dma_start3A_564 = arith.constant 0 : i32
    %dma_start3A_565 = tpu.memref_slice %arg4[%add3A_554, %dma_start3A_563, %dma_start3A_564] : memref<4096x50x128xf32, #tpu.memory_space<hbm>> -> memref<4x50x128xf32, #tpu.memory_space<hbm>>
    %dma_start3A_566 = arith.constant 0 : i32
    %dma_start3A_567 = arith.constant 0 : i32
    %dma_start3A_568 = tpu.memref_slice %arg4[%add3A_554, %dma_start3A_566, %dma_start3A_567] : memref<4096x50x128xf32, #tpu.memory_space<hbm>> -> memref<4x50x128xf32, #tpu.memory_space<hbm>>
    tpu.enqueue_dma source(%arg11 : memref<4x50x128xf32, #tpu.memory_space<vmem>>) target(%dma_start3A_568 : memref<4x50x128xf32, #tpu.memory_space<hbm>>) target_semaphore(%arg16 : memref<!tpu.dma_semaphore, #tpu.memory_space<semaphore_mem>>)
    %add3A_569 = arith.constant 116 : i32
    %add3A_570 = arith.addi %mul3A_2, %add3A_569 : i32
    %mul3A_571 = arith.constant 50 : i32
    %mul3A_572 = arith.muli %add3A_570, %mul3A_571 : i32
    %dma_start3A_573 = tpu.memref_slice %arg2[%mul3A_572] : memref<204800xi32, #tpu.memory_space<hbm>> -> memref<200xi32, #tpu.memory_space<hbm>>
    %dma_start3A_574 = tpu.memref_slice %arg2[%mul3A_572] : memref<204800xi32, #tpu.memory_space<hbm>> -> memref<200xi32, #tpu.memory_space<hbm>>
    tpu.enqueue_dma source(%dma_start3A_574 : memref<200xi32, #tpu.memory_space<hbm>>) target(%arg7 : memref<200xi32, #tpu.memory_space<vmem>>) target_semaphore(%arg14 : memref<!tpu.dma_semaphore, #tpu.memory_space<semaphore_mem>>)
    %add3A_575 = arith.constant 104 : i32
    %add3A_576 = arith.addi %mul3A_2, %add3A_575 : i32
    %dma_wait3A_577 = tpu.memref_slice %arg2[%mul3A_506] : memref<204800xi32, #tpu.memory_space<hbm>> -> memref<200xi32, #tpu.memory_space<hbm>>
    %dma_wait3A_578 = tpu.memref_slice %arg2[%mul3A_506] : memref<204800xi32, #tpu.memory_space<hbm>> -> memref<200xi32, #tpu.memory_space<hbm>>
    tpu.wait_dma2 semaphore(%arg14 : memref<!tpu.dma_semaphore, #tpu.memory_space<semaphore_mem>>) src(%dma_wait3A_578 : memref<200xi32, #tpu.memory_space<hbm>>) dst(%arg8 : memref<200xi32, #tpu.memory_space<vmem>>)
    %dma_wait3A_579 = arith.constant 0 : i32
    %dma_wait3A_580 = arith.constant 0 : i32
    %dma_wait3A_581 = tpu.memref_slice %arg4[%add3A_488, %dma_wait3A_579, %dma_wait3A_580] : memref<4096x50x128xf32, #tpu.memory_space<hbm>> -> memref<4x50x128xf32, #tpu.memory_space<hbm>>
    %dma_wait3A_582 = arith.constant 0 : i32
    %dma_wait3A_583 = arith.constant 0 : i32
    %dma_wait3A_584 = tpu.memref_slice %arg4[%add3A_488, %dma_wait3A_582, %dma_wait3A_583] : memref<4096x50x128xf32, #tpu.memory_space<hbm>> -> memref<4x50x128xf32, #tpu.memory_space<hbm>>
    tpu.wait_dma2 semaphore(%arg16 : memref<!tpu.dma_semaphore, #tpu.memory_space<semaphore_mem>>) src(%arg12 : memref<4x50x128xf32, #tpu.memory_space<vmem>>) dst(%dma_wait3A_584 : memref<4x50x128xf32, #tpu.memory_space<hbm>>)
    %dma_start3A_585 = arith.constant 0 : i32
    %dma_start3A_586 = arith.constant 0 : i32
    %dma_start3A_587 = tpu.memref_slice %arg4[%add3A_576, %dma_start3A_585, %dma_start3A_586] : memref<4096x50x128xf32, #tpu.memory_space<hbm>> -> memref<4x50x128xf32, #tpu.memory_space<hbm>>
    %dma_start3A_588 = arith.constant 0 : i32
    %dma_start3A_589 = arith.constant 0 : i32
    %dma_start3A_590 = tpu.memref_slice %arg4[%add3A_576, %dma_start3A_588, %dma_start3A_589] : memref<4096x50x128xf32, #tpu.memory_space<hbm>> -> memref<4x50x128xf32, #tpu.memory_space<hbm>>
    tpu.enqueue_dma source(%arg12 : memref<4x50x128xf32, #tpu.memory_space<vmem>>) target(%dma_start3A_590 : memref<4x50x128xf32, #tpu.memory_space<hbm>>) target_semaphore(%arg16 : memref<!tpu.dma_semaphore, #tpu.memory_space<semaphore_mem>>)
    %add3A_591 = arith.constant 120 : i32
    %add3A_592 = arith.addi %mul3A_2, %add3A_591 : i32
    %mul3A_593 = arith.constant 50 : i32
    %mul3A_594 = arith.muli %add3A_592, %mul3A_593 : i32
    %dma_start3A_595 = tpu.memref_slice %arg2[%mul3A_594] : memref<204800xi32, #tpu.memory_space<hbm>> -> memref<200xi32, #tpu.memory_space<hbm>>
    %dma_start3A_596 = tpu.memref_slice %arg2[%mul3A_594] : memref<204800xi32, #tpu.memory_space<hbm>> -> memref<200xi32, #tpu.memory_space<hbm>>
    tpu.enqueue_dma source(%dma_start3A_596 : memref<200xi32, #tpu.memory_space<hbm>>) target(%arg8 : memref<200xi32, #tpu.memory_space<vmem>>) target_semaphore(%arg14 : memref<!tpu.dma_semaphore, #tpu.memory_space<semaphore_mem>>)
    %add3A_597 = arith.constant 108 : i32
    %add3A_598 = arith.addi %mul3A_2, %add3A_597 : i32
    %dma_wait3A_599 = tpu.memref_slice %arg2[%mul3A_528] : memref<204800xi32, #tpu.memory_space<hbm>> -> memref<200xi32, #tpu.memory_space<hbm>>
    %dma_wait3A_600 = tpu.memref_slice %arg2[%mul3A_528] : memref<204800xi32, #tpu.memory_space<hbm>> -> memref<200xi32, #tpu.memory_space<hbm>>
    tpu.wait_dma2 semaphore(%arg14 : memref<!tpu.dma_semaphore, #tpu.memory_space<semaphore_mem>>) src(%dma_wait3A_600 : memref<200xi32, #tpu.memory_space<hbm>>) dst(%arg9 : memref<200xi32, #tpu.memory_space<vmem>>)
    %dma_wait3A_601 = arith.constant 0 : i32
    %dma_wait3A_602 = arith.constant 0 : i32
    %dma_wait3A_603 = tpu.memref_slice %arg4[%add3A_510, %dma_wait3A_601, %dma_wait3A_602] : memref<4096x50x128xf32, #tpu.memory_space<hbm>> -> memref<4x50x128xf32, #tpu.memory_space<hbm>>
    %dma_wait3A_604 = arith.constant 0 : i32
    %dma_wait3A_605 = arith.constant 0 : i32
    %dma_wait3A_606 = tpu.memref_slice %arg4[%add3A_510, %dma_wait3A_604, %dma_wait3A_605] : memref<4096x50x128xf32, #tpu.memory_space<hbm>> -> memref<4x50x128xf32, #tpu.memory_space<hbm>>
    tpu.wait_dma2 semaphore(%arg16 : memref<!tpu.dma_semaphore, #tpu.memory_space<semaphore_mem>>) src(%arg13 : memref<4x50x128xf32, #tpu.memory_space<vmem>>) dst(%dma_wait3A_606 : memref<4x50x128xf32, #tpu.memory_space<hbm>>)
    %dma_start3A_607 = arith.constant 0 : i32
    %dma_start3A_608 = arith.constant 0 : i32
    %dma_start3A_609 = tpu.memref_slice %arg4[%add3A_598, %dma_start3A_607, %dma_start3A_608] : memref<4096x50x128xf32, #tpu.memory_space<hbm>> -> memref<4x50x128xf32, #tpu.memory_space<hbm>>
    %dma_start3A_610 = arith.constant 0 : i32
    %dma_start3A_611 = arith.constant 0 : i32
    %dma_start3A_612 = tpu.memref_slice %arg4[%add3A_598, %dma_start3A_610, %dma_start3A_611] : memref<4096x50x128xf32, #tpu.memory_space<hbm>> -> memref<4x50x128xf32, #tpu.memory_space<hbm>>
    tpu.enqueue_dma source(%arg13 : memref<4x50x128xf32, #tpu.memory_space<vmem>>) target(%dma_start3A_612 : memref<4x50x128xf32, #tpu.memory_space<hbm>>) target_semaphore(%arg16 : memref<!tpu.dma_semaphore, #tpu.memory_space<semaphore_mem>>)
    %add3A_613 = arith.constant 124 : i32
    %add3A_614 = arith.addi %mul3A_2, %add3A_613 : i32
    %mul3A_615 = arith.constant 50 : i32
    %mul3A_616 = arith.muli %add3A_614, %mul3A_615 : i32
    %dma_start3A_617 = tpu.memref_slice %arg2[%mul3A_616] : memref<204800xi32, #tpu.memory_space<hbm>> -> memref<200xi32, #tpu.memory_space<hbm>>
    %dma_start3A_618 = tpu.memref_slice %arg2[%mul3A_616] : memref<204800xi32, #tpu.memory_space<hbm>> -> memref<200xi32, #tpu.memory_space<hbm>>
    tpu.enqueue_dma source(%dma_start3A_618 : memref<200xi32, #tpu.memory_space<hbm>>) target(%arg9 : memref<200xi32, #tpu.memory_space<vmem>>) target_semaphore(%arg14 : memref<!tpu.dma_semaphore, #tpu.memory_space<semaphore_mem>>)
    %add3A_619 = arith.constant 112 : i32
    %add3A_620 = arith.addi %mul3A_2, %add3A_619 : i32
    %dma_wait3A_621 = tpu.memref_slice %arg2[%mul3A_550] : memref<204800xi32, #tpu.memory_space<hbm>> -> memref<200xi32, #tpu.memory_space<hbm>>
    %dma_wait3A_622 = tpu.memref_slice %arg2[%mul3A_550] : memref<204800xi32, #tpu.memory_space<hbm>> -> memref<200xi32, #tpu.memory_space<hbm>>
    tpu.wait_dma2 semaphore(%arg14 : memref<!tpu.dma_semaphore, #tpu.memory_space<semaphore_mem>>) src(%dma_wait3A_622 : memref<200xi32, #tpu.memory_space<hbm>>) dst(%arg6 : memref<200xi32, #tpu.memory_space<vmem>>)
    %dma_wait3A_623 = arith.constant 0 : i32
    %dma_wait3A_624 = arith.constant 0 : i32
    %dma_wait3A_625 = tpu.memref_slice %arg4[%add3A_532, %dma_wait3A_623, %dma_wait3A_624] : memref<4096x50x128xf32, #tpu.memory_space<hbm>> -> memref<4x50x128xf32, #tpu.memory_space<hbm>>
    %dma_wait3A_626 = arith.constant 0 : i32
    %dma_wait3A_627 = arith.constant 0 : i32
    %dma_wait3A_628 = tpu.memref_slice %arg4[%add3A_532, %dma_wait3A_626, %dma_wait3A_627] : memref<4096x50x128xf32, #tpu.memory_space<hbm>> -> memref<4x50x128xf32, #tpu.memory_space<hbm>>
    tpu.wait_dma2 semaphore(%arg16 : memref<!tpu.dma_semaphore, #tpu.memory_space<semaphore_mem>>) src(%arg10 : memref<4x50x128xf32, #tpu.memory_space<vmem>>) dst(%dma_wait3A_628 : memref<4x50x128xf32, #tpu.memory_space<hbm>>)
    %dma_start3A_629 = arith.constant 0 : i32
    %dma_start3A_630 = arith.constant 0 : i32
    %dma_start3A_631 = tpu.memref_slice %arg4[%add3A_620, %dma_start3A_629, %dma_start3A_630] : memref<4096x50x128xf32, #tpu.memory_space<hbm>> -> memref<4x50x128xf32, #tpu.memory_space<hbm>>
    %dma_start3A_632 = arith.constant 0 : i32
    %dma_start3A_633 = arith.constant 0 : i32
    %dma_start3A_634 = tpu.memref_slice %arg4[%add3A_620, %dma_start3A_632, %dma_start3A_633] : memref<4096x50x128xf32, #tpu.memory_space<hbm>> -> memref<4x50x128xf32, #tpu.memory_space<hbm>>
    tpu.enqueue_dma source(%arg10 : memref<4x50x128xf32, #tpu.memory_space<vmem>>) target(%dma_start3A_634 : memref<4x50x128xf32, #tpu.memory_space<hbm>>) target_semaphore(%arg16 : memref<!tpu.dma_semaphore, #tpu.memory_space<semaphore_mem>>)
    %add3A_635 = arith.constant 116 : i32
    %add3A_636 = arith.addi %mul3A_2, %add3A_635 : i32
    %dma_wait3A_637 = tpu.memref_slice %arg2[%mul3A_572] : memref<204800xi32, #tpu.memory_space<hbm>> -> memref<200xi32, #tpu.memory_space<hbm>>
    %dma_wait3A_638 = tpu.memref_slice %arg2[%mul3A_572] : memref<204800xi32, #tpu.memory_space<hbm>> -> memref<200xi32, #tpu.memory_space<hbm>>
    tpu.wait_dma2 semaphore(%arg14 : memref<!tpu.dma_semaphore, #tpu.memory_space<semaphore_mem>>) src(%dma_wait3A_638 : memref<200xi32, #tpu.memory_space<hbm>>) dst(%arg7 : memref<200xi32, #tpu.memory_space<vmem>>)
    %dma_wait3A_639 = arith.constant 0 : i32
    %dma_wait3A_640 = arith.constant 0 : i32
    %dma_wait3A_641 = tpu.memref_slice %arg4[%add3A_554, %dma_wait3A_639, %dma_wait3A_640] : memref<4096x50x128xf32, #tpu.memory_space<hbm>> -> memref<4x50x128xf32, #tpu.memory_space<hbm>>
    %dma_wait3A_642 = arith.constant 0 : i32
    %dma_wait3A_643 = arith.constant 0 : i32
    %dma_wait3A_644 = tpu.memref_slice %arg4[%add3A_554, %dma_wait3A_642, %dma_wait3A_643] : memref<4096x50x128xf32, #tpu.memory_space<hbm>> -> memref<4x50x128xf32, #tpu.memory_space<hbm>>
    tpu.wait_dma2 semaphore(%arg16 : memref<!tpu.dma_semaphore, #tpu.memory_space<semaphore_mem>>) src(%arg11 : memref<4x50x128xf32, #tpu.memory_space<vmem>>) dst(%dma_wait3A_644 : memref<4x50x128xf32, #tpu.memory_space<hbm>>)
    %dma_start3A_645 = arith.constant 0 : i32
    %dma_start3A_646 = arith.constant 0 : i32
    %dma_start3A_647 = tpu.memref_slice %arg4[%add3A_636, %dma_start3A_645, %dma_start3A_646] : memref<4096x50x128xf32, #tpu.memory_space<hbm>> -> memref<4x50x128xf32, #tpu.memory_space<hbm>>
    %dma_start3A_648 = arith.constant 0 : i32
    %dma_start3A_649 = arith.constant 0 : i32
    %dma_start3A_650 = tpu.memref_slice %arg4[%add3A_636, %dma_start3A_648, %dma_start3A_649] : memref<4096x50x128xf32, #tpu.memory_space<hbm>> -> memref<4x50x128xf32, #tpu.memory_space<hbm>>
    tpu.enqueue_dma source(%arg11 : memref<4x50x128xf32, #tpu.memory_space<vmem>>) target(%dma_start3A_650 : memref<4x50x128xf32, #tpu.memory_space<hbm>>) target_semaphore(%arg16 : memref<!tpu.dma_semaphore, #tpu.memory_space<semaphore_mem>>)
    %add3A_651 = arith.constant 120 : i32
    %add3A_652 = arith.addi %mul3A_2, %add3A_651 : i32
    %dma_wait3A_653 = tpu.memref_slice %arg2[%mul3A_594] : memref<204800xi32, #tpu.memory_space<hbm>> -> memref<200xi32, #tpu.memory_space<hbm>>
    %dma_wait3A_654 = tpu.memref_slice %arg2[%mul3A_594] : memref<204800xi32, #tpu.memory_space<hbm>> -> memref<200xi32, #tpu.memory_space<hbm>>
    tpu.wait_dma2 semaphore(%arg14 : memref<!tpu.dma_semaphore, #tpu.memory_space<semaphore_mem>>) src(%dma_wait3A_654 : memref<200xi32, #tpu.memory_space<hbm>>) dst(%arg8 : memref<200xi32, #tpu.memory_space<vmem>>)
    %dma_wait3A_655 = arith.constant 0 : i32
    %dma_wait3A_656 = arith.constant 0 : i32
    %dma_wait3A_657 = tpu.memref_slice %arg4[%add3A_576, %dma_wait3A_655, %dma_wait3A_656] : memref<4096x50x128xf32, #tpu.memory_space<hbm>> -> memref<4x50x128xf32, #tpu.memory_space<hbm>>
    %dma_wait3A_658 = arith.constant 0 : i32
    %dma_wait3A_659 = arith.constant 0 : i32
    %dma_wait3A_660 = tpu.memref_slice %arg4[%add3A_576, %dma_wait3A_658, %dma_wait3A_659] : memref<4096x50x128xf32, #tpu.memory_space<hbm>> -> memref<4x50x128xf32, #tpu.memory_space<hbm>>
    tpu.wait_dma2 semaphore(%arg16 : memref<!tpu.dma_semaphore, #tpu.memory_space<semaphore_mem>>) src(%arg12 : memref<4x50x128xf32, #tpu.memory_space<vmem>>) dst(%dma_wait3A_660 : memref<4x50x128xf32, #tpu.memory_space<hbm>>)
    %dma_start3A_661 = arith.constant 0 : i32
    %dma_start3A_662 = arith.constant 0 : i32
    %dma_start3A_663 = tpu.memref_slice %arg4[%add3A_652, %dma_start3A_661, %dma_start3A_662] : memref<4096x50x128xf32, #tpu.memory_space<hbm>> -> memref<4x50x128xf32, #tpu.memory_space<hbm>>
    %dma_start3A_664 = arith.constant 0 : i32
    %dma_start3A_665 = arith.constant 0 : i32
    %dma_start3A_666 = tpu.memref_slice %arg4[%add3A_652, %dma_start3A_664, %dma_start3A_665] : memref<4096x50x128xf32, #tpu.memory_space<hbm>> -> memref<4x50x128xf32, #tpu.memory_space<hbm>>
    tpu.enqueue_dma source(%arg12 : memref<4x50x128xf32, #tpu.memory_space<vmem>>) target(%dma_start3A_666 : memref<4x50x128xf32, #tpu.memory_space<hbm>>) target_semaphore(%arg16 : memref<!tpu.dma_semaphore, #tpu.memory_space<semaphore_mem>>)
    %add3A_667 = arith.constant 124 : i32
    %add3A_668 = arith.addi %mul3A_2, %add3A_667 : i32
    %dma_wait3A_669 = tpu.memref_slice %arg2[%mul3A_616] : memref<204800xi32, #tpu.memory_space<hbm>> -> memref<200xi32, #tpu.memory_space<hbm>>
    %dma_wait3A_670 = tpu.memref_slice %arg2[%mul3A_616] : memref<204800xi32, #tpu.memory_space<hbm>> -> memref<200xi32, #tpu.memory_space<hbm>>
    tpu.wait_dma2 semaphore(%arg14 : memref<!tpu.dma_semaphore, #tpu.memory_space<semaphore_mem>>) src(%dma_wait3A_670 : memref<200xi32, #tpu.memory_space<hbm>>) dst(%arg9 : memref<200xi32, #tpu.memory_space<vmem>>)
    %dma_wait3A_671 = arith.constant 0 : i32
    %dma_wait3A_672 = arith.constant 0 : i32
    %dma_wait3A_673 = tpu.memref_slice %arg4[%add3A_598, %dma_wait3A_671, %dma_wait3A_672] : memref<4096x50x128xf32, #tpu.memory_space<hbm>> -> memref<4x50x128xf32, #tpu.memory_space<hbm>>
    %dma_wait3A_674 = arith.constant 0 : i32
    %dma_wait3A_675 = arith.constant 0 : i32
    %dma_wait3A_676 = tpu.memref_slice %arg4[%add3A_598, %dma_wait3A_674, %dma_wait3A_675] : memref<4096x50x128xf32, #tpu.memory_space<hbm>> -> memref<4x50x128xf32, #tpu.memory_space<hbm>>
    tpu.wait_dma2 semaphore(%arg16 : memref<!tpu.dma_semaphore, #tpu.memory_space<semaphore_mem>>) src(%arg13 : memref<4x50x128xf32, #tpu.memory_space<vmem>>) dst(%dma_wait3A_676 : memref<4x50x128xf32, #tpu.memory_space<hbm>>)
    %dma_start3A_677 = arith.constant 0 : i32
    %dma_start3A_678 = arith.constant 0 : i32
    %dma_start3A_679 = tpu.memref_slice %arg4[%add3A_668, %dma_start3A_677, %dma_start3A_678] : memref<4096x50x128xf32, #tpu.memory_space<hbm>> -> memref<4x50x128xf32, #tpu.memory_space<hbm>>
    %dma_start3A_680 = arith.constant 0 : i32
    %dma_start3A_681 = arith.constant 0 : i32
    %dma_start3A_682 = tpu.memref_slice %arg4[%add3A_668, %dma_start3A_680, %dma_start3A_681] : memref<4096x50x128xf32, #tpu.memory_space<hbm>> -> memref<4x50x128xf32, #tpu.memory_space<hbm>>
    tpu.enqueue_dma source(%arg13 : memref<4x50x128xf32, #tpu.memory_space<vmem>>) target(%dma_start3A_682 : memref<4x50x128xf32, #tpu.memory_space<hbm>>) target_semaphore(%arg16 : memref<!tpu.dma_semaphore, #tpu.memory_space<semaphore_mem>>)
    %dma_wait3A_683 = arith.constant 0 : i32
    %dma_wait3A_684 = arith.constant 0 : i32
    %dma_wait3A_685 = tpu.memref_slice %arg4[%add3A_620, %dma_wait3A_683, %dma_wait3A_684] : memref<4096x50x128xf32, #tpu.memory_space<hbm>> -> memref<4x50x128xf32, #tpu.memory_space<hbm>>
    %dma_wait3A_686 = arith.constant 0 : i32
    %dma_wait3A_687 = arith.constant 0 : i32
    %dma_wait3A_688 = tpu.memref_slice %arg4[%add3A_620, %dma_wait3A_686, %dma_wait3A_687] : memref<4096x50x128xf32, #tpu.memory_space<hbm>> -> memref<4x50x128xf32, #tpu.memory_space<hbm>>
    tpu.wait_dma2 semaphore(%arg16 : memref<!tpu.dma_semaphore, #tpu.memory_space<semaphore_mem>>) src(%arg10 : memref<4x50x128xf32, #tpu.memory_space<vmem>>) dst(%dma_wait3A_688 : memref<4x50x128xf32, #tpu.memory_space<hbm>>)
    %dma_wait3A_689 = arith.constant 0 : i32
    %dma_wait3A_690 = arith.constant 0 : i32
    %dma_wait3A_691 = tpu.memref_slice %arg4[%add3A_636, %dma_wait3A_689, %dma_wait3A_690] : memref<4096x50x128xf32, #tpu.memory_space<hbm>> -> memref<4x50x128xf32, #tpu.memory_space<hbm>>
    %dma_wait3A_692 = arith.constant 0 : i32
    %dma_wait3A_693 = arith.constant 0 : i32
    %dma_wait3A_694 = tpu.memref_slice %arg4[%add3A_636, %dma_wait3A_692, %dma_wait3A_693] : memref<4096x50x128xf32, #tpu.memory_space<hbm>> -> memref<4x50x128xf32, #tpu.memory_space<hbm>>
    tpu.wait_dma2 semaphore(%arg16 : memref<!tpu.dma_semaphore, #tpu.memory_space<semaphore_mem>>) src(%arg11 : memref<4x50x128xf32, #tpu.memory_space<vmem>>) dst(%dma_wait3A_694 : memref<4x50x128xf32, #tpu.memory_space<hbm>>)
    %dma_wait3A_695 = arith.constant 0 : i32
    %dma_wait3A_696 = arith.constant 0 : i32
    %dma_wait3A_697 = tpu.memref_slice %arg4[%add3A_652, %dma_wait3A_695, %dma_wait3A_696] : memref<4096x50x128xf32, #tpu.memory_space<hbm>> -> memref<4x50x128xf32, #tpu.memory_space<hbm>>
    %dma_wait3A_698 = arith.constant 0 : i32
    %dma_wait3A_699 = arith.constant 0 : i32
    %dma_wait3A_700 = tpu.memref_slice %arg4[%add3A_652, %dma_wait3A_698, %dma_wait3A_699] : memref<4096x50x128xf32, #tpu.memory_space<hbm>> -> memref<4x50x128xf32, #tpu.memory_space<hbm>>
    tpu.wait_dma2 semaphore(%arg16 : memref<!tpu.dma_semaphore, #tpu.memory_space<semaphore_mem>>) src(%arg12 : memref<4x50x128xf32, #tpu.memory_space<vmem>>) dst(%dma_wait3A_700 : memref<4x50x128xf32, #tpu.memory_space<hbm>>)
    %dma_wait3A_701 = arith.constant 0 : i32
    %dma_wait3A_702 = arith.constant 0 : i32
    %dma_wait3A_703 = tpu.memref_slice %arg4[%add3A_668, %dma_wait3A_701, %dma_wait3A_702] : memref<4096x50x128xf32, #tpu.memory_space<hbm>> -> memref<4x50x128xf32, #tpu.memory_space<hbm>>
    %dma_wait3A_704 = arith.constant 0 : i32
    %dma_wait3A_705 = arith.constant 0 : i32
    %dma_wait3A_706 = tpu.memref_slice %arg4[%add3A_668, %dma_wait3A_704, %dma_wait3A_705] : memref<4096x50x128xf32, #tpu.memory_space<hbm>> -> memref<4x50x128xf32, #tpu.memory_space<hbm>>
    tpu.wait_dma2 semaphore(%arg16 : memref<!tpu.dma_semaphore, #tpu.memory_space<semaphore_mem>>) src(%arg13 : memref<4x50x128xf32, #tpu.memory_space<vmem>>) dst(%dma_wait3A_706 : memref<4x50x128xf32, #tpu.memory_space<hbm>>)
    return
  }
}

</mosaic_0001>

<sc_bundles>
// kernel: kernel.3.cloned.1.call-start
scs
__scs_entry_jumppad:
0x0: {  	(pc) =	sbr.rel $0x88, $3  }
0x1: {  	(tag) =	ssettag $0x0;
	lr =	simm.s32 $0x1  }
0x2: {  	[smem:$0x3F9F] =	sst lr;
	_ =	strace $0xD0000000  }
0x3: {  	_ = 	snop  }
0x4: {  	_ = 	snop  }
0x5: {  	_ = 	snop  }
0x6: {  	_ = 	snop  }
0x7: {  	_ = 	snop  }
__scs_overlays_trampoline_lowered:
0x8: {  	[smem:$0x3FAE] =	sst s0  }
0x9: {  	[smem:$0x3FAF] =	sst s1  }
0xa: {  	[smem:$0x3FB0] =	sst s2  }
0xb: {  	[smem:$0x3FB1] =	sst s3  }
0xc: {  	[smem:$0x3FB2] =	sst s4  }
0xd: {  	[smem:$0x3FB3] =	sst s5  }
0xe: {  	[smem:$0x3FB4] =	sst s6  }
0xf: {  	[smem:$0x3FB5] =	sst s7  }
0x10: {  	[smem:$0x3FB6] =	sst s8  }
0x11: {  	[smem:$0x3FB7] =	sst s9;
	s0 =	simm.s32 @!p0 $0x0  }
0x12: {  	s1 =	sld [smem:$0x3F9D];
	s0 =	simm.s32 @p0 $0x1  }
0x13: {  	[smem:$0x3FB8] =	sst s0;
	s0 =	simm.s32 @!p1 $0x0  }
0x14: {  	s2 =	sld [smem:$0x3F9C];
	s0 =	simm.s32 @p1 $0x1  }
0x15: {  	[smem:$0x3FB9] =	sst s0;
	s0 =	simm.s32 @!p2 $0x0  }
0x16: {  	s3 =	sld [smem:$0x3FDB];
	s0 =	simm.s32 @p2 $0x1  }
0x17: {  	s4 =	simm.s32 $0x1BF5;
	[smem:$0x3FBB] =	sst s0  }
0x18: {  	s0 =	sld [smem:$0x3F9E];
	_ =	swait.ge [sflag:s4], $0x0  }
0x19: {  	s7 =	sld [smem:$0x3F9F]  }
0x1a: {  	s8 =	sadd.s32 $0xFFFFE003, lr  }
0x1b: {  	s9 =	sadd.s32 $0xFFFFFEF7, lr;
	s5 =	simm.s32 $0xFFFFFFFF;
	p2 =	slt.u32 s8, $0xFFFFF086  }
0x1c: {  	p1 =	slt.u32 s9, $0xF7A;
	s5 =	simm.s32 @!p2 $0x0  }
0x1d: {  	s5 =	simm.s32 @p1 $0x1;
	p0 =	seq.s32 s7, s2  }
0x1e: {  	s7 =	smul.u32 @!p0 $0xF7A, s2;
	p2 =	seq.s32 @!p0 s5, $0x0  }
0x1f: {  	s9 =	smul.u32 $0xF7A, s1;
	s8 =	simm.s32 @!p0 $0x1BF5;
	p2 =	por !p2, p0  }
0x20: {  	[sflag:s8] =	ssyncset.s32 @!p0 $0xFFFFF086;
	s6 =	sadd.s32 @!p0 s3, s7;
	s7 =	simm.s32 @!p0 $0x108  }
0x21: {  	s3 =	sadd.s32 s3, s9;
	s6 =	sadd.s32 @!p0 $0x88, s6;
	s7 =	simm.s32 @p2 $0x1082  }
0x22: {  	[simem:s7], [sflag:s8] =	dma.local @!p0 [hbm:s6], $0xF7A  }
0x23: {  	s9 =	sor.u32 $0xD0000000, s2;
	s6 =	simm.s32 $0x108;
	_ =	swait.ge @!p0 [sflag:s8], $0x0  }
0x24: {  	s3 =	sadd.s32 $0x88, s3;
	s6 =	simm.s32 @!p1 $0x1082;
	[sflag:s4] =	ssyncset.s32 $0xFFFFF086  }
0x25: {  	[simem:s6], [sflag:s4] =	dma.local [hbm:s3], $0xF7A  }
0x26: {  	[smem:$0x3F9F] =	sst s1;
	(tag) =	ssettag s2;
	_ =	strace s9  }
0x27: {  	s1 =	sld [smem:$0x3FAF]  }
0x28: {  	s2 =	sld [smem:$0x3FB0]  }
0x29: {  	s4 =	sld [smem:$0x3FB2]  }
0x2a: {  	p0 =	seq.s32 s5, $0x0;
	s5 =	sld [smem:$0x3FB3]  }
0x2b: {  	s6 =	sld [smem:$0x3FB4]  }
0x2c: {  	s7 =	sld [smem:$0x3FB5]  }
0x2d: {  	s3 =	simm.s32 $0x108;
	s8 =	sld [smem:$0x3FB6]  }
0x2e: {  	s3 =	simm.s32 @!p0 $0x1082;
	s9 =	sld [smem:$0x3FB7]  }
0x2f: {  	lr =	sadd.s32 s0, s3;
	s0 =	sld [smem:$0x3FAE]  }
0x30: {  	s3 =	sld [smem:$0x3FB1]  }
0x31: {  	[smem:$0x3FBA] =	sst s10  }
0x32: {  	s10 =	sld [smem:$0x3FB8];
	_ =	sdelay $0x3  }
0x33: {  	p0 =	seq.s32 s10, $0x1;
	s10 =	sld [smem:$0x3FBA];
	_ =	sdelay $0x3  }
0x34: {  	[smem:$0x3FBA] =	sst s10  }
0x35: {  	s10 =	sld [smem:$0x3FB9];
	_ =	sdelay $0x3  }
0x36: {  	p1 =	seq.s32 s10, $0x1;
	s10 =	sld [smem:$0x3FBA];
	_ =	sdelay $0x3  }
0x37: {  	[smem:$0x3FBA] =	sst s10  }
0x38: {  	s10 =	sld [smem:$0x3FBB]  }
0x39: {  	_ = 	snop;
	(pc) =	sbr.ind lr, $3  }
0x3a: {  	_ = 	snop  }
0x3b: {  	_ = 	snop  }
0x3c: {  	p2 =	seq.s32 s10, $0x1;
	s10 =	sld [smem:$0x3FBA]  }
0x3d: {  	_ =	shalt  }
0x3e: {  	_ =	shalt  }
0x3f: {  	_ =	shalt  }
0x40: {  	_ =	shalt  }
0x41: {  	_ =	shalt  }
0x42: {  	_ =	shalt  }
0x43: {  	_ =	shalt  }
0x44: {  	_ =	shalt  }
0x45: {  	_ =	shalt  }
0x46: {  	_ =	shalt  }
0x47: {  	_ =	shalt  }
0x48: {  	_ =	shalt  }
0x49: {  	_ =	shalt  }
0x4a: {  	_ =	shalt  }
0x4b: {  	_ =	shalt  }
0x4c: {  	_ =	shalt  }
0x4d: {  	_ =	shalt  }
0x4e: {  	_ =	shalt  }
0x4f: {  	_ =	shalt  }
0x50: {  	_ =	shalt  }
0x51: {  	_ =	shalt  }
0x52: {  	_ =	shalt  }
0x53: {  	_ =	shalt  }
0x54: {  	_ =	shalt  }
0x55: {  	_ =	shalt  }
0x56: {  	_ =	shalt  }
0x57: {  	_ =	shalt  }
0x58: {  	_ =	shalt  }
0x59: {  	_ =	shalt  }
0x5a: {  	_ =	shalt  }
0x5b: {  	_ =	shalt  }
0x5c: {  	_ =	shalt  }
0x5d: {  	_ =	shalt  }
0x5e: {  	_ =	shalt  }
0x5f: {  	_ =	shalt  }
0x60: {  	_ =	shalt  }
0x61: {  	_ =	shalt  }
0x62: {  	_ =	shalt  }
0x63: {  	_ =	shalt  }
0x64: {  	_ =	shalt  }
0x65: {  	_ =	shalt  }
0x66: {  	_ =	shalt  }
0x67: {  	_ =	shalt  }
0x68: {  	_ =	shalt  }
0x69: {  	_ =	shalt  }
0x6a: {  	_ =	shalt  }
0x6b: {  	_ =	shalt  }
0x6c: {  	_ =	shalt  }
0x6d: {  	_ =	shalt  }
0x6e: {  	_ =	shalt  }
0x6f: {  	_ =	shalt  }
0x70: {  	_ =	shalt  }
0x71: {  	_ =	shalt  }
0x72: {  	_ =	shalt  }
0x73: {  	_ =	shalt  }
0x74: {  	_ =	shalt  }
0x75: {  	_ =	shalt  }
0x76: {  	_ =	shalt  }
0x77: {  	_ =	shalt  }
0x78: {  	_ =	shalt  }
0x79: {  	_ =	shalt  }
0x7a: {  	_ =	shalt  }
0x7b: {  	_ =	shalt  }
0x7c: {  	_ =	shalt  }
0x7d: {  	_ =	shalt  }
0x7e: {  	_ =	shalt  }
0x7f: {  	_ =	shalt  }
0x80: {  	_ =	shalt  }
0x81: {  	_ =	shalt  }
0x82: {  	_ =	shalt  }
0x83: {  	_ =	shalt  }
0x84: {  	_ =	shalt  }
0x85: {  	_ =	shalt  }
0x86: {  	_ =	shalt  }
0x87: {  	_ =	shalt  }
.Lfunc_end0:
.L_simem_size_0:
called_computation_lowered:
.L_overlay_start_0:
0x88: {  	s2 =	sld [smem:$0x3FD9]  }
0x89: {  	s3 =	sld [smem:$0x3FFE];
	_ =	sdelay $0x1  }
0x8a: {  	s1 =	srdreg.scid  }
0x8b: {  	s0 =	sand.u32 $0x1, s1  }
0x8c: {  	s17 =	sshll.u32 s0, $0xA;
	s2 =	sadd.s32 s3, s2  }
0x8d: {  	s2 =	sadd.s32 s2, s17  }
0x8e: {  	[smem:$0x3FC6] =	sst s2  }
0x8f: {  	_ = 	snop  }
0x90: {  	s2 =	sld [smem:$0x3FC8]  }
0x91: {  	s18 =	sld [smem:$0x3FD0];
	(tm) =	ssettm $0x1  }
0x92: {  	s4 =	sld [smem:$0x3FFB];
	_ =	sdelay $0x3  }
0x93: {  	_ =	strace s4  }
0x94: {  	s4 =	sld [smem:$0x3FFC];
	_ =	sdelay $0x3  }
0x95: {  	_ =	strace s4  }
0x96: {  	s4 =	sld [smem:$0x3FFD];
	_ =	sdelay $0x3  }
0x97: {  	_ =	strace s4  }
0x98: {  	_ =	strace $0x8FFFFFFF  }
0x99: {  	s19 =	sld [smem:$0x3FDB];
	_ =	sdelay $0x1  }
0x9a: {  	s5 =	simm.s32 $_scs_section_size  }
0x9b: {  	s6 =	simm.s32 $_size__tile_overlayer_lowered;
	s7 =	simm.s32 $_tile_overlayer_lowered  }
0x9c: {  	s22 =	simm.s32 $0x1BFF;
	s21 =	sshll.u32 s7, $0x1;
	s4 =	sadd.s32 s5, s19  }
0x9d: {  	s8 =	simm.s32 $0x0;
	s20 =	sshll.u32 s6, $0x1;
	s6 =	sadd.s32 s21, s4  }
0x9e: {  	[timem:s8], [sflag:s22] =	dma.local [hbm:s6], s20  }
0x9f: {  	_ =	swait.ge [sflag:s22], s20  }
0xa0: {  	s5 =	ssub.s32 $0x0, s20;
	[sflag:s22] =	ssyncset.done $0x0  }
0xa1: {  	[sflag:s22] =	ssyncadd.s32 s5;
	_ =	sdelay $0x1  }
0xa2: {  	s23 =	simm.s32 $0x1B8B  }
0xa3: {  	_ =	swait.ge [sflag:s23], $0x1  }
0xa4: {  	[sflag:s23] =	ssyncset.done $0x0  }
0xa5: {  	s25 =	simm.s32 $0x1B8E;
	s24 =	sld [smem:$0x3FFE];
	[sflag:s23] =	ssyncadd.s32 $0xFFFFFFFF  }
0xa6: {  	s26 =	simm.s32 $execute0_lowered;
	[smem:$0x3FD2] =	sst s25  }
0xa7: {  	s6 =	sshll.u32 s26, $0x1;
	_ =	strace $0x80000046;
	[dreg:$0x1] =	wrdreg $0xFFFFFFFF  }
0xa8: {  	s28 =	simm.s32 $_size_execute0_lowered;
	s4 =	sadd.s32 s4, s6;
	[dreg:$0x0] =	wrdreg $0x0  }
0xa9: {  	s6 =	sshll.u32 s28, $0x1;
	[dreg:$0x2] =	wrdreg s4  }
0xaa: {  	[dreg:$0x3] =	wrdreg s6  }
0xab: {  	[dreg:$0x4] =	wrdreg $0xC0  }
0xac: {  	_ =	task [dreg:s8], $0x5FFFF  }
0xad: {  	[dreg:$0x1] =	wrdreg $0xFFFFFFFF  }
0xae: {  	[dreg:$0x0] =	wrdreg $0x60  }
0xaf: {  	[dreg:$0x2] =	wrdreg s18  }
0xb0: {  	[dreg:$0x3] =	wrdreg s2  }
0xb1: {  	[dreg:$0x4] =	wrdreg s24  }
0xb2: {  	[dreg:$0x5] =	wrdreg $0x0  }
0xb3: {  	[dreg:$0x6] =	wrdreg $0x9  }
0xb4: {  	_ =	task.clear_ibuf [dreg:s8], $0x7FFFF;
	_ =	strace $0x90000046  }
0xb5: {  	s29 =	simm.s32 $0x9;
	_ =	strace $0x80000048  }
0xb6: {  	_ =	swait.ge [sflag:s29], $0x1  }
0xb7: {  	[sflag:s29] =	ssyncadd.s32 $0xFFFFFFFF  }
0xb8: {  	_ =	strace $0x90000048  }
0xb9: {  	_ =	sfence  }
0xba: {  	s30 =	sld [smem:$0x0];
	_ =	sdelay $0x2  }
0xbb: {  	s31 =	sshll.u32 s1, $0xD;
	s1 =	sshrl.u32 s1, $0x2  }
0xbc: {  	s3 =	sand.u32 $0x4000, s31;
	s1 =	sadd.s32 s1, s30  }
0xbd: {  	s0 =	sor.u32 s3, s0;
	s1 =	sshll.u32 s1, $0x11  }
0xbe: {  	s0 =	sor.u32 s1, s0  }
0xbf: {  	s0 =	sadd.s32 $0x8F2B, s0  }
0xc0: {  	[sflag:s0] =	ssyncadd.remote.s32 $0x1  }
0xc1: {  	_ =	sfence.sel $0xFFFF  }
0xc2: {  	[dreg:$0x0] =	wrdreg $0xFFFFFFFF;
	(pc) =	sbr.abs _section_cstart, $3  }
0xc3: {  	[dreg:$0x1] =	wrdreg $0xFFFFFFFF  }
0xc4: {  	_ =	task.clear_ibuf [dreg:s8], $0x2FFFF;
	_ =	strace $0x9FFFFFFF  }
0xc5: {  	(tm) =	ssettm $0x7FFFFFFF  }
tec
execute0_lowered:
.L_overlay_start_1:
0x0: {  	(tag) =	ssettag $0x1  }
0x1: {  	s0 =	rddreg [dreg:$0x1]  }
0x2: {  	s6 =	srdreg.scid;
	s1 =	stileid.u32  }
0x3: {  	[dreg:$0x5] =	wrdreg s0;
	s0 =	sand.u32 $0x1, s6;
	s1 =	sshll.u32 s1, $0x1  }
0x4: {  	s4 =	rddreg [dreg:$0x0];
	s22 =	sor.u32 s0, s1  }
0x5: {  	s1 =	simm.s32 $0x0;
	s0 =	ssub.s32 $0x2, s0;
	s6 =	sshll.u32 s22, $0x7  }
0x6: {  	s7 =	smul.u32 $0x320, s22;
	[smem:$0x7FF] =	sst s1;
	s23 =	sor.u32 $0x4, s6  }
0x7: {  	s2 =	sshrl.u32 s0, $0x1;
	s24 =	sor.u32 $0x8, s6;
	s8 =	smul.u32 $0x32, s23  }
0x8: {  	_ =	strace $0x80000047;
	s25 =	sor.u32 $0xC, s6;
	s9 =	smul.u32 $0x32, s24  }
0x9: {  	s0 =	ssub.s32 s0, s2;
	s18 =	sor.u32 $0x10, s6;
	s12 =	smul.u32 $0x32, s25  }
0xa: {  	s19 =	sor.u32 $0x14, s6;
	s20 =	sor.u32 $0x18, s6;
	s14 =	smul.u32 $0x32, s18  }
0xb: {  	[smem:$0x7FB] =	sst s0;
	s7 =	sadd.s32 s4, s7;
	s16 =	smul.u32 $0x32, s19  }
0xc: {  	s26 =	smul.u32 $0x32, s20;
	[dreg:$0x6] =	wrdreg s7;
	s8 =	sshrl.u32 s8, $0x3  }
0xd: {  	s11 =	sshrl.u32 s9, $0x3;
	s15 =	sshrl.u32 s12, $0x3;
	s7 =	sshrl.u32 s14, $0x3  }
0xe: {  	s21 =	sshrl.u32 s16, $0x3;
	s3 =	sshrl.u32 s26, $0x3;
	s26 =	sor.u32 $0x34, s6  }
0xf: {  	s14 =	sor.u32 $0x1C, s6;
	s10 =	sadd.s32 s4, s8;
	[smem:$0x7D5] =	sst s26  }
0x10: {  	s16 =	sor.u32 $0x24, s6;
	s13 =	sadd.s32 s4, s11;
	[dreg:$0x7] =	wrdreg s10  }
0x11: {  	s0 =	sadd.s32 s4, s15;
	s17 =	sadd.s32 s4, s7;
	[dreg:$0x8] =	wrdreg s13  }
0x12: {  	s28 =	sadd.s32 s4, s21;
	s2 =	smul.u32 $0x32, s14;
	[dreg:$0x9] =	wrdreg s0  }
0x13: {  	s15 =	sor.u32 $0x20, s6;
	s9 =	smul.u32 $0x32, s16;
	[dreg:$0xa] =	wrdreg s17  }
0x14: {  	[dreg:$0xb] =	wrdreg s28;
	s0 =	sadd.s32 s4, s3;
	s5 =	smul.u32 $0x32, s15  }
0x15: {  	s10 =	sor.u32 $0x28, s6;
	s7 =	sshrl.u32 s2, $0x3;
	[dreg:$0xc] =	wrdreg s0  }
0x16: {  	s12 =	smul.u32 $0x32, s10;
	s13 =	sshrl.u32 s9, $0x3;
	s7 =	sadd.s32 s4, s7  }
0x17: {  	s8 =	sshrl.u32 s5, $0x3;
	s0 =	sadd.s32 s4, s13;
	[dreg:$0xd] =	wrdreg s7  }
0x18: {  	s13 =	smul.u32 $0x32, s26;
	s26 =	sor.u32 $0x3C, s6;
	[dreg:$0xf] =	wrdreg s0  }
0x19: {  	s5 =	sor.u32 $0x30, s6;
	s11 =	sadd.s32 s4, s8;
	[smem:$0x7D9] =	sst s26  }
0x1a: {  	s7 =	sshrl.u32 s12, $0x3;
	s12 =	smul.u32 $0x32, s5;
	[dreg:$0xe] =	wrdreg s11  }
0x1b: {  	s11 =	sor.u32 $0x2C, s6;
	s21 =	sadd.s32 s4, s7;
	s7 =	sor.u32 $0x38, s6  }
0x1c: {  	s8 =	sshrl.u32 s13, $0x3;
	s17 =	smul.u32 $0x32, s11;
	[dreg:$0x10] =	wrdreg s21  }
0x1d: {  	s3 =	sshrl.u32 s12, $0x3;
	[smem:$0x7D7] =	sst s7;
	s12 =	sadd.s32 s4, s8  }
0x1e: {  	s21 =	smul.u32 $0x32, s26;
	s8 =	sor.u32 $0x44, s6;
	[dreg:$0x13] =	wrdreg s12  }
0x1f: {  	s0 =	sadd.s32 s4, s3;
	[smem:$0x7E1] =	sst s8;
	s9 =	sshrl.u32 s17, $0x3  }
0x20: {  	s12 =	smul.u32 $0x32, s8;
	[dreg:$0x12] =	wrdreg s0;
	s28 =	sadd.s32 s4, s9  }
0x21: {  	s9 =	smul.u32 $0x32, s7;
	s7 =	sshrl.u32 s21, $0x3;
	s21 =	sor.u32 $0x48, s6  }
0x22: {  	[dreg:$0x11] =	wrdreg s28;
	s28 =	sor.u32 $0x40, s6;
	s0 =	sadd.s32 s4, s7  }
0x23: {  	s7 =	smul.u32 $0x380, s23;
	s23 =	sor.u32 $0x50, s6;
	[smem:$0x7DC] =	sst s28  }
0x24: {  	s17 =	sshrl.u32 s9, $0x3;
	s26 =	smul.u32 $0x32, s28;
	[dreg:$0x15] =	wrdreg s0  }
0x25: {  	s28 =	smul.u32 $0x32, s21;
	s3 =	sadd.s32 s4, s17;
	[smem:$0x7DD] =	sst s7  }
0x26: {  	s30 =	smul.u32 $0x32, s23;
	s17 =	sshrl.u32 s12, $0x3;
	[dreg:$0x14] =	wrdreg s3  }
0x27: {  	s9 =	sshrl.u32 s26, $0x3;
	s26 =	smul.u32 $0x1C000, s22;
	s0 =	sadd.s32 s4, s17  }
0x28: {  	s22 =	sor.u32 $0x4C, s6;
	s12 =	sshrl.u32 s30, $0x3;
	s30 =	smul.u32 $0x380, s25  }
0x29: {  	s3 =	sshrl.u32 s28, $0x3;
	s25 =	sor.u32 $0x58, s6;
	s28 =	smul.u32 $0x380, s19  }
0x2a: {  	s13 =	sadd.s32 s4, s9;
	[dreg:$0x17] =	wrdreg s0;
	s29 =	smul.u32 $0x32, s22  }
0x2b: {  	s19 =	sor.u32 $0x60, s6;
	s9 =	smul.u32 $0x380, s24;
	[dreg:$0x16] =	wrdreg s13  }
0x2c: {  	s0 =	sadd.s32 s4, s3;
	s17 =	smul.u32 $0x32, s25;
	[smem:$0x7DA] =	sst s26  }
0x2d: {  	s24 =	sor.u32 $0x54, s6;
	s3 =	smul.u32 $0x32, s19;
	[dreg:$0x18] =	wrdreg s0  }
0x2e: {  	s31 =	smul.u32 $0x32, s24;
	s8 =	sshrl.u32 s29, $0x3;
	[smem:$0x7DF] =	sst s9  }
0x2f: {  	s2 =	sshrl.u32 s17, $0x3;
	s7 =	sshrl.u32 s3, $0x3;
	s17 =	smul.u32 $0x380, s14  }
0x30: {  	s14 =	sor.u32 $0x68, s6;
	s29 =	sld [smem:$0x7DD];
	s0 =	sadd.s32 s4, s8  }
0x31: {  	s13 =	sshrl.u32 s31, $0x3;
	s31 =	smul.u32 $0x380, s18;
	s18 =	sor.u32 $0x5C, s6  }
0x32: {  	[dreg:$0x19] =	wrdreg s0;
	s0 =	sadd.s32 s4, s12;
	s26 =	smul.u32 $0x32, s18  }
0x33: {  	s2 =	sadd.s32 s4, s2;
	s12 =	smul.u32 $0x32, s14;
	[dreg:$0x1a] =	wrdreg s0  }
0x34: {  	s0 =	sadd.s32 s4, s13;
	s13 =	smul.u32 $0x380, s15;
	s15 =	sor.u32 $0x6C, s6  }
0x35: {  	[dreg:$0x1b] =	wrdreg s0;
	s0 =	sshrl.u32 s26, $0x3;
	s26 =	smul.u32 $0x380, s20  }
0x36: {  	[dreg:$0x1c] =	wrdreg s2;
	s20 =	sor.u32 $0x64, s6;
	s3 =	smul.u32 $0x32, s15  }
0x37: {  	s2 =	sshrl.u32 s12, $0x3;
	s0 =	sadd.s32 s4, s0;
	s8 =	smul.u32 $0x32, s20  }
0x38: {  	s12 =	smul.u32 $0x380, s16;
	s16 =	sor.u32 $0x70, s6;
	[dreg:$0x1d] =	wrdreg s0  }
0x39: {  	s0 =	sadd.s32 s4, s7;
	s7 =	sshrl.u32 s3, $0x3;
	s9 =	sshrl.u32 s8, $0x3  }
0x3a: {  	[dreg:$0x1e] =	wrdreg s0;
	s8 =	smul.u32 $0x32, s16;
	s0 =	sadd.s32 s4, s9  }
0x3b: {  	s9 =	smul.u32 $0x380, s10;
	s10 =	sor.u32 $0x74, s6;
	[dreg:$0x1f] =	wrdreg s0  }
0x3c: {  	s0 =	sadd.s32 s4, s2;
	s2 =	sshrl.u32 s8, $0x3;
	s3 =	smul.u32 $0x32, s10  }
0x3d: {  	s8 =	smul.u32 $0x380, s11;
	[smem:$0x7D1] =	sst s0;
	s0 =	sadd.s32 s4, s7  }
0x3e: {  	s11 =	sor.u32 $0x78, s6;
	s7 =	sor.u32 $0x7C, s6;
	[smem:$0x7D2] =	sst s0  }
0x3f: {  	s0 =	sadd.s32 s4, s2;
	s2 =	sshrl.u32 s3, $0x3;
	s3 =	smul.u32 $0x32, s11  }
0x40: {  	[smem:$0x7D3] =	sst s0;
	s6 =	sadd.s32 s4, s2;
	s2 =	smul.u32 $0x32, s7  }
0x41: {  	s0 =	stileid.u32;
	[smem:$0x7D4] =	sst s6  }
0x42: {  	s6 =	smul.u32 $0x380, s5;
	s3 =	sshrl.u32 s3, $0x3;
	s5 =	sld [smem:$0x7D5]  }
0x43: {  	p0 =	sne.s32 s0, $0x0;
	s0 =	sld [smem:$0x7DA];
	s2 =	sshrl.u32 s2, $0x3  }
0x44: {  	s3 =	sadd.s32 s4, s3;
	s2 =	sadd.s32 s4, s2;
	s4 =	sld [smem:$0x7D7]  }
0x45: {  	[smem:$0x7D8] =	sst s2  }
0x46: {  	s2 =	rddreg [dreg:$0x2]  }
0x47: {  	[smem:$0x7D6] =	sst s3;
	s2 =	sadd.s32 $0x400, s2  }
0x48: {  	s3 =	smul.u32 $0x380, s4;
	s4 =	sld [smem:$0x7D9];
	s0 =	sadd.s32 s2, s0  }
0x49: {  	[smem:$0x7DB] =	sst s0  }
0x4a: {  	s29 =	sadd.s32 s2, s29;
	s0 =	sld [smem:$0x7DC]  }
0x4b: {  	p1 =	por $0x0, $0x0;
	[smem:$0x7DE] =	sst s29  }
0x4c: {  	s21 =	smul.u32 $0x380, s21;
	s30 =	sadd.s32 s2, s30;
	s29 =	sld [smem:$0x7DF]  }
0x4d: {  	s22 =	smul.u32 $0x380, s22;
	s28 =	sadd.s32 s2, s28;
	[smem:$0x7E2] =	sst s30  }
0x4e: {  	s14 =	smul.u32 $0x380, s14;
	s26 =	sadd.s32 s2, s26;
	[smem:$0x7E4] =	sst s28  }
0x4f: {  	s5 =	smul.u32 $0x380, s5;
	s13 =	sadd.s32 s2, s13;
	[smem:$0x7E5] =	sst s26  }
0x50: {  	s17 =	sadd.s32 s2, s17;
	[smem:$0x7E7] =	sst s13;
	s13 =	smul.u32 $0x380, s23  }
0x51: {  	s6 =	sadd.s32 s2, s6;
	[smem:$0x7E6] =	sst s17;
	s17 =	smul.u32 $0x380, s24  }
0x52: {  	s12 =	sadd.s32 s2, s12;
	[smem:$0x7EB] =	sst s6;
	s6 =	smul.u32 $0x380, s25  }
0x53: {  	s9 =	sadd.s32 s2, s9;
	[smem:$0x7E8] =	sst s12;
	s23 =	smul.u32 $0x380, s18  }
0x54: {  	s8 =	sadd.s32 s2, s8;
	[smem:$0x7E9] =	sst s9;
	s24 =	smul.u32 $0x380, s19  }
0x55: {  	s5 =	sadd.s32 s2, s5;
	[smem:$0x7EA] =	sst s8;
	s28 =	smul.u32 $0x380, s20  }
0x56: {  	s30 =	sadd.s32 s2, s31;
	[smem:$0x7EC] =	sst s5;
	s18 =	smul.u32 $0x380, s15  }
0x57: {  	s26 =	sadd.s32 s2, s21;
	s12 =	sadd.s32 s2, s22;
	s19 =	smul.u32 $0x380, s16  }
0x58: {  	s21 =	sadd.s32 s2, s14;
	s22 =	smul.u32 $0x380, s10;
	[smem:$0x7E3] =	sst s30  }
0x59: {  	s31 =	simm.s32 $0x120;
	s5 =	simm.s32 $0x1;
	[smem:$0x7F1] =	sst s26  }
0x5a: {  	s16 =	simm.s32 $0xC820;
	s15 =	simm.s32 $0xE420;
	[smem:$0x7F2] =	sst s12  }
0x5b: {  	s14 =	simm.s32 $0x10020;
	s3 =	sadd.s32 s2, s3;
	[smem:$0x7F9] =	sst s21  }
0x5c: {  	s10 =	simm.s32 $0x15420;
	s9 =	simm.s32 $0x17020;
	[smem:$0x7ED] =	sst s3  }
0x5d: {  	s13 =	sadd.s32 s2, s13;
	s20 =	sadd.s32 s2, s28;
	s28 =	sld [smem:$0x7FB]  }
0x5e: {  	s8 =	simm.s32 $0x18C20;
	s17 =	sadd.s32 s2, s17;
	[smem:$0x7F3] =	sst s13  }
0x5f: {  	s26 =	smul.u32 $0x380, s7;
	s6 =	sadd.s32 s2, s6;
	[smem:$0x7F4] =	sst s17  }
0x60: {  	s21 =	simm.s32 $0x5820;
	s3 =	sadd.s32 s2, s23;
	[smem:$0x7F5] =	sst s6  }
0x61: {  	s12 =	simm.s32 $0x13820;
	s7 =	simm.s32 $0x1A820;
	[smem:$0x7F6] =	sst s3  }
0x62: {  	s4 =	smul.u32 $0x380, s4;
	s23 =	sadd.s32 s2, s18;
	[smem:$0x7F8] =	sst s20  }
0x63: {  	s18 =	simm.s32 $0x9020;
	s29 =	sadd.s32 s2, s29;
	[smem:$0x7FA] =	sst s23  }
0x64: {  	s0 =	smul.u32 $0x380, s0;
	s20 =	sadd.s32 s2, s22;
	[smem:$0x7E0] =	sst s29  }
0x65: {  	s3 =	sadd.s32 s2, s26;
	s26 =	simm.s32 $0x320;
	s29 =	sld [smem:$0x7E1]  }
0x66: {  	s23 =	simm.s32 $0x2020;
	s4 =	sadd.s32 s2, s4;
	[smem:$0x7FD] =	sst s3  }
0x67: {  	s22 =	simm.s32 $0x3C20;
	[smem:$0x7EE] =	sst s4;
	s0 =	sadd.s32 s2, s0  }
0x68: {  	s17 =	simm.s32 $0xAC20;
	s4 =	smax.u32 s28, $0x1;
	[smem:$0x7EF] =	sst s0  }
0x69: {  	s0 =	sadd.s32 s2, s24;
	s24 =	smul.u32 $0x380, s11;
	s6 =	sadd.s32 $0xFFFFFFFF, s4  }
0x6a: {  	s29 =	smul.u32 $0x380, s29;
	[smem:$0x7F7] =	sst s0;
	p2 =	sne.s32 s6, $0x0  }
.Ltmp0:
0x6b: {  	s13 =	simm.s32 $0x11C20;
	s0 =	rddreg [dreg:$0x3];
	(pc) =	sbr.rel @!p2 .LBB2_1-.Ltmp0, $4  }
0x6c: {  	s4 =	simm.s32 $0x2;
	s11 =	sadd.s32 s2, s24;
	s0 =	sshrl.u32 @!p0 s0, $0x3  }
0x6d: {  	s24 =	simm.s32 $0x420;
	s25 =	sadd.s32 s2, s29;
	[smem:$0x7FC] =	sst s0  }
0x6e: {  	s29 =	simm.s32 $0x220;
	[smem:$0x7F0] =	sst s25;
	s25 =	sadd.s32 s2, s19  }
0x6f: {  	s2 =	simm.s32 $0x20;
	s19 =	simm.s32 $0x7420;
	s30 =	sld [smem:$0x7FC]  }
0x70: {  	s28 =	smov.u32 s3;
	s3 =	rddreg [dreg:$0x5]  }
0x71: {  	s0 =	simm.s32 @!p0 $0x1C03;
	[smem:$0x7D0] =	sst s6;
	s6 =	simm.s32 @!p0 $0x3  }
0x72: {  	[spmem:s30], [sflag:s0] =	dma.local @!p0 [hbm:s3], $0x40  }
0x73: {  	_ =	swait.ge @!p0 [sflag:s6], $0x40  }
0x74: {  	[sflag:s6] =	ssyncset.done @!p0 $0x0  }
0x75: {  	[sflag:s6] =	ssyncadd.s32 @!p0 $0xFFFFFFC0  }
0x76: {  	[bflag:$0x0] =	sbarrier.arrive $0xFFFF  }
0x77: {  	s6 =	rddreg [dreg:$0x6]  }
0x78: {  	[tilespmem:s2], [sflag:$0x1] =	stream.linear.gather [hbm4b:s6+s1], $0xC8, $0x38;
	[tilespmem:$0x1C420] =	vst v63  }
0x79: {  	s0 =	rddreg [dreg:$0x7]  }
0x7a: {  	[tilespmem:s31], [sflag:$0x1] =	stream.linear.gather [hbm4b:s0+s1], $0xC8, $0x38;
	[tilespmem:$0x1C420] =	vst v63  }
0x7b: {  	s3 =	rddreg [dreg:$0x8]  }
0x7c: {  	[tilespmem:s29], [sflag:$0x1] =	stream.linear.gather [hbm4b:s3+s1], $0xC8, $0x38;
	[tilespmem:$0x1C420] =	vst v63  }
0x7d: {  	s0 =	rddreg [dreg:$0x9]  }
0x7e: {  	[tilespmem:s26], [sflag:$0x1] =	stream.linear.gather [hbm4b:s0+s1], $0xC8, $0x38;
	[tilespmem:$0x1C420] =	vst v63  }
0x7f: {  	_ =	swait.ge [sflag:s5], $0xC8  }
0x80: {  	s0 =	sld [smem:$0x7DB]  }
0x81: {  	[sflag:s5] =	ssyncset.done $0x0  }
0x82: {  	[sflag:s5] =	ssyncadd.s32 $0xFFFFFF38  }
0x83: {  	[hbm4b:s0+s1] =	stream.linear.scatter [tilespmem:s24], [sflag:$0x2], $0x1900, $0x38;
	[tilespmem:$0x1C420] =	vst v63  }
0x84: {  	s6 =	sadd.s32 $0x380, s0  }
0x85: {  	[hbm4b:s6+s1] =	stream.linear.scatter [tilespmem:s23], [sflag:$0x2], $0x1900, $0x38;
	[tilespmem:$0x1C420] =	vst v63  }
0x86: {  	[smem:$0x771] =	sst s6;
	s6 =	sadd.s32 $0x700, s0  }
0x87: {  	s0 =	sadd.s32 $0xA80, s0;
	[smem:$0x772] =	sst s6  }
0x88: {  	[hbm4b:s6+s1] =	stream.linear.scatter [tilespmem:s22], [sflag:$0x2], $0x1900, $0x38;
	[tilespmem:$0x1C420] =	vst v63  }
0x89: {  	[smem:$0x773] =	sst s0  }
0x8a: {  	[hbm4b:s0+s1] =	stream.linear.scatter [tilespmem:s21], [sflag:$0x2], $0x1900, $0x38;
	[tilespmem:$0x1C420] =	vst v63  }
0x8b: {  	s6 =	rddreg [dreg:$0xa]  }
0x8c: {  	[tilespmem:s2], [sflag:$0x1] =	stream.linear.gather [hbm4b:s6+s1], $0xC8, $0x38;
	[tilespmem:$0x1C420] =	vst v63  }
0x8d: {  	_ =	swait.ge [sflag:s5], $0xC8  }
0x8e: {  	s0 =	sld [smem:$0x7DE]  }
0x8f: {  	[sflag:s5] =	ssyncset.done $0x0  }
0x90: {  	[sflag:s5] =	ssyncadd.s32 $0xFFFFFF38  }
0x91: {  	[hbm4b:s0+s1] =	stream.linear.scatter [tilespmem:s19], [sflag:$0x2], $0x1900, $0x38;
	[tilespmem:$0x1C420] =	vst v63  }
0x92: {  	s6 =	sadd.s32 $0x380, s0  }
0x93: {  	[hbm4b:s6+s1] =	stream.linear.scatter [tilespmem:s18], [sflag:$0x2], $0x1900, $0x38;
	[tilespmem:$0x1C420] =	vst v63  }
0x94: {  	[smem:$0x774] =	sst s6;
	s6 =	sadd.s32 $0x700, s0  }
0x95: {  	s0 =	sadd.s32 $0xA80, s0;
	[smem:$0x775] =	sst s6  }
0x96: {  	[hbm4b:s6+s1] =	stream.linear.scatter [tilespmem:s17], [sflag:$0x2], $0x1900, $0x38;
	[tilespmem:$0x1C420] =	vst v63  }
0x97: {  	[smem:$0x776] =	sst s0  }
0x98: {  	[hbm4b:s0+s1] =	stream.linear.scatter [tilespmem:s16], [sflag:$0x2], $0x1900, $0x38;
	[tilespmem:$0x1C420] =	vst v63  }
0x99: {  	s6 =	rddreg [dreg:$0xb]  }
0x9a: {  	[tilespmem:s31], [sflag:$0x1] =	stream.linear.gather [hbm4b:s6+s1], $0xC8, $0x38;
	[tilespmem:$0x1C420] =	vst v63  }
0x9b: {  	_ =	swait.ge [sflag:s5], $0xC8  }
0x9c: {  	s0 =	sld [smem:$0x7E0]  }
0x9d: {  	[sflag:s5] =	ssyncset.done $0x0  }
0x9e: {  	[sflag:s5] =	ssyncadd.s32 $0xFFFFFF38  }
0x9f: {  	[hbm4b:s0+s1] =	stream.linear.scatter [tilespmem:s15], [sflag:$0x2], $0x1900, $0x38;
	[tilespmem:$0x1C420] =	vst v63  }
0xa0: {  	s6 =	sadd.s32 $0x380, s0  }
0xa1: {  	[hbm4b:s6+s1] =	stream.linear.scatter [tilespmem:s14], [sflag:$0x2], $0x1900, $0x38;
	[tilespmem:$0x1C420] =	vst v63  }
0xa2: {  	[smem:$0x777] =	sst s6;
	s6 =	sadd.s32 $0x700, s0  }
0xa3: {  	s0 =	sadd.s32 $0xA80, s0;
	[smem:$0x778] =	sst s6  }
0xa4: {  	[hbm4b:s6+s1] =	stream.linear.scatter [tilespmem:s13], [sflag:$0x2], $0x1900, $0x38;
	[tilespmem:$0x1C420] =	vst v63  }
0xa5: {  	[smem:$0x779] =	sst s0  }
0xa6: {  	[hbm4b:s0+s1] =	stream.linear.scatter [tilespmem:s12], [sflag:$0x2], $0x1900, $0x38;
	[tilespmem:$0x1C420] =	vst v63  }
0xa7: {  	s6 =	rddreg [dreg:$0xc]  }
0xa8: {  	[tilespmem:s29], [sflag:$0x1] =	stream.linear.gather [hbm4b:s6+s1], $0xC8, $0x38;
	[tilespmem:$0x1C420] =	vst v63  }
0xa9: {  	_ =	swait.ge [sflag:s5], $0xC8  }
0xaa: {  	s0 =	sld [smem:$0x7E2]  }
0xab: {  	[sflag:s5] =	ssyncset.done $0x0  }
0xac: {  	[sflag:s5] =	ssyncadd.s32 $0xFFFFFF38  }
0xad: {  	[hbm4b:s0+s1] =	stream.linear.scatter [tilespmem:s10], [sflag:$0x2], $0x1900, $0x38;
	[tilespmem:$0x1C420] =	vst v63  }
0xae: {  	s6 =	sadd.s32 $0x380, s0  }
0xaf: {  	[hbm4b:s6+s1] =	stream.linear.scatter [tilespmem:s9], [sflag:$0x2], $0x1900, $0x38;
	[tilespmem:$0x1C420] =	vst v63  }
0xb0: {  	[smem:$0x77A] =	sst s6;
	s6 =	sadd.s32 $0x700, s0  }
0xb1: {  	s0 =	sadd.s32 $0xA80, s0;
	[smem:$0x77B] =	sst s6  }
0xb2: {  	[hbm4b:s6+s1] =	stream.linear.scatter [tilespmem:s8], [sflag:$0x2], $0x1900, $0x38;
	[tilespmem:$0x1C420] =	vst v63  }
0xb3: {  	[smem:$0x77C] =	sst s0  }
0xb4: {  	[hbm4b:s0+s1] =	stream.linear.scatter [tilespmem:s7], [sflag:$0x2], $0x1900, $0x38;
	[tilespmem:$0x1C420] =	vst v63  }
0xb5: {  	s6 =	rddreg [dreg:$0xd]  }
0xb6: {  	[tilespmem:s26], [sflag:$0x1] =	stream.linear.gather [hbm4b:s6+s1], $0xC8, $0x38;
	[tilespmem:$0x1C420] =	vst v63  }
0xb7: {  	_ =	swait.ge [sflag:s5], $0xC8  }
0xb8: {  	[sflag:s5] =	ssyncset.done $0x0  }
0xb9: {  	[sflag:s5] =	ssyncadd.s32 $0xFFFFFF38  }
0xba: {  	_ =	swait.ge [sflag:s4], $0x6400  }
0xbb: {  	s0 =	sld [smem:$0x7E3]  }
0xbc: {  	[sflag:s4] =	ssyncset.done $0x0  }
0xbd: {  	[sflag:s4] =	ssyncadd.s32 $0xFFFF9C00  }
0xbe: {  	[hbm4b:s0+s1] =	stream.linear.scatter [tilespmem:s24], [sflag:$0x2], $0x1900, $0x38;
	[tilespmem:$0x1C420] =	vst v63  }
0xbf: {  	s6 =	sadd.s32 $0x380, s0  }
0xc0: {  	[hbm4b:s6+s1] =	stream.linear.scatter [tilespmem:s23], [sflag:$0x2], $0x1900, $0x38;
	[tilespmem:$0x1C420] =	vst v63  }
0xc1: {  	[smem:$0x77D] =	sst s6;
	s6 =	sadd.s32 $0x700, s0  }
0xc2: {  	s0 =	sadd.s32 $0xA80, s0;
	[smem:$0x77E] =	sst s6  }
0xc3: {  	[hbm4b:s6+s1] =	stream.linear.scatter [tilespmem:s22], [sflag:$0x2], $0x1900, $0x38;
	[tilespmem:$0x1C420] =	vst v63  }
0xc4: {  	[smem:$0x77F] =	sst s0  }
0xc5: {  	[hbm4b:s0+s1] =	stream.linear.scatter [tilespmem:s21], [sflag:$0x2], $0x1900, $0x38;
	[tilespmem:$0x1C420] =	vst v63  }
0xc6: {  	s6 =	rddreg [dreg:$0xe]  }
0xc7: {  	[tilespmem:s2], [sflag:$0x1] =	stream.linear.gather [hbm4b:s6+s1], $0xC8, $0x38;
	[tilespmem:$0x1C420] =	vst v63  }
0xc8: {  	_ =	swait.ge [sflag:s5], $0xC8  }
0xc9: {  	[sflag:s5] =	ssyncset.done $0x0  }
0xca: {  	[sflag:s5] =	ssyncadd.s32 $0xFFFFFF38  }
0xcb: {  	_ =	swait.ge [sflag:s4], $0x6400  }
0xcc: {  	s0 =	sld [smem:$0x7E4]  }
0xcd: {  	[sflag:s4] =	ssyncset.done $0x0  }
0xce: {  	[sflag:s4] =	ssyncadd.s32 $0xFFFF9C00  }
0xcf: {  	[hbm4b:s0+s1] =	stream.linear.scatter [tilespmem:s19], [sflag:$0x2], $0x1900, $0x38;
	[tilespmem:$0x1C420] =	vst v63  }
0xd0: {  	s6 =	sadd.s32 $0x380, s0  }
0xd1: {  	[hbm4b:s6+s1] =	stream.linear.scatter [tilespmem:s18], [sflag:$0x2], $0x1900, $0x38;
	[tilespmem:$0x1C420] =	vst v63  }
0xd2: {  	[smem:$0x780] =	sst s6;
	s6 =	sadd.s32 $0x700, s0  }
0xd3: {  	s0 =	sadd.s32 $0xA80, s0;
	[smem:$0x781] =	sst s6  }
0xd4: {  	[hbm4b:s6+s1] =	stream.linear.scatter [tilespmem:s17], [sflag:$0x2], $0x1900, $0x38;
	[tilespmem:$0x1C420] =	vst v63  }
0xd5: {  	[smem:$0x782] =	sst s0  }
0xd6: {  	[hbm4b:s0+s1] =	stream.linear.scatter [tilespmem:s16], [sflag:$0x2], $0x1900, $0x38;
	[tilespmem:$0x1C420] =	vst v63  }
0xd7: {  	s6 =	rddreg [dreg:$0xf]  }
0xd8: {  	[tilespmem:s31], [sflag:$0x1] =	stream.linear.gather [hbm4b:s6+s1], $0xC8, $0x38;
	[tilespmem:$0x1C420] =	vst v63  }
0xd9: {  	_ =	swait.ge [sflag:s5], $0xC8  }
0xda: {  	[sflag:s5] =	ssyncset.done $0x0  }
0xdb: {  	[sflag:s5] =	ssyncadd.s32 $0xFFFFFF38  }
0xdc: {  	_ =	swait.ge [sflag:s4], $0x6400  }
0xdd: {  	s0 =	sld [smem:$0x7E5]  }
0xde: {  	[sflag:s4] =	ssyncset.done $0x0  }
0xdf: {  	[sflag:s4] =	ssyncadd.s32 $0xFFFF9C00  }
0xe0: {  	[hbm4b:s0+s1] =	stream.linear.scatter [tilespmem:s15], [sflag:$0x2], $0x1900, $0x38;
	[tilespmem:$0x1C420] =	vst v63  }
0xe1: {  	s6 =	sadd.s32 $0x380, s0  }
0xe2: {  	[hbm4b:s6+s1] =	stream.linear.scatter [tilespmem:s14], [sflag:$0x2], $0x1900, $0x38;
	[tilespmem:$0x1C420] =	vst v63  }
0xe3: {  	[smem:$0x783] =	sst s6;
	s6 =	sadd.s32 $0x700, s0  }
0xe4: {  	s0 =	sadd.s32 $0xA80, s0;
	[smem:$0x784] =	sst s6  }
0xe5: {  	[hbm4b:s6+s1] =	stream.linear.scatter [tilespmem:s13], [sflag:$0x2], $0x1900, $0x38;
	[tilespmem:$0x1C420] =	vst v63  }
0xe6: {  	[smem:$0x785] =	sst s0  }
0xe7: {  	[hbm4b:s0+s1] =	stream.linear.scatter [tilespmem:s12], [sflag:$0x2], $0x1900, $0x38;
	[tilespmem:$0x1C420] =	vst v63  }
0xe8: {  	s6 =	rddreg [dreg:$0x10]  }
0xe9: {  	[tilespmem:s29], [sflag:$0x1] =	stream.linear.gather [hbm4b:s6+s1], $0xC8, $0x38;
	[tilespmem:$0x1C420] =	vst v63  }
0xea: {  	_ =	swait.ge [sflag:s5], $0xC8  }
0xeb: {  	[sflag:s5] =	ssyncset.done $0x0  }
0xec: {  	[sflag:s5] =	ssyncadd.s32 $0xFFFFFF38  }
0xed: {  	_ =	swait.ge [sflag:s4], $0x6400  }
0xee: {  	s0 =	sld [smem:$0x7E6]  }
0xef: {  	[sflag:s4] =	ssyncset.done $0x0  }
0xf0: {  	[sflag:s4] =	ssyncadd.s32 $0xFFFF9C00  }
0xf1: {  	[hbm4b:s0+s1] =	stream.linear.scatter [tilespmem:s10], [sflag:$0x2], $0x1900, $0x38;
	[tilespmem:$0x1C420] =	vst v63  }
0xf2: {  	s6 =	sadd.s32 $0x380, s0  }
0xf3: {  	[hbm4b:s6+s1] =	stream.linear.scatter [tilespmem:s9], [sflag:$0x2], $0x1900, $0x38;
	[tilespmem:$0x1C420] =	vst v63  }
0xf4: {  	[smem:$0x786] =	sst s6;
	s6 =	sadd.s32 $0x700, s0  }
0xf5: {  	s0 =	sadd.s32 $0xA80, s0;
	[smem:$0x787] =	sst s6  }
0xf6: {  	[hbm4b:s6+s1] =	stream.linear.scatter [tilespmem:s8], [sflag:$0x2], $0x1900, $0x38;
	[tilespmem:$0x1C420] =	vst v63  }
0xf7: {  	[smem:$0x788] =	sst s0  }
0xf8: {  	[hbm4b:s0+s1] =	stream.linear.scatter [tilespmem:s7], [sflag:$0x2], $0x1900, $0x38;
	[tilespmem:$0x1C420] =	vst v63  }
0xf9: {  	s6 =	rddreg [dreg:$0x11]  }
0xfa: {  	[tilespmem:s26], [sflag:$0x1] =	stream.linear.gather [hbm4b:s6+s1], $0xC8, $0x38;
	[tilespmem:$0x1C420] =	vst v63  }
0xfb: {  	_ =	swait.ge [sflag:s5], $0xC8  }
0xfc: {  	[sflag:s5] =	ssyncset.done $0x0  }
0xfd: {  	[sflag:s5] =	ssyncadd.s32 $0xFFFFFF38  }
0xfe: {  	_ =	swait.ge [sflag:s4], $0x6400  }
0xff: {  	s0 =	sld [smem:$0x7E7]  }
0x100: {  	[sflag:s4] =	ssyncset.done $0x0  }
0x101: {  	[sflag:s4] =	ssyncadd.s32 $0xFFFF9C00  }
0x102: {  	[hbm4b:s0+s1] =	stream.linear.scatter [tilespmem:s24], [sflag:$0x2], $0x1900, $0x38;
	[tilespmem:$0x1C420] =	vst v63  }
0x103: {  	s6 =	sadd.s32 $0x380, s0  }
0x104: {  	[hbm4b:s6+s1] =	stream.linear.scatter [tilespmem:s23], [sflag:$0x2], $0x1900, $0x38;
	[tilespmem:$0x1C420] =	vst v63  }
0x105: {  	[smem:$0x789] =	sst s6;
	s6 =	sadd.s32 $0x700, s0  }
0x106: {  	s0 =	sadd.s32 $0xA80, s0;
	[smem:$0x78A] =	sst s6  }
0x107: {  	[hbm4b:s6+s1] =	stream.linear.scatter [tilespmem:s22], [sflag:$0x2], $0x1900, $0x38;
	[tilespmem:$0x1C420] =	vst v63  }
0x108: {  	[smem:$0x78B] =	sst s0  }
0x109: {  	[hbm4b:s0+s1] =	stream.linear.scatter [tilespmem:s21], [sflag:$0x2], $0x1900, $0x38;
	[tilespmem:$0x1C420] =	vst v63  }
0x10a: {  	s6 =	rddreg [dreg:$0x12]  }
0x10b: {  	[tilespmem:s2], [sflag:$0x1] =	stream.linear.gather [hbm4b:s6+s1], $0xC8, $0x38;
	[tilespmem:$0x1C420] =	vst v63  }
0x10c: {  	_ =	swait.ge [sflag:s5], $0xC8  }
0x10d: {  	[sflag:s5] =	ssyncset.done $0x0  }
0x10e: {  	[sflag:s5] =	ssyncadd.s32 $0xFFFFFF38  }
0x10f: {  	_ =	swait.ge [sflag:s4], $0x6400  }
0x110: {  	s0 =	sld [smem:$0x7E8]  }
0x111: {  	[sflag:s4] =	ssyncset.done $0x0  }
0x112: {  	[sflag:s4] =	ssyncadd.s32 $0xFFFF9C00  }
0x113: {  	[hbm4b:s0+s1] =	stream.linear.scatter [tilespmem:s19], [sflag:$0x2], $0x1900, $0x38;
	[tilespmem:$0x1C420] =	vst v63  }
0x114: {  	s6 =	sadd.s32 $0x380, s0  }
0x115: {  	[hbm4b:s6+s1] =	stream.linear.scatter [tilespmem:s18], [sflag:$0x2], $0x1900, $0x38;
	[tilespmem:$0x1C420] =	vst v63  }
0x116: {  	[smem:$0x78C] =	sst s6;
	s6 =	sadd.s32 $0x700, s0  }
0x117: {  	s0 =	sadd.s32 $0xA80, s0;
	[smem:$0x78D] =	sst s6  }
0x118: {  	[hbm4b:s6+s1] =	stream.linear.scatter [tilespmem:s17], [sflag:$0x2], $0x1900, $0x38;
	[tilespmem:$0x1C420] =	vst v63  }
0x119: {  	[smem:$0x78E] =	sst s0  }
0x11a: {  	[hbm4b:s0+s1] =	stream.linear.scatter [tilespmem:s16], [sflag:$0x2], $0x1900, $0x38;
	[tilespmem:$0x1C420] =	vst v63  }
0x11b: {  	s6 =	rddreg [dreg:$0x13]  }
0x11c: {  	[tilespmem:s31], [sflag:$0x1] =	stream.linear.gather [hbm4b:s6+s1], $0xC8, $0x38;
	[tilespmem:$0x1C420] =	vst v63  }
0x11d: {  	_ =	swait.ge [sflag:s5], $0xC8  }
0x11e: {  	[sflag:s5] =	ssyncset.done $0x0  }
0x11f: {  	[sflag:s5] =	ssyncadd.s32 $0xFFFFFF38  }
0x120: {  	_ =	swait.ge [sflag:s4], $0x6400  }
0x121: {  	s0 =	sld [smem:$0x7E9]  }
0x122: {  	[sflag:s4] =	ssyncset.done $0x0  }
0x123: {  	[sflag:s4] =	ssyncadd.s32 $0xFFFF9C00  }
0x124: {  	[hbm4b:s0+s1] =	stream.linear.scatter [tilespmem:s15], [sflag:$0x2], $0x1900, $0x38;
	[tilespmem:$0x1C420] =	vst v63  }
0x125: {  	s6 =	sadd.s32 $0x380, s0  }
0x126: {  	[hbm4b:s6+s1] =	stream.linear.scatter [tilespmem:s14], [sflag:$0x2], $0x1900, $0x38;
	[tilespmem:$0x1C420] =	vst v63  }
0x127: {  	[smem:$0x78F] =	sst s6;
	s6 =	sadd.s32 $0x700, s0  }
0x128: {  	s0 =	sadd.s32 $0xA80, s0;
	[smem:$0x790] =	sst s6  }
0x129: {  	[hbm4b:s6+s1] =	stream.linear.scatter [tilespmem:s13], [sflag:$0x2], $0x1900, $0x38;
	[tilespmem:$0x1C420] =	vst v63  }
0x12a: {  	[smem:$0x791] =	sst s0  }
0x12b: {  	[hbm4b:s0+s1] =	stream.linear.scatter [tilespmem:s12], [sflag:$0x2], $0x1900, $0x38;
	[tilespmem:$0x1C420] =	vst v63  }
0x12c: {  	s6 =	rddreg [dreg:$0x14]  }
0x12d: {  	[tilespmem:s29], [sflag:$0x1] =	stream.linear.gather [hbm4b:s6+s1], $0xC8, $0x38;
	[tilespmem:$0x1C420] =	vst v63  }
0x12e: {  	_ =	swait.ge [sflag:s5], $0xC8  }
0x12f: {  	[sflag:s5] =	ssyncset.done $0x0  }
0x130: {  	[sflag:s5] =	ssyncadd.s32 $0xFFFFFF38  }
0x131: {  	_ =	swait.ge [sflag:s4], $0x6400  }
0x132: {  	s0 =	sld [smem:$0x7EA]  }
0x133: {  	[sflag:s4] =	ssyncset.done $0x0  }
0x134: {  	[sflag:s4] =	ssyncadd.s32 $0xFFFF9C00  }
0x135: {  	[hbm4b:s0+s1] =	stream.linear.scatter [tilespmem:s10], [sflag:$0x2], $0x1900, $0x38;
	[tilespmem:$0x1C420] =	vst v63  }
0x136: {  	s6 =	sadd.s32 $0x380, s0  }
0x137: {  	[hbm4b:s6+s1] =	stream.linear.scatter [tilespmem:s9], [sflag:$0x2], $0x1900, $0x38;
	[tilespmem:$0x1C420] =	vst v63  }
0x138: {  	[smem:$0x792] =	sst s6;
	s6 =	sadd.s32 $0x700, s0  }
0x139: {  	s0 =	sadd.s32 $0xA80, s0;
	[smem:$0x793] =	sst s6  }
0x13a: {  	[hbm4b:s6+s1] =	stream.linear.scatter [tilespmem:s8], [sflag:$0x2], $0x1900, $0x38;
	[tilespmem:$0x1C420] =	vst v63  }
0x13b: {  	[smem:$0x794] =	sst s0  }
0x13c: {  	[hbm4b:s0+s1] =	stream.linear.scatter [tilespmem:s7], [sflag:$0x2], $0x1900, $0x38;
	[tilespmem:$0x1C420] =	vst v63  }
0x13d: {  	s6 =	rddreg [dreg:$0x15]  }
0x13e: {  	[tilespmem:s26], [sflag:$0x1] =	stream.linear.gather [hbm4b:s6+s1], $0xC8, $0x38;
	[tilespmem:$0x1C420] =	vst v63  }
0x13f: {  	_ =	swait.ge [sflag:s5], $0xC8  }
0x140: {  	[sflag:s5] =	ssyncset.done $0x0  }
0x141: {  	[sflag:s5] =	ssyncadd.s32 $0xFFFFFF38  }
0x142: {  	_ =	swait.ge [sflag:s4], $0x6400  }
0x143: {  	s0 =	sld [smem:$0x7EB]  }
0x144: {  	[sflag:s4] =	ssyncset.done $0x0  }
0x145: {  	[sflag:s4] =	ssyncadd.s32 $0xFFFF9C00  }
0x146: {  	[hbm4b:s0+s1] =	stream.linear.scatter [tilespmem:s24], [sflag:$0x2], $0x1900, $0x38;
	[tilespmem:$0x1C420] =	vst v63  }
0x147: {  	s6 =	sadd.s32 $0x380, s0  }
0x148: {  	[hbm4b:s6+s1] =	stream.linear.scatter [tilespmem:s23], [sflag:$0x2], $0x1900, $0x38;
	[tilespmem:$0x1C420] =	vst v63  }
0x149: {  	[smem:$0x795] =	sst s6;
	s6 =	sadd.s32 $0x700, s0  }
0x14a: {  	s0 =	sadd.s32 $0xA80, s0;
	[smem:$0x796] =	sst s6  }
0x14b: {  	[hbm4b:s6+s1] =	stream.linear.scatter [tilespmem:s22], [sflag:$0x2], $0x1900, $0x38;
	[tilespmem:$0x1C420] =	vst v63  }
0x14c: {  	[smem:$0x797] =	sst s0  }
0x14d: {  	[hbm4b:s0+s1] =	stream.linear.scatter [tilespmem:s21], [sflag:$0x2], $0x1900, $0x38;
	[tilespmem:$0x1C420] =	vst v63  }
0x14e: {  	s6 =	rddreg [dreg:$0x16]  }
0x14f: {  	[tilespmem:s2], [sflag:$0x1] =	stream.linear.gather [hbm4b:s6+s1], $0xC8, $0x38;
	[tilespmem:$0x1C420] =	vst v63  }
0x150: {  	_ =	swait.ge [sflag:s5], $0xC8  }
0x151: {  	[sflag:s5] =	ssyncset.done $0x0  }
0x152: {  	[sflag:s5] =	ssyncadd.s32 $0xFFFFFF38  }
0x153: {  	_ =	swait.ge [sflag:s4], $0x6400  }
0x154: {  	s0 =	sld [smem:$0x7EC]  }
0x155: {  	[sflag:s4] =	ssyncset.done $0x0  }
0x156: {  	[sflag:s4] =	ssyncadd.s32 $0xFFFF9C00  }
0x157: {  	[hbm4b:s0+s1] =	stream.linear.scatter [tilespmem:s19], [sflag:$0x2], $0x1900, $0x38;
	[tilespmem:$0x1C420] =	vst v63  }
0x158: {  	s6 =	sadd.s32 $0x380, s0  }
0x159: {  	[hbm4b:s6+s1] =	stream.linear.scatter [tilespmem:s18], [sflag:$0x2], $0x1900, $0x38;
	[tilespmem:$0x1C420] =	vst v63  }
0x15a: {  	[smem:$0x798] =	sst s6;
	s6 =	sadd.s32 $0x700, s0  }
0x15b: {  	s0 =	sadd.s32 $0xA80, s0;
	[smem:$0x799] =	sst s6  }
0x15c: {  	[hbm4b:s6+s1] =	stream.linear.scatter [tilespmem:s17], [sflag:$0x2], $0x1900, $0x38;
	[tilespmem:$0x1C420] =	vst v63  }
0x15d: {  	[smem:$0x79A] =	sst s0  }
0x15e: {  	[hbm4b:s0+s1] =	stream.linear.scatter [tilespmem:s16], [sflag:$0x2], $0x1900, $0x38;
	[tilespmem:$0x1C420] =	vst v63  }
0x15f: {  	s6 =	rddreg [dreg:$0x17]  }
0x160: {  	[tilespmem:s31], [sflag:$0x1] =	stream.linear.gather [hbm4b:s6+s1], $0xC8, $0x38;
	[tilespmem:$0x1C420] =	vst v63  }
0x161: {  	_ =	swait.ge [sflag:s5], $0xC8  }
0x162: {  	[sflag:s5] =	ssyncset.done $0x0  }
0x163: {  	[sflag:s5] =	ssyncadd.s32 $0xFFFFFF38  }
0x164: {  	_ =	swait.ge [sflag:s4], $0x6400  }
0x165: {  	s0 =	sld [smem:$0x7ED]  }
0x166: {  	[sflag:s4] =	ssyncset.done $0x0  }
0x167: {  	[sflag:s4] =	ssyncadd.s32 $0xFFFF9C00  }
0x168: {  	[hbm4b:s0+s1] =	stream.linear.scatter [tilespmem:s15], [sflag:$0x2], $0x1900, $0x38;
	[tilespmem:$0x1C420] =	vst v63  }
0x169: {  	s6 =	sadd.s32 $0x380, s0  }
0x16a: {  	[hbm4b:s6+s1] =	stream.linear.scatter [tilespmem:s14], [sflag:$0x2], $0x1900, $0x38;
	[tilespmem:$0x1C420] =	vst v63  }
0x16b: {  	[smem:$0x79B] =	sst s6;
	s6 =	sadd.s32 $0x700, s0  }
0x16c: {  	s0 =	sadd.s32 $0xA80, s0;
	[smem:$0x79C] =	sst s6  }
0x16d: {  	[hbm4b:s6+s1] =	stream.linear.scatter [tilespmem:s13], [sflag:$0x2], $0x1900, $0x38;
	[tilespmem:$0x1C420] =	vst v63  }
0x16e: {  	[smem:$0x79D] =	sst s0  }
0x16f: {  	[hbm4b:s0+s1] =	stream.linear.scatter [tilespmem:s12], [sflag:$0x2], $0x1900, $0x38;
	[tilespmem:$0x1C420] =	vst v63  }
0x170: {  	s6 =	rddreg [dreg:$0x18]  }
0x171: {  	[tilespmem:s29], [sflag:$0x1] =	stream.linear.gather [hbm4b:s6+s1], $0xC8, $0x38;
	[tilespmem:$0x1C420] =	vst v63  }
0x172: {  	_ =	swait.ge [sflag:s5], $0xC8  }
0x173: {  	[sflag:s5] =	ssyncset.done $0x0  }
0x174: {  	[sflag:s5] =	ssyncadd.s32 $0xFFFFFF38  }
0x175: {  	_ =	swait.ge [sflag:s4], $0x6400  }
0x176: {  	s0 =	sld [smem:$0x7EE]  }
0x177: {  	[sflag:s4] =	ssyncset.done $0x0  }
0x178: {  	[sflag:s4] =	ssyncadd.s32 $0xFFFF9C00  }
0x179: {  	[hbm4b:s0+s1] =	stream.linear.scatter [tilespmem:s10], [sflag:$0x2], $0x1900, $0x38;
	[tilespmem:$0x1C420] =	vst v63  }
0x17a: {  	s6 =	sadd.s32 $0x380, s0  }
0x17b: {  	[hbm4b:s6+s1] =	stream.linear.scatter [tilespmem:s9], [sflag:$0x2], $0x1900, $0x38;
	[tilespmem:$0x1C420] =	vst v63  }
0x17c: {  	[smem:$0x79E] =	sst s6;
	s6 =	sadd.s32 $0x700, s0  }
0x17d: {  	s0 =	sadd.s32 $0xA80, s0;
	[smem:$0x79F] =	sst s6  }
0x17e: {  	[hbm4b:s6+s1] =	stream.linear.scatter [tilespmem:s8], [sflag:$0x2], $0x1900, $0x38;
	[tilespmem:$0x1C420] =	vst v63  }
0x17f: {  	[smem:$0x7A0] =	sst s0  }
0x180: {  	[hbm4b:s0+s1] =	stream.linear.scatter [tilespmem:s7], [sflag:$0x2], $0x1900, $0x38;
	[tilespmem:$0x1C420] =	vst v63  }
0x181: {  	s6 =	rddreg [dreg:$0x19]  }
0x182: {  	[tilespmem:s26], [sflag:$0x1] =	stream.linear.gather [hbm4b:s6+s1], $0xC8, $0x38;
	[tilespmem:$0x1C420] =	vst v63  }
0x183: {  	_ =	swait.ge [sflag:s5], $0xC8  }
0x184: {  	[sflag:s5] =	ssyncset.done $0x0  }
0x185: {  	[sflag:s5] =	ssyncadd.s32 $0xFFFFFF38  }
0x186: {  	_ =	swait.ge [sflag:s4], $0x6400  }
0x187: {  	s0 =	sld [smem:$0x7EF]  }
0x188: {  	[sflag:s4] =	ssyncset.done $0x0  }
0x189: {  	[sflag:s4] =	ssyncadd.s32 $0xFFFF9C00  }
0x18a: {  	[hbm4b:s0+s1] =	stream.linear.scatter [tilespmem:s24], [sflag:$0x2], $0x1900, $0x38;
	[tilespmem:$0x1C420] =	vst v63  }
0x18b: {  	s6 =	sadd.s32 $0x380, s0  }
0x18c: {  	[hbm4b:s6+s1] =	stream.linear.scatter [tilespmem:s23], [sflag:$0x2], $0x1900, $0x38;
	[tilespmem:$0x1C420] =	vst v63  }
0x18d: {  	[smem:$0x7A1] =	sst s6;
	s6 =	sadd.s32 $0x700, s0  }
0x18e: {  	s0 =	sadd.s32 $0xA80, s0;
	[smem:$0x7A2] =	sst s6  }
0x18f: {  	[hbm4b:s6+s1] =	stream.linear.scatter [tilespmem:s22], [sflag:$0x2], $0x1900, $0x38;
	[tilespmem:$0x1C420] =	vst v63  }
0x190: {  	[smem:$0x7A3] =	sst s0  }
0x191: {  	[hbm4b:s0+s1] =	stream.linear.scatter [tilespmem:s21], [sflag:$0x2], $0x1900, $0x38;
	[tilespmem:$0x1C420] =	vst v63  }
0x192: {  	s6 =	rddreg [dreg:$0x1a]  }
0x193: {  	[tilespmem:s2], [sflag:$0x1] =	stream.linear.gather [hbm4b:s6+s1], $0xC8, $0x38;
	[tilespmem:$0x1C420] =	vst v63  }
0x194: {  	_ =	swait.ge [sflag:s5], $0xC8  }
0x195: {  	[sflag:s5] =	ssyncset.done $0x0  }
0x196: {  	[sflag:s5] =	ssyncadd.s32 $0xFFFFFF38  }
0x197: {  	_ =	swait.ge [sflag:s4], $0x6400  }
0x198: {  	s0 =	sld [smem:$0x7F0]  }
0x199: {  	[sflag:s4] =	ssyncset.done $0x0  }
0x19a: {  	[sflag:s4] =	ssyncadd.s32 $0xFFFF9C00  }
0x19b: {  	[hbm4b:s0+s1] =	stream.linear.scatter [tilespmem:s19], [sflag:$0x2], $0x1900, $0x38;
	[tilespmem:$0x1C420] =	vst v63  }
0x19c: {  	s6 =	sadd.s32 $0x380, s0  }
0x19d: {  	[hbm4b:s6+s1] =	stream.linear.scatter [tilespmem:s18], [sflag:$0x2], $0x1900, $0x38;
	[tilespmem:$0x1C420] =	vst v63  }
0x19e: {  	[smem:$0x7A4] =	sst s6;
	s6 =	sadd.s32 $0x700, s0  }
0x19f: {  	s0 =	sadd.s32 $0xA80, s0;
	[smem:$0x7A5] =	sst s6  }
0x1a0: {  	[hbm4b:s6+s1] =	stream.linear.scatter [tilespmem:s17], [sflag:$0x2], $0x1900, $0x38;
	[tilespmem:$0x1C420] =	vst v63  }
0x1a1: {  	[smem:$0x7A6] =	sst s0  }
0x1a2: {  	[hbm4b:s0+s1] =	stream.linear.scatter [tilespmem:s16], [sflag:$0x2], $0x1900, $0x38;
	[tilespmem:$0x1C420] =	vst v63  }
0x1a3: {  	s6 =	rddreg [dreg:$0x1b]  }
0x1a4: {  	[tilespmem:s31], [sflag:$0x1] =	stream.linear.gather [hbm4b:s6+s1], $0xC8, $0x38;
	[tilespmem:$0x1C420] =	vst v63  }
0x1a5: {  	_ =	swait.ge [sflag:s5], $0xC8  }
0x1a6: {  	[sflag:s5] =	ssyncset.done $0x0  }
0x1a7: {  	[sflag:s5] =	ssyncadd.s32 $0xFFFFFF38  }
0x1a8: {  	_ =	swait.ge [sflag:s4], $0x6400  }
0x1a9: {  	s0 =	sld [smem:$0x7F1]  }
0x1aa: {  	[sflag:s4] =	ssyncset.done $0x0  }
0x1ab: {  	[sflag:s4] =	ssyncadd.s32 $0xFFFF9C00  }
0x1ac: {  	[hbm4b:s0+s1] =	stream.linear.scatter [tilespmem:s15], [sflag:$0x2], $0x1900, $0x38;
	[tilespmem:$0x1C420] =	vst v63  }
0x1ad: {  	s6 =	sadd.s32 $0x380, s0  }
0x1ae: {  	[hbm4b:s6+s1] =	stream.linear.scatter [tilespmem:s14], [sflag:$0x2], $0x1900, $0x38;
	[tilespmem:$0x1C420] =	vst v63  }
0x1af: {  	[smem:$0x7A7] =	sst s6;
	s6 =	sadd.s32 $0x700, s0  }
0x1b0: {  	s0 =	sadd.s32 $0xA80, s0;
	[smem:$0x7A8] =	sst s6  }
0x1b1: {  	[hbm4b:s6+s1] =	stream.linear.scatter [tilespmem:s13], [sflag:$0x2], $0x1900, $0x38;
	[tilespmem:$0x1C420] =	vst v63  }
0x1b2: {  	[smem:$0x7A9] =	sst s0  }
0x1b3: {  	[hbm4b:s0+s1] =	stream.linear.scatter [tilespmem:s12], [sflag:$0x2], $0x1900, $0x38;
	[tilespmem:$0x1C420] =	vst v63  }
0x1b4: {  	s6 =	rddreg [dreg:$0x1c]  }
0x1b5: {  	[tilespmem:s29], [sflag:$0x1] =	stream.linear.gather [hbm4b:s6+s1], $0xC8, $0x38;
	[tilespmem:$0x1C420] =	vst v63  }
0x1b6: {  	_ =	swait.ge [sflag:s5], $0xC8  }
0x1b7: {  	[sflag:s5] =	ssyncset.done $0x0  }
0x1b8: {  	[sflag:s5] =	ssyncadd.s32 $0xFFFFFF38  }
0x1b9: {  	_ =	swait.ge [sflag:s4], $0x6400  }
0x1ba: {  	s0 =	sld [smem:$0x7F2]  }
0x1bb: {  	[sflag:s4] =	ssyncset.done $0x0  }
0x1bc: {  	[sflag:s4] =	ssyncadd.s32 $0xFFFF9C00  }
0x1bd: {  	[hbm4b:s0+s1] =	stream.linear.scatter [tilespmem:s10], [sflag:$0x2], $0x1900, $0x38;
	[tilespmem:$0x1C420] =	vst v63  }
0x1be: {  	s6 =	sadd.s32 $0x380, s0  }
0x1bf: {  	[hbm4b:s6+s1] =	stream.linear.scatter [tilespmem:s9], [sflag:$0x2], $0x1900, $0x38;
	[tilespmem:$0x1C420] =	vst v63  }
0x1c0: {  	[smem:$0x7AA] =	sst s6;
	s6 =	sadd.s32 $0x700, s0  }
0x1c1: {  	s0 =	sadd.s32 $0xA80, s0;
	[smem:$0x7AB] =	sst s6  }
0x1c2: {  	[hbm4b:s6+s1] =	stream.linear.scatter [tilespmem:s8], [sflag:$0x2], $0x1900, $0x38;
	[tilespmem:$0x1C420] =	vst v63  }
0x1c3: {  	[smem:$0x7AC] =	sst s0  }
0x1c4: {  	[hbm4b:s0+s1] =	stream.linear.scatter [tilespmem:s7], [sflag:$0x2], $0x1900, $0x38;
	[tilespmem:$0x1C420] =	vst v63  }
0x1c5: {  	s6 =	rddreg [dreg:$0x1d]  }
0x1c6: {  	[tilespmem:s26], [sflag:$0x1] =	stream.linear.gather [hbm4b:s6+s1], $0xC8, $0x38;
	[tilespmem:$0x1C420] =	vst v63  }
0x1c7: {  	_ =	swait.ge [sflag:s5], $0xC8  }
0x1c8: {  	[sflag:s5] =	ssyncset.done $0x0  }
0x1c9: {  	[sflag:s5] =	ssyncadd.s32 $0xFFFFFF38  }
0x1ca: {  	_ =	swait.ge [sflag:s4], $0x6400  }
0x1cb: {  	s0 =	sld [smem:$0x7F3]  }
0x1cc: {  	[sflag:s4] =	ssyncset.done $0x0  }
0x1cd: {  	[sflag:s4] =	ssyncadd.s32 $0xFFFF9C00  }
0x1ce: {  	[hbm4b:s0+s1] =	stream.linear.scatter [tilespmem:s24], [sflag:$0x2], $0x1900, $0x38;
	[tilespmem:$0x1C420] =	vst v63  }
0x1cf: {  	s6 =	sadd.s32 $0x380, s0  }
0x1d0: {  	[hbm4b:s6+s1] =	stream.linear.scatter [tilespmem:s23], [sflag:$0x2], $0x1900, $0x38;
	[tilespmem:$0x1C420] =	vst v63  }
0x1d1: {  	[smem:$0x7AD] =	sst s6;
	s6 =	sadd.s32 $0x700, s0  }
0x1d2: {  	s0 =	sadd.s32 $0xA80, s0;
	[smem:$0x7AE] =	sst s6  }
0x1d3: {  	[hbm4b:s6+s1] =	stream.linear.scatter [tilespmem:s22], [sflag:$0x2], $0x1900, $0x38;
	[tilespmem:$0x1C420] =	vst v63  }
0x1d4: {  	[smem:$0x7AF] =	sst s0  }
0x1d5: {  	[hbm4b:s0+s1] =	stream.linear.scatter [tilespmem:s21], [sflag:$0x2], $0x1900, $0x38;
	[tilespmem:$0x1C420] =	vst v63  }
0x1d6: {  	s6 =	rddreg [dreg:$0x1e]  }
0x1d7: {  	[tilespmem:s2], [sflag:$0x1] =	stream.linear.gather [hbm4b:s6+s1], $0xC8, $0x38;
	[tilespmem:$0x1C420] =	vst v63  }
0x1d8: {  	_ =	swait.ge [sflag:s5], $0xC8  }
0x1d9: {  	[sflag:s5] =	ssyncset.done $0x0  }
0x1da: {  	[sflag:s5] =	ssyncadd.s32 $0xFFFFFF38  }
0x1db: {  	_ =	swait.ge [sflag:s4], $0x6400  }
0x1dc: {  	s0 =	sld [smem:$0x7F4]  }
0x1dd: {  	[sflag:s4] =	ssyncset.done $0x0  }
0x1de: {  	[sflag:s4] =	ssyncadd.s32 $0xFFFF9C00  }
0x1df: {  	[hbm4b:s0+s1] =	stream.linear.scatter [tilespmem:s19], [sflag:$0x2], $0x1900, $0x38;
	[tilespmem:$0x1C420] =	vst v63  }
0x1e0: {  	s6 =	sadd.s32 $0x380, s0  }
0x1e1: {  	[hbm4b:s6+s1] =	stream.linear.scatter [tilespmem:s18], [sflag:$0x2], $0x1900, $0x38;
	[tilespmem:$0x1C420] =	vst v63  }
0x1e2: {  	[smem:$0x7B0] =	sst s6;
	s6 =	sadd.s32 $0x700, s0  }
0x1e3: {  	s0 =	sadd.s32 $0xA80, s0;
	[smem:$0x7B1] =	sst s6  }
0x1e4: {  	[hbm4b:s6+s1] =	stream.linear.scatter [tilespmem:s17], [sflag:$0x2], $0x1900, $0x38;
	[tilespmem:$0x1C420] =	vst v63  }
0x1e5: {  	[smem:$0x7B2] =	sst s0  }
0x1e6: {  	[hbm4b:s0+s1] =	stream.linear.scatter [tilespmem:s16], [sflag:$0x2], $0x1900, $0x38;
	[tilespmem:$0x1C420] =	vst v63  }
0x1e7: {  	s6 =	rddreg [dreg:$0x1f]  }
0x1e8: {  	[tilespmem:s31], [sflag:$0x1] =	stream.linear.gather [hbm4b:s6+s1], $0xC8, $0x38;
	[tilespmem:$0x1C420] =	vst v63  }
0x1e9: {  	_ =	swait.ge [sflag:s5], $0xC8  }
0x1ea: {  	[sflag:s5] =	ssyncset.done $0x0  }
0x1eb: {  	[sflag:s5] =	ssyncadd.s32 $0xFFFFFF38  }
0x1ec: {  	_ =	swait.ge [sflag:s4], $0x6400  }
0x1ed: {  	s0 =	sld [smem:$0x7F5]  }
0x1ee: {  	[sflag:s4] =	ssyncset.done $0x0  }
0x1ef: {  	[sflag:s4] =	ssyncadd.s32 $0xFFFF9C00  }
0x1f0: {  	[hbm4b:s0+s1] =	stream.linear.scatter [tilespmem:s15], [sflag:$0x2], $0x1900, $0x38;
	[tilespmem:$0x1C420] =	vst v63  }
0x1f1: {  	s6 =	sadd.s32 $0x380, s0  }
0x1f2: {  	[hbm4b:s6+s1] =	stream.linear.scatter [tilespmem:s14], [sflag:$0x2], $0x1900, $0x38;
	[tilespmem:$0x1C420] =	vst v63  }
0x1f3: {  	[smem:$0x7B3] =	sst s6;
	s6 =	sadd.s32 $0x700, s0  }
0x1f4: {  	[smem:$0x7B4] =	sst s6  }
0x1f5: {  	[hbm4b:s6+s1] =	stream.linear.scatter [tilespmem:s13], [sflag:$0x2], $0x1900, $0x38;
	[tilespmem:$0x1C420] =	vst v63  }
0x1f6: {  	s0 =	sadd.s32 $0xA80, s0;
	s6 =	sld [smem:$0x7D1]  }
0x1f7: {  	[hbm4b:s0+s1] =	stream.linear.scatter [tilespmem:s12], [sflag:$0x2], $0x1900, $0x38;
	[tilespmem:$0x1C420] =	vst v63  }
0x1f8: {  	[smem:$0x7B5] =	sst s0  }
0x1f9: {  	[tilespmem:s29], [sflag:$0x1] =	stream.linear.gather [hbm4b:s6+s1], $0xC8, $0x38;
	[tilespmem:$0x1C420] =	vst v63  }
0x1fa: {  	_ =	swait.ge [sflag:s5], $0xC8  }
0x1fb: {  	[sflag:s5] =	ssyncset.done $0x0  }
0x1fc: {  	[sflag:s5] =	ssyncadd.s32 $0xFFFFFF38  }
0x1fd: {  	_ =	swait.ge [sflag:s4], $0x6400  }
0x1fe: {  	s0 =	sld [smem:$0x7F6]  }
0x1ff: {  	[sflag:s4] =	ssyncset.done $0x0  }
0x200: {  	[sflag:s4] =	ssyncadd.s32 $0xFFFF9C00  }
0x201: {  	[hbm4b:s0+s1] =	stream.linear.scatter [tilespmem:s10], [sflag:$0x2], $0x1900, $0x38;
	[tilespmem:$0x1C420] =	vst v63  }
0x202: {  	s6 =	sadd.s32 $0x380, s0  }
0x203: {  	[hbm4b:s6+s1] =	stream.linear.scatter [tilespmem:s9], [sflag:$0x2], $0x1900, $0x38;
	[tilespmem:$0x1C420] =	vst v63  }
0x204: {  	[smem:$0x7B6] =	sst s6;
	s6 =	sadd.s32 $0x700, s0  }
0x205: {  	[smem:$0x7B7] =	sst s6  }
0x206: {  	[hbm4b:s6+s1] =	stream.linear.scatter [tilespmem:s8], [sflag:$0x2], $0x1900, $0x38;
	[tilespmem:$0x1C420] =	vst v63  }
0x207: {  	s0 =	sadd.s32 $0xA80, s0;
	s6 =	sld [smem:$0x7D2]  }
0x208: {  	[hbm4b:s0+s1] =	stream.linear.scatter [tilespmem:s7], [sflag:$0x2], $0x1900, $0x38;
	[tilespmem:$0x1C420] =	vst v63  }
0x209: {  	[smem:$0x7B8] =	sst s0  }
0x20a: {  	[tilespmem:s26], [sflag:$0x1] =	stream.linear.gather [hbm4b:s6+s1], $0xC8, $0x38;
	[tilespmem:$0x1C420] =	vst v63  }
0x20b: {  	_ =	swait.ge [sflag:s5], $0xC8  }
0x20c: {  	[sflag:s5] =	ssyncset.done $0x0  }
0x20d: {  	[sflag:s5] =	ssyncadd.s32 $0xFFFFFF38  }
0x20e: {  	_ =	swait.ge [sflag:s4], $0x6400  }
0x20f: {  	s0 =	sld [smem:$0x7F7]  }
0x210: {  	[sflag:s4] =	ssyncset.done $0x0  }
0x211: {  	[sflag:s4] =	ssyncadd.s32 $0xFFFF9C00  }
0x212: {  	[hbm4b:s0+s1] =	stream.linear.scatter [tilespmem:s24], [sflag:$0x2], $0x1900, $0x38;
	[tilespmem:$0x1C420] =	vst v63  }
0x213: {  	s6 =	sadd.s32 $0x380, s0  }
0x214: {  	[hbm4b:s6+s1] =	stream.linear.scatter [tilespmem:s23], [sflag:$0x2], $0x1900, $0x38;
	[tilespmem:$0x1C420] =	vst v63  }
0x215: {  	[smem:$0x7B9] =	sst s6;
	s6 =	sadd.s32 $0x700, s0  }
0x216: {  	[smem:$0x7BA] =	sst s6  }
0x217: {  	[hbm4b:s6+s1] =	stream.linear.scatter [tilespmem:s22], [sflag:$0x2], $0x1900, $0x38;
	[tilespmem:$0x1C420] =	vst v63  }
0x218: {  	s0 =	sadd.s32 $0xA80, s0;
	s6 =	sld [smem:$0x7D3]  }
0x219: {  	[hbm4b:s0+s1] =	stream.linear.scatter [tilespmem:s21], [sflag:$0x2], $0x1900, $0x38;
	[tilespmem:$0x1C420] =	vst v63  }
0x21a: {  	[smem:$0x7BB] =	sst s0  }
0x21b: {  	[tilespmem:s2], [sflag:$0x1] =	stream.linear.gather [hbm4b:s6+s1], $0xC8, $0x38;
	[tilespmem:$0x1C420] =	vst v63  }
0x21c: {  	_ =	swait.ge [sflag:s5], $0xC8  }
0x21d: {  	[sflag:s5] =	ssyncset.done $0x0  }
0x21e: {  	[sflag:s5] =	ssyncadd.s32 $0xFFFFFF38  }
0x21f: {  	_ =	swait.ge [sflag:s4], $0x6400  }
0x220: {  	s0 =	sld [smem:$0x7F8]  }
0x221: {  	[sflag:s4] =	ssyncset.done $0x0  }
0x222: {  	[sflag:s4] =	ssyncadd.s32 $0xFFFF9C00  }
0x223: {  	[hbm4b:s0+s1] =	stream.linear.scatter [tilespmem:s19], [sflag:$0x2], $0x1900, $0x38;
	[tilespmem:$0x1C420] =	vst v63  }
0x224: {  	s6 =	sadd.s32 $0x380, s0  }
0x225: {  	[hbm4b:s6+s1] =	stream.linear.scatter [tilespmem:s18], [sflag:$0x2], $0x1900, $0x38;
	[tilespmem:$0x1C420] =	vst v63  }
0x226: {  	[smem:$0x7BC] =	sst s6;
	s6 =	sadd.s32 $0x700, s0  }
0x227: {  	[smem:$0x7BD] =	sst s6  }
0x228: {  	[hbm4b:s6+s1] =	stream.linear.scatter [tilespmem:s17], [sflag:$0x2], $0x1900, $0x38;
	[tilespmem:$0x1C420] =	vst v63  }
0x229: {  	s0 =	sadd.s32 $0xA80, s0;
	s6 =	sld [smem:$0x7D4]  }
0x22a: {  	[hbm4b:s0+s1] =	stream.linear.scatter [tilespmem:s16], [sflag:$0x2], $0x1900, $0x38;
	[tilespmem:$0x1C420] =	vst v63  }
0x22b: {  	[smem:$0x7BE] =	sst s0  }
0x22c: {  	[tilespmem:s31], [sflag:$0x1] =	stream.linear.gather [hbm4b:s6+s1], $0xC8, $0x38;
	[tilespmem:$0x1C420] =	vst v63  }
0x22d: {  	_ =	swait.ge [sflag:s5], $0xC8  }
0x22e: {  	[sflag:s5] =	ssyncset.done $0x0  }
0x22f: {  	[sflag:s5] =	ssyncadd.s32 $0xFFFFFF38  }
0x230: {  	_ =	swait.ge [sflag:s4], $0x6400  }
0x231: {  	s0 =	sld [smem:$0x7F9]  }
0x232: {  	[sflag:s4] =	ssyncset.done $0x0  }
0x233: {  	[sflag:s4] =	ssyncadd.s32 $0xFFFF9C00  }
0x234: {  	[hbm4b:s0+s1] =	stream.linear.scatter [tilespmem:s15], [sflag:$0x2], $0x1900, $0x38;
	[tilespmem:$0x1C420] =	vst v63  }
0x235: {  	s6 =	sadd.s32 $0x380, s0  }
0x236: {  	[hbm4b:s6+s1] =	stream.linear.scatter [tilespmem:s14], [sflag:$0x2], $0x1900, $0x38;
	[tilespmem:$0x1C420] =	vst v63  }
0x237: {  	[smem:$0x7BF] =	sst s6;
	s6 =	sadd.s32 $0x700, s0  }
0x238: {  	[smem:$0x7C0] =	sst s6  }
0x239: {  	[hbm4b:s6+s1] =	stream.linear.scatter [tilespmem:s13], [sflag:$0x2], $0x1900, $0x38;
	[tilespmem:$0x1C420] =	vst v63  }
0x23a: {  	s0 =	sadd.s32 $0xA80, s0;
	s6 =	sld [smem:$0x7D6]  }
0x23b: {  	[hbm4b:s0+s1] =	stream.linear.scatter [tilespmem:s12], [sflag:$0x2], $0x1900, $0x38;
	[tilespmem:$0x1C420] =	vst v63  }
0x23c: {  	[smem:$0x7C1] =	sst s0  }
0x23d: {  	[tilespmem:s29], [sflag:$0x1] =	stream.linear.gather [hbm4b:s6+s1], $0xC8, $0x38;
	[tilespmem:$0x1C420] =	vst v63  }
0x23e: {  	_ =	swait.ge [sflag:s5], $0xC8  }
0x23f: {  	[sflag:s5] =	ssyncset.done $0x0  }
0x240: {  	[sflag:s5] =	ssyncadd.s32 $0xFFFFFF38  }
0x241: {  	_ =	swait.ge [sflag:s4], $0x6400  }
0x242: {  	s0 =	sld [smem:$0x7FA]  }
0x243: {  	[sflag:s4] =	ssyncset.done $0x0  }
0x244: {  	[sflag:s4] =	ssyncadd.s32 $0xFFFF9C00  }
0x245: {  	[hbm4b:s0+s1] =	stream.linear.scatter [tilespmem:s10], [sflag:$0x2], $0x1900, $0x38;
	[tilespmem:$0x1C420] =	vst v63  }
0x246: {  	s6 =	sadd.s32 $0x380, s0  }
0x247: {  	[hbm4b:s6+s1] =	stream.linear.scatter [tilespmem:s9], [sflag:$0x2], $0x1900, $0x38;
	[tilespmem:$0x1C420] =	vst v63  }
0x248: {  	[smem:$0x7C2] =	sst s6;
	s6 =	sadd.s32 $0x700, s0  }
0x249: {  	[smem:$0x7C3] =	sst s6  }
0x24a: {  	[hbm4b:s6+s1] =	stream.linear.scatter [tilespmem:s8], [sflag:$0x2], $0x1900, $0x38;
	[tilespmem:$0x1C420] =	vst v63  }
0x24b: {  	s0 =	sadd.s32 $0xA80, s0;
	s6 =	sld [smem:$0x7D8]  }
0x24c: {  	[hbm4b:s0+s1] =	stream.linear.scatter [tilespmem:s7], [sflag:$0x2], $0x1900, $0x38;
	[tilespmem:$0x1C420] =	vst v63  }
0x24d: {  	[smem:$0x7C4] =	sst s0  }
0x24e: {  	[tilespmem:s26], [sflag:$0x1] =	stream.linear.gather [hbm4b:s6+s1], $0xC8, $0x38;
	[tilespmem:$0x1C420] =	vst v63  }
0x24f: {  	_ =	swait.ge [sflag:s5], $0xC8  }
0x250: {  	[sflag:s5] =	ssyncset.done $0x0  }
0x251: {  	[sflag:s5] =	ssyncadd.s32 $0xFFFFFF38  }
0x252: {  	_ =	swait.ge [sflag:s4], $0x6400  }
0x253: {  	s3 =	sadd.s32 $0x380, s25;
	[sflag:s4] =	ssyncset.done $0x0  }
0x254: {  	s6 =	sadd.s32 $0x700, s25;
	[smem:$0x7C5] =	sst s3;
	[sflag:s4] =	ssyncadd.s32 $0xFFFF9C00  }
0x255: {  	[hbm4b:s25+s1] =	stream.linear.scatter [tilespmem:s24], [sflag:$0x2], $0x1900, $0x38;
	[tilespmem:$0x1C420] =	vst v63  }
0x256: {  	[smem:$0x7C6] =	sst s6  }
0x257: {  	[hbm4b:s3+s1] =	stream.linear.scatter [tilespmem:s23], [sflag:$0x2], $0x1900, $0x38;
	[tilespmem:$0x1C420] =	vst v63  }
0x258: {  	[smem:$0x7C7] =	sst s25;
	s3 =	sadd.s32 $0xA80, s25  }
0x259: {  	[hbm4b:s6+s1] =	stream.linear.scatter [tilespmem:s22], [sflag:$0x2], $0x1900, $0x38;
	[tilespmem:$0x1C420] =	vst v63  }
0x25a: {  	[smem:$0x7C8] =	sst s3  }
0x25b: {  	[hbm4b:s3+s1] =	stream.linear.scatter [tilespmem:s21], [sflag:$0x2], $0x1900, $0x38;
	[tilespmem:$0x1C420] =	vst v63  }
0x25c: {  	_ =	swait.ge [sflag:s5], $0xC8  }
0x25d: {  	[sflag:s5] =	ssyncset.done $0x0  }
0x25e: {  	[sflag:s5] =	ssyncadd.s32 $0xFFFFFF38  }
0x25f: {  	_ =	swait.ge [sflag:s4], $0x6400  }
0x260: {  	[sflag:s4] =	ssyncset.done $0x0  }
0x261: {  	s6 =	sadd.s32 $0x380, s20;
	[sflag:s4] =	ssyncadd.s32 $0xFFFF9C00  }
0x262: {  	[hbm4b:s20+s1] =	stream.linear.scatter [tilespmem:s19], [sflag:$0x2], $0x1900, $0x38;
	[tilespmem:$0x1C420] =	vst v63  }
0x263: {  	s25 =	sadd.s32 $0x700, s20;
	[smem:$0x7C9] =	sst s6  }
0x264: {  	[hbm4b:s6+s1] =	stream.linear.scatter [tilespmem:s18], [sflag:$0x2], $0x1900, $0x38;
	[tilespmem:$0x1C420] =	vst v63  }
0x265: {  	s3 =	sadd.s32 $0xA80, s20;
	[smem:$0x7CA] =	sst s25  }
0x266: {  	[hbm4b:s25+s1] =	stream.linear.scatter [tilespmem:s17], [sflag:$0x2], $0x1900, $0x38;
	[tilespmem:$0x1C420] =	vst v63  }
0x267: {  	[smem:$0x7CB] =	sst s3  }
0x268: {  	[hbm4b:s3+s1] =	stream.linear.scatter [tilespmem:s16], [sflag:$0x2], $0x1900, $0x38;
	[tilespmem:$0x1C420] =	vst v63  }
0x269: {  	_ =	swait.ge [sflag:s5], $0xC8  }
0x26a: {  	[sflag:s5] =	ssyncset.done $0x0  }
0x26b: {  	[sflag:s5] =	ssyncadd.s32 $0xFFFFFF38  }
0x26c: {  	_ =	swait.ge [sflag:s4], $0x6400  }
0x26d: {  	[sflag:s4] =	ssyncset.done $0x0  }
0x26e: {  	[smem:$0x7CC] =	sst s11;
	[sflag:s4] =	ssyncadd.s32 $0xFFFF9C00  }
0x26f: {  	[hbm4b:s11+s1] =	stream.linear.scatter [tilespmem:s15], [sflag:$0x2], $0x1900, $0x38;
	[tilespmem:$0x1C420] =	vst v63  }
0x270: {  	s6 =	sadd.s32 $0x380, s11;
	[smem:$0x7CD] =	sst s20  }
0x271: {  	[hbm4b:s6+s1] =	stream.linear.scatter [tilespmem:s14], [sflag:$0x2], $0x1900, $0x38;
	[tilespmem:$0x1C420] =	vst v63  }
0x272: {  	[smem:$0x7CE] =	sst s6;
	s20 =	sadd.s32 $0x700, s11  }
0x273: {  	[hbm4b:s20+s1] =	stream.linear.scatter [tilespmem:s13], [sflag:$0x2], $0x1900, $0x38;
	[tilespmem:$0x1C420] =	vst v63  }
0x274: {  	s25 =	sadd.s32 $0xA80, s11;
	[smem:$0x7CF] =	sst s20  }
0x275: {  	[hbm4b:s25+s1] =	stream.linear.scatter [tilespmem:s12], [sflag:$0x2], $0x1900, $0x38;
	[tilespmem:$0x1C420] =	vst v63  }
0x276: {  	_ =	swait.ge [sflag:s5], $0xC8  }
0x277: {  	[sflag:s5] =	ssyncset.done $0x0  }
0x278: {  	[sflag:s5] =	ssyncadd.s32 $0xFFFFFF38  }
0x279: {  	_ =	swait.ge [sflag:s4], $0x6400  }
0x27a: {  	[sflag:s4] =	ssyncset.done $0x0  }
0x27b: {  	[sflag:s4] =	ssyncadd.s32 $0xFFFF9C00  }
0x27c: {  	[hbm4b:s28+s1] =	stream.linear.scatter [tilespmem:s10], [sflag:$0x2], $0x1900, $0x38;
	[tilespmem:$0x1C420] =	vst v63  }
0x27d: {  	s3 =	sadd.s32 $0x380, s28  }
0x27e: {  	[hbm4b:s3+s1] =	stream.linear.scatter [tilespmem:s9], [sflag:$0x2], $0x1900, $0x38;
	[tilespmem:$0x1C420] =	vst v63  }
0x27f: {  	s6 =	sadd.s32 $0x700, s28  }
0x280: {  	[hbm4b:s6+s1] =	stream.linear.scatter [tilespmem:s8], [sflag:$0x2], $0x1900, $0x38;
	[tilespmem:$0x1C420] =	vst v63  }
0x281: {  	s20 =	smov.u32 s3;
	s3 =	sadd.s32 $0xA80, s28  }
0x282: {  	[hbm4b:s3+s1] =	stream.linear.scatter [tilespmem:s7], [sflag:$0x2], $0x1900, $0x38;
	[tilespmem:$0x1C420] =	vst v63  }
0x283: {  	_ =	swait.ge [sflag:s4], $0x6400  }
0x284: {  	[sflag:s4] =	ssyncset.done $0x0  }
0x285: {  	[sflag:s4] =	ssyncadd.s32 $0xFFFF9C00  }
0x286: {  	_ =	swait.ge [sflag:s4], $0x6400  }
0x287: {  	[sflag:s4] =	ssyncset.done $0x0  }
0x288: {  	[sflag:s4] =	ssyncadd.s32 $0xFFFF9C00  }
0x289: {  	s11 =	smov.u32 s25;
	_ =	swait.ge [sflag:s4], $0x6400  }
0x28a: {  	s25 =	smov.u32 s6;
	s6 =	smov.u32 s3;
	s3 =	sld [smem:$0x7D0]  }
0x28b: {  	_ =	sdelay $0x1  }
0x28c: {  	s28 =	sadd.s32 $0xFFFFFFFF, s3  }
0x28d: {  	p2 =	sne.s32 s28, $0x0  }
.Ltmp1:
0x28e: {  	_ = 	snop;
	(pc) =	sbr.rel @!p2 .LBB2_3-.Ltmp1, $4  }
0x28f: {  	[sflag:s4] =	ssyncset.done $0x0  }
0x290: {  	[sflag:s4] =	ssyncadd.s32 $0xFFFF9C00  }
0x291: {  	_ =	swait.ge [sflag:s4], $0x6400  }
0x292: {  	p1 =	por $0x1, $0x1;
	[sflag:s4] =	ssyncset.done $0x0;
	s30 =	sld [smem:$0x7FC]  }
.LBB2_4:
0x293: {  	_ = 	snop  }
0x294: {  	s3 =	rddreg [dreg:$0x5];
	[sflag:s4] =	ssyncadd.s32 $0xFFFF9C00;
	s0 =	simm.s32 @!p0 $0x1C03  }
0x295: {  	[spmem:s30], [sflag:s0] =	dma.local @!p0 [hbm:s3], $0x40  }
0x296: {  	s0 =	simm.s32 @!p0 $0x3  }
0x297: {  	_ =	swait.ge @!p0 [sflag:s0], $0x40  }
0x298: {  	[sflag:s0] =	ssyncset.done @!p0 $0x0  }
0x299: {  	[sflag:s0] =	ssyncadd.s32 @!p0 $0xFFFFFFC0  }
0x29a: {  	[bflag:$0x0] =	sbarrier.arrive $0xFFFF  }
0x29b: {  	s0 =	rddreg [dreg:$0x6]  }
0x29c: {  	[tilespmem:s2], [sflag:$0x1] =	stream.linear.gather [hbm4b:s0+s1], $0xC8, $0x38;
	[tilespmem:$0x1C420] =	vst v63  }
0x29d: {  	s30 =	rddreg [dreg:$0x7]  }
0x29e: {  	[tilespmem:s31], [sflag:$0x1] =	stream.linear.gather [hbm4b:s30+s1], $0xC8, $0x38;
	[tilespmem:$0x1C420] =	vst v63  }
0x29f: {  	s0 =	rddreg [dreg:$0x8]  }
0x2a0: {  	[tilespmem:s29], [sflag:$0x1] =	stream.linear.gather [hbm4b:s0+s1], $0xC8, $0x38;
	[tilespmem:$0x1C420] =	vst v63  }
0x2a1: {  	s30 =	rddreg [dreg:$0x9]  }
0x2a2: {  	[tilespmem:s26], [sflag:$0x1] =	stream.linear.gather [hbm4b:s30+s1], $0xC8, $0x38;
	[tilespmem:$0x1C420] =	vst v63  }
0x2a3: {  	_ =	swait.ge [sflag:s5], $0xC8  }
0x2a4: {  	s0 =	sld [smem:$0x7DB]  }
0x2a5: {  	[sflag:s5] =	ssyncset.done $0x0  }
0x2a6: {  	s3 =	sld [smem:$0x771];
	[sflag:s5] =	ssyncadd.s32 $0xFFFFFF38  }
0x2a7: {  	[hbm4b:s0+s1] =	stream.linear.scatter [tilespmem:s24], [sflag:$0x2], $0x1900, $0x38;
	[tilespmem:$0x1C420] =	vst v63  }
0x2a8: {  	_ = 	snop  }
0x2a9: {  	[hbm4b:s3+s1] =	stream.linear.scatter [tilespmem:s23], [sflag:$0x2], $0x1900, $0x38;
	[tilespmem:$0x1C420] =	vst v63  }
0x2aa: {  	s3 =	sld [smem:$0x772];
	_ =	sdelay $0x1  }
0x2ab: {  	s0 =	sld [smem:$0x773]  }
0x2ac: {  	[hbm4b:s3+s1] =	stream.linear.scatter [tilespmem:s22], [sflag:$0x2], $0x1900, $0x38;
	[tilespmem:$0x1C420] =	vst v63  }
0x2ad: {  	_ = 	snop  }
0x2ae: {  	[hbm4b:s0+s1] =	stream.linear.scatter [tilespmem:s21], [sflag:$0x2], $0x1900, $0x38;
	[tilespmem:$0x1C420] =	vst v63  }
0x2af: {  	s3 =	rddreg [dreg:$0xa]  }
0x2b0: {  	[tilespmem:s2], [sflag:$0x1] =	stream.linear.gather [hbm4b:s3+s1], $0xC8, $0x38;
	[tilespmem:$0x1C420] =	vst v63  }
0x2b1: {  	_ =	swait.ge [sflag:s5], $0xC8  }
0x2b2: {  	s0 =	sld [smem:$0x7DE]  }
0x2b3: {  	[sflag:s5] =	ssyncset.done $0x0  }
0x2b4: {  	s3 =	sld [smem:$0x774];
	[sflag:s5] =	ssyncadd.s32 $0xFFFFFF38  }
0x2b5: {  	[hbm4b:s0+s1] =	stream.linear.scatter [tilespmem:s19], [sflag:$0x2], $0x1900, $0x38;
	[tilespmem:$0x1C420] =	vst v63  }
0x2b6: {  	_ = 	snop  }
0x2b7: {  	[hbm4b:s3+s1] =	stream.linear.scatter [tilespmem:s18], [sflag:$0x2], $0x1900, $0x38;
	[tilespmem:$0x1C420] =	vst v63  }
0x2b8: {  	s3 =	sld [smem:$0x775];
	_ =	sdelay $0x1  }
0x2b9: {  	s0 =	sld [smem:$0x776]  }
0x2ba: {  	[hbm4b:s3+s1] =	stream.linear.scatter [tilespmem:s17], [sflag:$0x2], $0x1900, $0x38;
	[tilespmem:$0x1C420] =	vst v63  }
0x2bb: {  	_ = 	snop  }
0x2bc: {  	[hbm4b:s0+s1] =	stream.linear.scatter [tilespmem:s16], [sflag:$0x2], $0x1900, $0x38;
	[tilespmem:$0x1C420] =	vst v63  }
0x2bd: {  	s3 =	rddreg [dreg:$0xb]  }
0x2be: {  	[tilespmem:s31], [sflag:$0x1] =	stream.linear.gather [hbm4b:s3+s1], $0xC8, $0x38;
	[tilespmem:$0x1C420] =	vst v63  }
0x2bf: {  	_ =	swait.ge [sflag:s5], $0xC8  }
0x2c0: {  	s0 =	sld [smem:$0x7E0]  }
0x2c1: {  	[sflag:s5] =	ssyncset.done $0x0  }
0x2c2: {  	s3 =	sld [smem:$0x777];
	[sflag:s5] =	ssyncadd.s32 $0xFFFFFF38  }
0x2c3: {  	[hbm4b:s0+s1] =	stream.linear.scatter [tilespmem:s15], [sflag:$0x2], $0x1900, $0x38;
	[tilespmem:$0x1C420] =	vst v63  }
0x2c4: {  	_ = 	snop  }
0x2c5: {  	[hbm4b:s3+s1] =	stream.linear.scatter [tilespmem:s14], [sflag:$0x2], $0x1900, $0x38;
	[tilespmem:$0x1C420] =	vst v63  }
0x2c6: {  	s3 =	sld [smem:$0x778];
	_ =	sdelay $0x1  }
0x2c7: {  	s0 =	sld [smem:$0x779]  }
0x2c8: {  	[hbm4b:s3+s1] =	stream.linear.scatter [tilespmem:s13], [sflag:$0x2], $0x1900, $0x38;
	[tilespmem:$0x1C420] =	vst v63  }
0x2c9: {  	_ = 	snop  }
0x2ca: {  	[hbm4b:s0+s1] =	stream.linear.scatter [tilespmem:s12], [sflag:$0x2], $0x1900, $0x38;
	[tilespmem:$0x1C420] =	vst v63  }
0x2cb: {  	s3 =	rddreg [dreg:$0xc]  }
0x2cc: {  	[tilespmem:s29], [sflag:$0x1] =	stream.linear.gather [hbm4b:s3+s1], $0xC8, $0x38;
	[tilespmem:$0x1C420] =	vst v63  }
0x2cd: {  	_ =	swait.ge [sflag:s5], $0xC8  }
0x2ce: {  	s0 =	sld [smem:$0x7E2]  }
0x2cf: {  	[sflag:s5] =	ssyncset.done $0x0  }
0x2d0: {  	s3 =	sld [smem:$0x77A];
	[sflag:s5] =	ssyncadd.s32 $0xFFFFFF38  }
0x2d1: {  	[hbm4b:s0+s1] =	stream.linear.scatter [tilespmem:s10], [sflag:$0x2], $0x1900, $0x38;
	[tilespmem:$0x1C420] =	vst v63  }
0x2d2: {  	_ = 	snop  }
0x2d3: {  	[hbm4b:s3+s1] =	stream.linear.scatter [tilespmem:s9], [sflag:$0x2], $0x1900, $0x38;
	[tilespmem:$0x1C420] =	vst v63  }
0x2d4: {  	s3 =	sld [smem:$0x77B];
	_ =	sdelay $0x1  }
0x2d5: {  	s0 =	sld [smem:$0x77C]  }
0x2d6: {  	[hbm4b:s3+s1] =	stream.linear.scatter [tilespmem:s8], [sflag:$0x2], $0x1900, $0x38;
	[tilespmem:$0x1C420] =	vst v63  }
0x2d7: {  	_ = 	snop  }
0x2d8: {  	[hbm4b:s0+s1] =	stream.linear.scatter [tilespmem:s7], [sflag:$0x2], $0x1900, $0x38;
	[tilespmem:$0x1C420] =	vst v63  }
0x2d9: {  	s3 =	rddreg [dreg:$0xd]  }
0x2da: {  	[tilespmem:s26], [sflag:$0x1] =	stream.linear.gather [hbm4b:s3+s1], $0xC8, $0x38;
	[tilespmem:$0x1C420] =	vst v63  }
0x2db: {  	_ =	swait.ge [sflag:s5], $0xC8  }
0x2dc: {  	[sflag:s5] =	ssyncset.done $0x0  }
0x2dd: {  	[sflag:s5] =	ssyncadd.s32 $0xFFFFFF38  }
0x2de: {  	_ =	swait.ge [sflag:s4], $0x6400  }
0x2df: {  	s0 =	sld [smem:$0x7E3]  }
0x2e0: {  	[sflag:s4] =	ssyncset.done $0x0  }
0x2e1: {  	s3 =	sld [smem:$0x77D];
	[sflag:s4] =	ssyncadd.s32 $0xFFFF9C00  }
0x2e2: {  	[hbm4b:s0+s1] =	stream.linear.scatter [tilespmem:s24], [sflag:$0x2], $0x1900, $0x38;
	[tilespmem:$0x1C420] =	vst v63  }
0x2e3: {  	_ = 	snop  }
0x2e4: {  	[hbm4b:s3+s1] =	stream.linear.scatter [tilespmem:s23], [sflag:$0x2], $0x1900, $0x38;
	[tilespmem:$0x1C420] =	vst v63  }
0x2e5: {  	s3 =	sld [smem:$0x77E];
	_ =	sdelay $0x1  }
0x2e6: {  	s0 =	sld [smem:$0x77F]  }
0x2e7: {  	[hbm4b:s3+s1] =	stream.linear.scatter [tilespmem:s22], [sflag:$0x2], $0x1900, $0x38;
	[tilespmem:$0x1C420] =	vst v63  }
0x2e8: {  	_ = 	snop  }
0x2e9: {  	[hbm4b:s0+s1] =	stream.linear.scatter [tilespmem:s21], [sflag:$0x2], $0x1900, $0x38;
	[tilespmem:$0x1C420] =	vst v63  }
0x2ea: {  	s3 =	rddreg [dreg:$0xe]  }
0x2eb: {  	[tilespmem:s2], [sflag:$0x1] =	stream.linear.gather [hbm4b:s3+s1], $0xC8, $0x38;
	[tilespmem:$0x1C420] =	vst v63  }
0x2ec: {  	_ =	swait.ge [sflag:s5], $0xC8  }
0x2ed: {  	[sflag:s5] =	ssyncset.done $0x0  }
0x2ee: {  	[sflag:s5] =	ssyncadd.s32 $0xFFFFFF38  }
0x2ef: {  	_ =	swait.ge [sflag:s4], $0x6400  }
0x2f0: {  	s0 =	sld [smem:$0x7E4]  }
0x2f1: {  	[sflag:s4] =	ssyncset.done $0x0  }
0x2f2: {  	s3 =	sld [smem:$0x780];
	[sflag:s4] =	ssyncadd.s32 $0xFFFF9C00  }
0x2f3: {  	[hbm4b:s0+s1] =	stream.linear.scatter [tilespmem:s19], [sflag:$0x2], $0x1900, $0x38;
	[tilespmem:$0x1C420] =	vst v63  }
0x2f4: {  	_ = 	snop  }
0x2f5: {  	[hbm4b:s3+s1] =	stream.linear.scatter [tilespmem:s18], [sflag:$0x2], $0x1900, $0x38;
	[tilespmem:$0x1C420] =	vst v63  }
0x2f6: {  	s3 =	sld [smem:$0x781];
	_ =	sdelay $0x1  }
0x2f7: {  	s0 =	sld [smem:$0x782]  }
0x2f8: {  	[hbm4b:s3+s1] =	stream.linear.scatter [tilespmem:s17], [sflag:$0x2], $0x1900, $0x38;
	[tilespmem:$0x1C420] =	vst v63  }
0x2f9: {  	_ = 	snop  }
0x2fa: {  	[hbm4b:s0+s1] =	stream.linear.scatter [tilespmem:s16], [sflag:$0x2], $0x1900, $0x38;
	[tilespmem:$0x1C420] =	vst v63  }
0x2fb: {  	s3 =	rddreg [dreg:$0xf]  }
0x2fc: {  	[tilespmem:s31], [sflag:$0x1] =	stream.linear.gather [hbm4b:s3+s1], $0xC8, $0x38;
	[tilespmem:$0x1C420] =	vst v63  }
0x2fd: {  	_ =	swait.ge [sflag:s5], $0xC8  }
0x2fe: {  	[sflag:s5] =	ssyncset.done $0x0  }
0x2ff: {  	[sflag:s5] =	ssyncadd.s32 $0xFFFFFF38  }
0x300: {  	_ =	swait.ge [sflag:s4], $0x6400  }
0x301: {  	s0 =	sld [smem:$0x7E5]  }
0x302: {  	[sflag:s4] =	ssyncset.done $0x0  }
0x303: {  	s3 =	sld [smem:$0x783];
	[sflag:s4] =	ssyncadd.s32 $0xFFFF9C00  }
0x304: {  	[hbm4b:s0+s1] =	stream.linear.scatter [tilespmem:s15], [sflag:$0x2], $0x1900, $0x38;
	[tilespmem:$0x1C420] =	vst v63  }
0x305: {  	_ = 	snop  }
0x306: {  	[hbm4b:s3+s1] =	stream.linear.scatter [tilespmem:s14], [sflag:$0x2], $0x1900, $0x38;
	[tilespmem:$0x1C420] =	vst v63  }
0x307: {  	s3 =	sld [smem:$0x784];
	_ =	sdelay $0x1  }
0x308: {  	s0 =	sld [smem:$0x785]  }
0x309: {  	[hbm4b:s3+s1] =	stream.linear.scatter [tilespmem:s13], [sflag:$0x2], $0x1900, $0x38;
	[tilespmem:$0x1C420] =	vst v63  }
0x30a: {  	_ = 	snop  }
0x30b: {  	[hbm4b:s0+s1] =	stream.linear.scatter [tilespmem:s12], [sflag:$0x2], $0x1900, $0x38;
	[tilespmem:$0x1C420] =	vst v63  }
0x30c: {  	s3 =	rddreg [dreg:$0x10]  }
0x30d: {  	[tilespmem:s29], [sflag:$0x1] =	stream.linear.gather [hbm4b:s3+s1], $0xC8, $0x38;
	[tilespmem:$0x1C420] =	vst v63  }
0x30e: {  	_ =	swait.ge [sflag:s5], $0xC8  }
0x30f: {  	[sflag:s5] =	ssyncset.done $0x0  }
0x310: {  	[sflag:s5] =	ssyncadd.s32 $0xFFFFFF38  }
0x311: {  	_ =	swait.ge [sflag:s4], $0x6400  }
0x312: {  	s0 =	sld [smem:$0x7E6]  }
0x313: {  	[sflag:s4] =	ssyncset.done $0x0  }
0x314: {  	s3 =	sld [smem:$0x786];
	[sflag:s4] =	ssyncadd.s32 $0xFFFF9C00  }
0x315: {  	[hbm4b:s0+s1] =	stream.linear.scatter [tilespmem:s10], [sflag:$0x2], $0x1900, $0x38;
	[tilespmem:$0x1C420] =	vst v63  }
0x316: {  	_ = 	snop  }
0x317: {  	[hbm4b:s3+s1] =	stream.linear.scatter [tilespmem:s9], [sflag:$0x2], $0x1900, $0x38;
	[tilespmem:$0x1C420] =	vst v63  }
0x318: {  	s3 =	sld [smem:$0x787];
	_ =	sdelay $0x1  }
0x319: {  	s0 =	sld [smem:$0x788]  }
0x31a: {  	[hbm4b:s3+s1] =	stream.linear.scatter [tilespmem:s8], [sflag:$0x2], $0x1900, $0x38;
	[tilespmem:$0x1C420] =	vst v63  }
0x31b: {  	_ = 	snop  }
0x31c: {  	[hbm4b:s0+s1] =	stream.linear.scatter [tilespmem:s7], [sflag:$0x2], $0x1900, $0x38;
	[tilespmem:$0x1C420] =	vst v63  }
0x31d: {  	s3 =	rddreg [dreg:$0x11]  }
0x31e: {  	[tilespmem:s26], [sflag:$0x1] =	stream.linear.gather [hbm4b:s3+s1], $0xC8, $0x38;
	[tilespmem:$0x1C420] =	vst v63  }
0x31f: {  	_ =	swait.ge [sflag:s5], $0xC8  }
0x320: {  	[sflag:s5] =	ssyncset.done $0x0  }
0x321: {  	[sflag:s5] =	ssyncadd.s32 $0xFFFFFF38  }
0x322: {  	_ =	swait.ge [sflag:s4], $0x6400  }
0x323: {  	s0 =	sld [smem:$0x7E7]  }
0x324: {  	[sflag:s4] =	ssyncset.done $0x0  }
0x325: {  	s3 =	sld [smem:$0x789];
	[sflag:s4] =	ssyncadd.s32 $0xFFFF9C00  }
0x326: {  	[hbm4b:s0+s1] =	stream.linear.scatter [tilespmem:s24], [sflag:$0x2], $0x1900, $0x38;
	[tilespmem:$0x1C420] =	vst v63  }
0x327: {  	_ = 	snop  }
0x328: {  	[hbm4b:s3+s1] =	stream.linear.scatter [tilespmem:s23], [sflag:$0x2], $0x1900, $0x38;
	[tilespmem:$0x1C420] =	vst v63  }
0x329: {  	s3 =	sld [smem:$0x78A];
	_ =	sdelay $0x1  }
0x32a: {  	s0 =	sld [smem:$0x78B]  }
0x32b: {  	[hbm4b:s3+s1] =	stream.linear.scatter [tilespmem:s22], [sflag:$0x2], $0x1900, $0x38;
	[tilespmem:$0x1C420] =	vst v63  }
0x32c: {  	_ = 	snop  }
0x32d: {  	[hbm4b:s0+s1] =	stream.linear.scatter [tilespmem:s21], [sflag:$0x2], $0x1900, $0x38;
	[tilespmem:$0x1C420] =	vst v63  }
0x32e: {  	s3 =	rddreg [dreg:$0x12]  }
0x32f: {  	[tilespmem:s2], [sflag:$0x1] =	stream.linear.gather [hbm4b:s3+s1], $0xC8, $0x38;
	[tilespmem:$0x1C420] =	vst v63  }
0x330: {  	_ =	swait.ge [sflag:s5], $0xC8  }
0x331: {  	[sflag:s5] =	ssyncset.done $0x0  }
0x332: {  	[sflag:s5] =	ssyncadd.s32 $0xFFFFFF38  }
0x333: {  	_ =	swait.ge [sflag:s4], $0x6400  }
0x334: {  	s0 =	sld [smem:$0x7E8]  }
0x335: {  	[sflag:s4] =	ssyncset.done $0x0  }
0x336: {  	s3 =	sld [smem:$0x78C];
	[sflag:s4] =	ssyncadd.s32 $0xFFFF9C00  }
0x337: {  	[hbm4b:s0+s1] =	stream.linear.scatter [tilespmem:s19], [sflag:$0x2], $0x1900, $0x38;
	[tilespmem:$0x1C420] =	vst v63  }
0x338: {  	_ = 	snop  }
0x339: {  	[hbm4b:s3+s1] =	stream.linear.scatter [tilespmem:s18], [sflag:$0x2], $0x1900, $0x38;
	[tilespmem:$0x1C420] =	vst v63  }
0x33a: {  	s3 =	sld [smem:$0x78D];
	_ =	sdelay $0x1  }
0x33b: {  	s0 =	sld [smem:$0x78E]  }
0x33c: {  	[hbm4b:s3+s1] =	stream.linear.scatter [tilespmem:s17], [sflag:$0x2], $0x1900, $0x38;
	[tilespmem:$0x1C420] =	vst v63  }
0x33d: {  	_ = 	snop  }
0x33e: {  	[hbm4b:s0+s1] =	stream.linear.scatter [tilespmem:s16], [sflag:$0x2], $0x1900, $0x38;
	[tilespmem:$0x1C420] =	vst v63  }
0x33f: {  	s3 =	rddreg [dreg:$0x13]  }
0x340: {  	[tilespmem:s31], [sflag:$0x1] =	stream.linear.gather [hbm4b:s3+s1], $0xC8, $0x38;
	[tilespmem:$0x1C420] =	vst v63  }
0x341: {  	_ =	swait.ge [sflag:s5], $0xC8  }
0x342: {  	[sflag:s5] =	ssyncset.done $0x0  }
0x343: {  	[sflag:s5] =	ssyncadd.s32 $0xFFFFFF38  }
0x344: {  	_ =	swait.ge [sflag:s4], $0x6400  }
0x345: {  	s0 =	sld [smem:$0x7E9]  }
0x346: {  	[sflag:s4] =	ssyncset.done $0x0  }
0x347: {  	s3 =	sld [smem:$0x78F];
	[sflag:s4] =	ssyncadd.s32 $0xFFFF9C00  }
0x348: {  	[hbm4b:s0+s1] =	stream.linear.scatter [tilespmem:s15], [sflag:$0x2], $0x1900, $0x38;
	[tilespmem:$0x1C420] =	vst v63  }
0x349: {  	_ = 	snop  }
0x34a: {  	[hbm4b:s3+s1] =	stream.linear.scatter [tilespmem:s14], [sflag:$0x2], $0x1900, $0x38;
	[tilespmem:$0x1C420] =	vst v63  }
0x34b: {  	s3 =	sld [smem:$0x790];
	_ =	sdelay $0x1  }
0x34c: {  	s0 =	sld [smem:$0x791]  }
0x34d: {  	[hbm4b:s3+s1] =	stream.linear.scatter [tilespmem:s13], [sflag:$0x2], $0x1900, $0x38;
	[tilespmem:$0x1C420] =	vst v63  }
0x34e: {  	_ = 	snop  }
0x34f: {  	[hbm4b:s0+s1] =	stream.linear.scatter [tilespmem:s12], [sflag:$0x2], $0x1900, $0x38;
	[tilespmem:$0x1C420] =	vst v63  }
0x350: {  	s3 =	rddreg [dreg:$0x14]  }
0x351: {  	[tilespmem:s29], [sflag:$0x1] =	stream.linear.gather [hbm4b:s3+s1], $0xC8, $0x38;
	[tilespmem:$0x1C420] =	vst v63  }
0x352: {  	_ =	swait.ge [sflag:s5], $0xC8  }
0x353: {  	[sflag:s5] =	ssyncset.done $0x0  }
0x354: {  	[sflag:s5] =	ssyncadd.s32 $0xFFFFFF38  }
0x355: {  	_ =	swait.ge [sflag:s4], $0x6400  }
0x356: {  	s0 =	sld [smem:$0x7EA]  }
0x357: {  	[sflag:s4] =	ssyncset.done $0x0  }
0x358: {  	s3 =	sld [smem:$0x792];
	[sflag:s4] =	ssyncadd.s32 $0xFFFF9C00  }
0x359: {  	[hbm4b:s0+s1] =	stream.linear.scatter [tilespmem:s10], [sflag:$0x2], $0x1900, $0x38;
	[tilespmem:$0x1C420] =	vst v63  }
0x35a: {  	_ = 	snop  }
0x35b: {  	[hbm4b:s3+s1] =	stream.linear.scatter [tilespmem:s9], [sflag:$0x2], $0x1900, $0x38;
	[tilespmem:$0x1C420] =	vst v63  }
0x35c: {  	s3 =	sld [smem:$0x793];
	_ =	sdelay $0x1  }
0x35d: {  	s0 =	sld [smem:$0x794]  }
0x35e: {  	[hbm4b:s3+s1] =	stream.linear.scatter [tilespmem:s8], [sflag:$0x2], $0x1900, $0x38;
	[tilespmem:$0x1C420] =	vst v63  }
0x35f: {  	_ = 	snop  }
0x360: {  	[hbm4b:s0+s1] =	stream.linear.scatter [tilespmem:s7], [sflag:$0x2], $0x1900, $0x38;
	[tilespmem:$0x1C420] =	vst v63  }
0x361: {  	s3 =	rddreg [dreg:$0x15]  }
0x362: {  	[tilespmem:s26], [sflag:$0x1] =	stream.linear.gather [hbm4b:s3+s1], $0xC8, $0x38;
	[tilespmem:$0x1C420] =	vst v63  }
0x363: {  	_ =	swait.ge [sflag:s5], $0xC8  }
0x364: {  	[sflag:s5] =	ssyncset.done $0x0  }
0x365: {  	[sflag:s5] =	ssyncadd.s32 $0xFFFFFF38  }
0x366: {  	_ =	swait.ge [sflag:s4], $0x6400  }
0x367: {  	s0 =	sld [smem:$0x7EB]  }
0x368: {  	[sflag:s4] =	ssyncset.done $0x0  }
0x369: {  	s3 =	sld [smem:$0x795];
	[sflag:s4] =	ssyncadd.s32 $0xFFFF9C00  }
0x36a: {  	[hbm4b:s0+s1] =	stream.linear.scatter [tilespmem:s24], [sflag:$0x2], $0x1900, $0x38;
	[tilespmem:$0x1C420] =	vst v63  }
0x36b: {  	_ = 	snop  }
0x36c: {  	[hbm4b:s3+s1] =	stream.linear.scatter [tilespmem:s23], [sflag:$0x2], $0x1900, $0x38;
	[tilespmem:$0x1C420] =	vst v63  }
0x36d: {  	s3 =	sld [smem:$0x796];
	_ =	sdelay $0x1  }
0x36e: {  	s0 =	sld [smem:$0x797]  }
0x36f: {  	[hbm4b:s3+s1] =	stream.linear.scatter [tilespmem:s22], [sflag:$0x2], $0x1900, $0x38;
	[tilespmem:$0x1C420] =	vst v63  }
0x370: {  	_ = 	snop  }
0x371: {  	[hbm4b:s0+s1] =	stream.linear.scatter [tilespmem:s21], [sflag:$0x2], $0x1900, $0x38;
	[tilespmem:$0x1C420] =	vst v63  }
0x372: {  	s3 =	rddreg [dreg:$0x16]  }
0x373: {  	[tilespmem:s2], [sflag:$0x1] =	stream.linear.gather [hbm4b:s3+s1], $0xC8, $0x38;
	[tilespmem:$0x1C420] =	vst v63  }
0x374: {  	_ =	swait.ge [sflag:s5], $0xC8  }
0x375: {  	[sflag:s5] =	ssyncset.done $0x0  }
0x376: {  	[sflag:s5] =	ssyncadd.s32 $0xFFFFFF38  }
0x377: {  	_ =	swait.ge [sflag:s4], $0x6400  }
0x378: {  	s0 =	sld [smem:$0x7EC]  }
0x379: {  	[sflag:s4] =	ssyncset.done $0x0  }
0x37a: {  	s3 =	sld [smem:$0x798];
	[sflag:s4] =	ssyncadd.s32 $0xFFFF9C00  }
0x37b: {  	[hbm4b:s0+s1] =	stream.linear.scatter [tilespmem:s19], [sflag:$0x2], $0x1900, $0x38;
	[tilespmem:$0x1C420] =	vst v63  }
0x37c: {  	_ = 	snop  }
0x37d: {  	[hbm4b:s3+s1] =	stream.linear.scatter [tilespmem:s18], [sflag:$0x2], $0x1900, $0x38;
	[tilespmem:$0x1C420] =	vst v63  }
0x37e: {  	s3 =	sld [smem:$0x799];
	_ =	sdelay $0x1  }
0x37f: {  	s0 =	sld [smem:$0x79A]  }
0x380: {  	[hbm4b:s3+s1] =	stream.linear.scatter [tilespmem:s17], [sflag:$0x2], $0x1900, $0x38;
	[tilespmem:$0x1C420] =	vst v63  }
0x381: {  	_ = 	snop  }
0x382: {  	[hbm4b:s0+s1] =	stream.linear.scatter [tilespmem:s16], [sflag:$0x2], $0x1900, $0x38;
	[tilespmem:$0x1C420] =	vst v63  }
0x383: {  	s3 =	rddreg [dreg:$0x17]  }
0x384: {  	[tilespmem:s31], [sflag:$0x1] =	stream.linear.gather [hbm4b:s3+s1], $0xC8, $0x38;
	[tilespmem:$0x1C420] =	vst v63  }
0x385: {  	_ =	swait.ge [sflag:s5], $0xC8  }
0x386: {  	[sflag:s5] =	ssyncset.done $0x0  }
0x387: {  	[sflag:s5] =	ssyncadd.s32 $0xFFFFFF38  }
0x388: {  	_ =	swait.ge [sflag:s4], $0x6400  }
0x389: {  	s0 =	sld [smem:$0x7ED]  }
0x38a: {  	[sflag:s4] =	ssyncset.done $0x0  }
0x38b: {  	s3 =	sld [smem:$0x79B];
	[sflag:s4] =	ssyncadd.s32 $0xFFFF9C00  }
0x38c: {  	[hbm4b:s0+s1] =	stream.linear.scatter [tilespmem:s15], [sflag:$0x2], $0x1900, $0x38;
	[tilespmem:$0x1C420] =	vst v63  }
0x38d: {  	_ = 	snop  }
0x38e: {  	[hbm4b:s3+s1] =	stream.linear.scatter [tilespmem:s14], [sflag:$0x2], $0x1900, $0x38;
	[tilespmem:$0x1C420] =	vst v63  }
0x38f: {  	s3 =	sld [smem:$0x79C];
	_ =	sdelay $0x1  }
0x390: {  	s0 =	sld [smem:$0x79D]  }
0x391: {  	[hbm4b:s3+s1] =	stream.linear.scatter [tilespmem:s13], [sflag:$0x2], $0x1900, $0x38;
	[tilespmem:$0x1C420] =	vst v63  }
0x392: {  	_ = 	snop  }
0x393: {  	[hbm4b:s0+s1] =	stream.linear.scatter [tilespmem:s12], [sflag:$0x2], $0x1900, $0x38;
	[tilespmem:$0x1C420] =	vst v63  }
0x394: {  	s3 =	rddreg [dreg:$0x18]  }
0x395: {  	[tilespmem:s29], [sflag:$0x1] =	stream.linear.gather [hbm4b:s3+s1], $0xC8, $0x38;
	[tilespmem:$0x1C420] =	vst v63  }
0x396: {  	_ =	swait.ge [sflag:s5], $0xC8  }
0x397: {  	[sflag:s5] =	ssyncset.done $0x0  }
0x398: {  	[sflag:s5] =	ssyncadd.s32 $0xFFFFFF38  }
0x399: {  	_ =	swait.ge [sflag:s4], $0x6400  }
0x39a: {  	s0 =	sld [smem:$0x7EE]  }
0x39b: {  	[sflag:s4] =	ssyncset.done $0x0  }
0x39c: {  	s3 =	sld [smem:$0x79E];
	[sflag:s4] =	ssyncadd.s32 $0xFFFF9C00  }
0x39d: {  	[hbm4b:s0+s1] =	stream.linear.scatter [tilespmem:s10], [sflag:$0x2], $0x1900, $0x38;
	[tilespmem:$0x1C420] =	vst v63  }
0x39e: {  	_ = 	snop  }
0x39f: {  	[hbm4b:s3+s1] =	stream.linear.scatter [tilespmem:s9], [sflag:$0x2], $0x1900, $0x38;
	[tilespmem:$0x1C420] =	vst v63  }
0x3a0: {  	s3 =	sld [smem:$0x79F];
	_ =	sdelay $0x1  }
0x3a1: {  	s0 =	sld [smem:$0x7A0]  }
0x3a2: {  	[hbm4b:s3+s1] =	stream.linear.scatter [tilespmem:s8], [sflag:$0x2], $0x1900, $0x38;
	[tilespmem:$0x1C420] =	vst v63  }
0x3a3: {  	_ = 	snop  }
0x3a4: {  	[hbm4b:s0+s1] =	stream.linear.scatter [tilespmem:s7], [sflag:$0x2], $0x1900, $0x38;
	[tilespmem:$0x1C420] =	vst v63  }
0x3a5: {  	s3 =	rddreg [dreg:$0x19]  }
0x3a6: {  	[tilespmem:s26], [sflag:$0x1] =	stream.linear.gather [hbm4b:s3+s1], $0xC8, $0x38;
	[tilespmem:$0x1C420] =	vst v63  }
0x3a7: {  	_ =	swait.ge [sflag:s5], $0xC8  }
0x3a8: {  	[sflag:s5] =	ssyncset.done $0x0  }
0x3a9: {  	[sflag:s5] =	ssyncadd.s32 $0xFFFFFF38  }
0x3aa: {  	_ =	swait.ge [sflag:s4], $0x6400  }
0x3ab: {  	s0 =	sld [smem:$0x7EF]  }
0x3ac: {  	[sflag:s4] =	ssyncset.done $0x0  }
0x3ad: {  	s3 =	sld [smem:$0x7A1];
	[sflag:s4] =	ssyncadd.s32 $0xFFFF9C00  }
0x3ae: {  	[hbm4b:s0+s1] =	stream.linear.scatter [tilespmem:s24], [sflag:$0x2], $0x1900, $0x38;
	[tilespmem:$0x1C420] =	vst v63  }
0x3af: {  	_ = 	snop  }
0x3b0: {  	[hbm4b:s3+s1] =	stream.linear.scatter [tilespmem:s23], [sflag:$0x2], $0x1900, $0x38;
	[tilespmem:$0x1C420] =	vst v63  }
0x3b1: {  	s3 =	sld [smem:$0x7A2];
	_ =	sdelay $0x1  }
0x3b2: {  	s0 =	sld [smem:$0x7A3]  }
0x3b3: {  	[hbm4b:s3+s1] =	stream.linear.scatter [tilespmem:s22], [sflag:$0x2], $0x1900, $0x38;
	[tilespmem:$0x1C420] =	vst v63  }
0x3b4: {  	_ = 	snop  }
0x3b5: {  	[hbm4b:s0+s1] =	stream.linear.scatter [tilespmem:s21], [sflag:$0x2], $0x1900, $0x38;
	[tilespmem:$0x1C420] =	vst v63  }
0x3b6: {  	s3 =	rddreg [dreg:$0x1a]  }
0x3b7: {  	[tilespmem:s2], [sflag:$0x1] =	stream.linear.gather [hbm4b:s3+s1], $0xC8, $0x38;
	[tilespmem:$0x1C420] =	vst v63  }
0x3b8: {  	_ =	swait.ge [sflag:s5], $0xC8  }
0x3b9: {  	[sflag:s5] =	ssyncset.done $0x0  }
0x3ba: {  	[sflag:s5] =	ssyncadd.s32 $0xFFFFFF38  }
0x3bb: {  	_ =	swait.ge [sflag:s4], $0x6400  }
0x3bc: {  	s0 =	sld [smem:$0x7F0]  }
0x3bd: {  	[sflag:s4] =	ssyncset.done $0x0  }
0x3be: {  	s3 =	sld [smem:$0x7A4];
	[sflag:s4] =	ssyncadd.s32 $0xFFFF9C00  }
0x3bf: {  	[hbm4b:s0+s1] =	stream.linear.scatter [tilespmem:s19], [sflag:$0x2], $0x1900, $0x38;
	[tilespmem:$0x1C420] =	vst v63  }
0x3c0: {  	_ = 	snop  }
0x3c1: {  	[hbm4b:s3+s1] =	stream.linear.scatter [tilespmem:s18], [sflag:$0x2], $0x1900, $0x38;
	[tilespmem:$0x1C420] =	vst v63  }
0x3c2: {  	s3 =	sld [smem:$0x7A5];
	_ =	sdelay $0x1  }
0x3c3: {  	s0 =	sld [smem:$0x7A6]  }
0x3c4: {  	[hbm4b:s3+s1] =	stream.linear.scatter [tilespmem:s17], [sflag:$0x2], $0x1900, $0x38;
	[tilespmem:$0x1C420] =	vst v63  }
0x3c5: {  	_ = 	snop  }
0x3c6: {  	[hbm4b:s0+s1] =	stream.linear.scatter [tilespmem:s16], [sflag:$0x2], $0x1900, $0x38;
	[tilespmem:$0x1C420] =	vst v63  }
0x3c7: {  	s3 =	rddreg [dreg:$0x1b]  }
0x3c8: {  	[tilespmem:s31], [sflag:$0x1] =	stream.linear.gather [hbm4b:s3+s1], $0xC8, $0x38;
	[tilespmem:$0x1C420] =	vst v63  }
0x3c9: {  	_ =	swait.ge [sflag:s5], $0xC8  }
0x3ca: {  	[sflag:s5] =	ssyncset.done $0x0  }
0x3cb: {  	[sflag:s5] =	ssyncadd.s32 $0xFFFFFF38  }
0x3cc: {  	_ =	swait.ge [sflag:s4], $0x6400  }
0x3cd: {  	s0 =	sld [smem:$0x7F1]  }
0x3ce: {  	[sflag:s4] =	ssyncset.done $0x0  }
0x3cf: {  	s3 =	sld [smem:$0x7A7];
	[sflag:s4] =	ssyncadd.s32 $0xFFFF9C00  }
0x3d0: {  	[hbm4b:s0+s1] =	stream.linear.scatter [tilespmem:s15], [sflag:$0x2], $0x1900, $0x38;
	[tilespmem:$0x1C420] =	vst v63  }
0x3d1: {  	_ = 	snop  }
0x3d2: {  	[hbm4b:s3+s1] =	stream.linear.scatter [tilespmem:s14], [sflag:$0x2], $0x1900, $0x38;
	[tilespmem:$0x1C420] =	vst v63  }
0x3d3: {  	s3 =	sld [smem:$0x7A8];
	_ =	sdelay $0x1  }
0x3d4: {  	s0 =	sld [smem:$0x7A9]  }
0x3d5: {  	[hbm4b:s3+s1] =	stream.linear.scatter [tilespmem:s13], [sflag:$0x2], $0x1900, $0x38;
	[tilespmem:$0x1C420] =	vst v63  }
0x3d6: {  	_ = 	snop  }
0x3d7: {  	[hbm4b:s0+s1] =	stream.linear.scatter [tilespmem:s12], [sflag:$0x2], $0x1900, $0x38;
	[tilespmem:$0x1C420] =	vst v63  }
0x3d8: {  	s3 =	rddreg [dreg:$0x1c]  }
0x3d9: {  	[tilespmem:s29], [sflag:$0x1] =	stream.linear.gather [hbm4b:s3+s1], $0xC8, $0x38;
	[tilespmem:$0x1C420] =	vst v63  }
0x3da: {  	_ =	swait.ge [sflag:s5], $0xC8  }
0x3db: {  	[sflag:s5] =	ssyncset.done $0x0  }
0x3dc: {  	[sflag:s5] =	ssyncadd.s32 $0xFFFFFF38  }
0x3dd: {  	_ =	swait.ge [sflag:s4], $0x6400  }
0x3de: {  	s0 =	sld [smem:$0x7F2]  }
0x3df: {  	[sflag:s4] =	ssyncset.done $0x0  }
0x3e0: {  	s3 =	sld [smem:$0x7AA];
	[sflag:s4] =	ssyncadd.s32 $0xFFFF9C00  }
0x3e1: {  	[hbm4b:s0+s1] =	stream.linear.scatter [tilespmem:s10], [sflag:$0x2], $0x1900, $0x38;
	[tilespmem:$0x1C420] =	vst v63  }
0x3e2: {  	_ = 	snop  }
0x3e3: {  	[hbm4b:s3+s1] =	stream.linear.scatter [tilespmem:s9], [sflag:$0x2], $0x1900, $0x38;
	[tilespmem:$0x1C420] =	vst v63  }
0x3e4: {  	s3 =	sld [smem:$0x7AB];
	_ =	sdelay $0x1  }
0x3e5: {  	s0 =	sld [smem:$0x7AC]  }
0x3e6: {  	[hbm4b:s3+s1] =	stream.linear.scatter [tilespmem:s8], [sflag:$0x2], $0x1900, $0x38;
	[tilespmem:$0x1C420] =	vst v63  }
0x3e7: {  	_ = 	snop  }
0x3e8: {  	[hbm4b:s0+s1] =	stream.linear.scatter [tilespmem:s7], [sflag:$0x2], $0x1900, $0x38;
	[tilespmem:$0x1C420] =	vst v63  }
0x3e9: {  	s3 =	rddreg [dreg:$0x1d]  }
0x3ea: {  	[tilespmem:s26], [sflag:$0x1] =	stream.linear.gather [hbm4b:s3+s1], $0xC8, $0x38;
	[tilespmem:$0x1C420] =	vst v63  }
0x3eb: {  	_ =	swait.ge [sflag:s5], $0xC8  }
0x3ec: {  	[sflag:s5] =	ssyncset.done $0x0  }
0x3ed: {  	[sflag:s5] =	ssyncadd.s32 $0xFFFFFF38  }
0x3ee: {  	_ =	swait.ge [sflag:s4], $0x6400  }
0x3ef: {  	s0 =	sld [smem:$0x7F3]  }
0x3f0: {  	[sflag:s4] =	ssyncset.done $0x0  }
0x3f1: {  	s3 =	sld [smem:$0x7AD];
	[sflag:s4] =	ssyncadd.s32 $0xFFFF9C00  }
0x3f2: {  	[hbm4b:s0+s1] =	stream.linear.scatter [tilespmem:s24], [sflag:$0x2], $0x1900, $0x38;
	[tilespmem:$0x1C420] =	vst v63  }
0x3f3: {  	_ = 	snop  }
0x3f4: {  	[hbm4b:s3+s1] =	stream.linear.scatter [tilespmem:s23], [sflag:$0x2], $0x1900, $0x38;
	[tilespmem:$0x1C420] =	vst v63  }
0x3f5: {  	s3 =	sld [smem:$0x7AE];
	_ =	sdelay $0x1  }
0x3f6: {  	s0 =	sld [smem:$0x7AF]  }
0x3f7: {  	[hbm4b:s3+s1] =	stream.linear.scatter [tilespmem:s22], [sflag:$0x2], $0x1900, $0x38;
	[tilespmem:$0x1C420] =	vst v63  }
0x3f8: {  	_ = 	snop  }
0x3f9: {  	[hbm4b:s0+s1] =	stream.linear.scatter [tilespmem:s21], [sflag:$0x2], $0x1900, $0x38;
	[tilespmem:$0x1C420] =	vst v63  }
0x3fa: {  	s3 =	rddreg [dreg:$0x1e]  }
0x3fb: {  	[tilespmem:s2], [sflag:$0x1] =	stream.linear.gather [hbm4b:s3+s1], $0xC8, $0x38;
	[tilespmem:$0x1C420] =	vst v63  }
0x3fc: {  	_ =	swait.ge [sflag:s5], $0xC8  }
0x3fd: {  	[sflag:s5] =	ssyncset.done $0x0  }
0x3fe: {  	[sflag:s5] =	ssyncadd.s32 $0xFFFFFF38  }
0x3ff: {  	_ =	swait.ge [sflag:s4], $0x6400  }
0x400: {  	s0 =	sld [smem:$0x7F4]  }
0x401: {  	[sflag:s4] =	ssyncset.done $0x0  }
0x402: {  	s3 =	sld [smem:$0x7B0];
	[sflag:s4] =	ssyncadd.s32 $0xFFFF9C00  }
0x403: {  	[hbm4b:s0+s1] =	stream.linear.scatter [tilespmem:s19], [sflag:$0x2], $0x1900, $0x38;
	[tilespmem:$0x1C420] =	vst v63  }
0x404: {  	_ = 	snop  }
0x405: {  	[hbm4b:s3+s1] =	stream.linear.scatter [tilespmem:s18], [sflag:$0x2], $0x1900, $0x38;
	[tilespmem:$0x1C420] =	vst v63  }
0x406: {  	s3 =	sld [smem:$0x7B1];
	_ =	sdelay $0x1  }
0x407: {  	s0 =	sld [smem:$0x7B2]  }
0x408: {  	[hbm4b:s3+s1] =	stream.linear.scatter [tilespmem:s17], [sflag:$0x2], $0x1900, $0x38;
	[tilespmem:$0x1C420] =	vst v63  }
0x409: {  	_ = 	snop  }
0x40a: {  	[hbm4b:s0+s1] =	stream.linear.scatter [tilespmem:s16], [sflag:$0x2], $0x1900, $0x38;
	[tilespmem:$0x1C420] =	vst v63  }
0x40b: {  	s3 =	rddreg [dreg:$0x1f]  }
0x40c: {  	[tilespmem:s31], [sflag:$0x1] =	stream.linear.gather [hbm4b:s3+s1], $0xC8, $0x38;
	[tilespmem:$0x1C420] =	vst v63  }
0x40d: {  	_ =	swait.ge [sflag:s5], $0xC8  }
0x40e: {  	[sflag:s5] =	ssyncset.done $0x0  }
0x40f: {  	[sflag:s5] =	ssyncadd.s32 $0xFFFFFF38  }
0x410: {  	_ =	swait.ge [sflag:s4], $0x6400  }
0x411: {  	s0 =	sld [smem:$0x7F5]  }
0x412: {  	[sflag:s4] =	ssyncset.done $0x0  }
0x413: {  	s3 =	sld [smem:$0x7B3];
	[sflag:s4] =	ssyncadd.s32 $0xFFFF9C00  }
0x414: {  	[hbm4b:s0+s1] =	stream.linear.scatter [tilespmem:s15], [sflag:$0x2], $0x1900, $0x38;
	[tilespmem:$0x1C420] =	vst v63  }
0x415: {  	_ = 	snop  }
0x416: {  	[hbm4b:s3+s1] =	stream.linear.scatter [tilespmem:s14], [sflag:$0x2], $0x1900, $0x38;
	[tilespmem:$0x1C420] =	vst v63  }
0x417: {  	s3 =	sld [smem:$0x7B4];
	_ =	sdelay $0x1  }
0x418: {  	s0 =	sld [smem:$0x7B5]  }
0x419: {  	[hbm4b:s3+s1] =	stream.linear.scatter [tilespmem:s13], [sflag:$0x2], $0x1900, $0x38;
	[tilespmem:$0x1C420] =	vst v63  }
0x41a: {  	s3 =	sld [smem:$0x7D1]  }
0x41b: {  	[hbm4b:s0+s1] =	stream.linear.scatter [tilespmem:s12], [sflag:$0x2], $0x1900, $0x38;
	[tilespmem:$0x1C420] =	vst v63  }
0x41c: {  	_ = 	snop  }
0x41d: {  	[tilespmem:s29], [sflag:$0x1] =	stream.linear.gather [hbm4b:s3+s1], $0xC8, $0x38;
	[tilespmem:$0x1C420] =	vst v63  }
0x41e: {  	_ =	swait.ge [sflag:s5], $0xC8  }
0x41f: {  	[sflag:s5] =	ssyncset.done $0x0  }
0x420: {  	[sflag:s5] =	ssyncadd.s32 $0xFFFFFF38  }
0x421: {  	_ =	swait.ge [sflag:s4], $0x6400  }
0x422: {  	s0 =	sld [smem:$0x7F6]  }
0x423: {  	[sflag:s4] =	ssyncset.done $0x0  }
0x424: {  	s3 =	sld [smem:$0x7B6];
	[sflag:s4] =	ssyncadd.s32 $0xFFFF9C00  }
0x425: {  	[hbm4b:s0+s1] =	stream.linear.scatter [tilespmem:s10], [sflag:$0x2], $0x1900, $0x38;
	[tilespmem:$0x1C420] =	vst v63  }
0x426: {  	_ = 	snop  }
0x427: {  	[hbm4b:s3+s1] =	stream.linear.scatter [tilespmem:s9], [sflag:$0x2], $0x1900, $0x38;
	[tilespmem:$0x1C420] =	vst v63  }
0x428: {  	s3 =	sld [smem:$0x7B7];
	_ =	sdelay $0x1  }
0x429: {  	s0 =	sld [smem:$0x7B8]  }
0x42a: {  	[hbm4b:s3+s1] =	stream.linear.scatter [tilespmem:s8], [sflag:$0x2], $0x1900, $0x38;
	[tilespmem:$0x1C420] =	vst v63  }
0x42b: {  	s3 =	sld [smem:$0x7D2]  }
0x42c: {  	[hbm4b:s0+s1] =	stream.linear.scatter [tilespmem:s7], [sflag:$0x2], $0x1900, $0x38;
	[tilespmem:$0x1C420] =	vst v63  }
0x42d: {  	_ = 	snop  }
0x42e: {  	[tilespmem:s26], [sflag:$0x1] =	stream.linear.gather [hbm4b:s3+s1], $0xC8, $0x38;
	[tilespmem:$0x1C420] =	vst v63  }
0x42f: {  	_ =	swait.ge [sflag:s5], $0xC8  }
0x430: {  	[sflag:s5] =	ssyncset.done $0x0  }
0x431: {  	[sflag:s5] =	ssyncadd.s32 $0xFFFFFF38  }
0x432: {  	_ =	swait.ge [sflag:s4], $0x6400  }
0x433: {  	s0 =	sld [smem:$0x7F7]  }
0x434: {  	[sflag:s4] =	ssyncset.done $0x0  }
0x435: {  	s3 =	sld [smem:$0x7B9];
	[sflag:s4] =	ssyncadd.s32 $0xFFFF9C00  }
0x436: {  	[hbm4b:s0+s1] =	stream.linear.scatter [tilespmem:s24], [sflag:$0x2], $0x1900, $0x38;
	[tilespmem:$0x1C420] =	vst v63  }
0x437: {  	_ = 	snop  }
0x438: {  	[hbm4b:s3+s1] =	stream.linear.scatter [tilespmem:s23], [sflag:$0x2], $0x1900, $0x38;
	[tilespmem:$0x1C420] =	vst v63  }
0x439: {  	s3 =	sld [smem:$0x7BA];
	_ =	sdelay $0x1  }
0x43a: {  	s0 =	sld [smem:$0x7BB]  }
0x43b: {  	[hbm4b:s3+s1] =	stream.linear.scatter [tilespmem:s22], [sflag:$0x2], $0x1900, $0x38;
	[tilespmem:$0x1C420] =	vst v63  }
0x43c: {  	s3 =	sld [smem:$0x7D3]  }
0x43d: {  	[hbm4b:s0+s1] =	stream.linear.scatter [tilespmem:s21], [sflag:$0x2], $0x1900, $0x38;
	[tilespmem:$0x1C420] =	vst v63  }
0x43e: {  	_ = 	snop  }
0x43f: {  	[tilespmem:s2], [sflag:$0x1] =	stream.linear.gather [hbm4b:s3+s1], $0xC8, $0x38;
	[tilespmem:$0x1C420] =	vst v63  }
0x440: {  	_ =	swait.ge [sflag:s5], $0xC8  }
0x441: {  	[sflag:s5] =	ssyncset.done $0x0  }
0x442: {  	[sflag:s5] =	ssyncadd.s32 $0xFFFFFF38  }
0x443: {  	_ =	swait.ge [sflag:s4], $0x6400  }
0x444: {  	s0 =	sld [smem:$0x7F8]  }
0x445: {  	[sflag:s4] =	ssyncset.done $0x0  }
0x446: {  	s3 =	sld [smem:$0x7BC];
	[sflag:s4] =	ssyncadd.s32 $0xFFFF9C00  }
0x447: {  	[hbm4b:s0+s1] =	stream.linear.scatter [tilespmem:s19], [sflag:$0x2], $0x1900, $0x38;
	[tilespmem:$0x1C420] =	vst v63  }
0x448: {  	_ = 	snop  }
0x449: {  	[hbm4b:s3+s1] =	stream.linear.scatter [tilespmem:s18], [sflag:$0x2], $0x1900, $0x38;
	[tilespmem:$0x1C420] =	vst v63  }
0x44a: {  	s3 =	sld [smem:$0x7BD];
	_ =	sdelay $0x1  }
0x44b: {  	s0 =	sld [smem:$0x7BE]  }
0x44c: {  	[hbm4b:s3+s1] =	stream.linear.scatter [tilespmem:s17], [sflag:$0x2], $0x1900, $0x38;
	[tilespmem:$0x1C420] =	vst v63  }
0x44d: {  	s3 =	sld [smem:$0x7D4]  }
0x44e: {  	[hbm4b:s0+s1] =	stream.linear.scatter [tilespmem:s16], [sflag:$0x2], $0x1900, $0x38;
	[tilespmem:$0x1C420] =	vst v63  }
0x44f: {  	_ = 	snop  }
0x450: {  	[tilespmem:s31], [sflag:$0x1] =	stream.linear.gather [hbm4b:s3+s1], $0xC8, $0x38;
	[tilespmem:$0x1C420] =	vst v63  }
0x451: {  	_ =	swait.ge [sflag:s5], $0xC8  }
0x452: {  	[sflag:s5] =	ssyncset.done $0x0  }
0x453: {  	[sflag:s5] =	ssyncadd.s32 $0xFFFFFF38  }
0x454: {  	_ =	swait.ge [sflag:s4], $0x6400  }
0x455: {  	s0 =	sld [smem:$0x7F9]  }
0x456: {  	[sflag:s4] =	ssyncset.done $0x0  }
0x457: {  	s3 =	sld [smem:$0x7BF];
	[sflag:s4] =	ssyncadd.s32 $0xFFFF9C00  }
0x458: {  	[hbm4b:s0+s1] =	stream.linear.scatter [tilespmem:s15], [sflag:$0x2], $0x1900, $0x38;
	[tilespmem:$0x1C420] =	vst v63  }
0x459: {  	_ = 	snop  }
0x45a: {  	[hbm4b:s3+s1] =	stream.linear.scatter [tilespmem:s14], [sflag:$0x2], $0x1900, $0x38;
	[tilespmem:$0x1C420] =	vst v63  }
0x45b: {  	s3 =	sld [smem:$0x7C0];
	_ =	sdelay $0x1  }
0x45c: {  	s0 =	sld [smem:$0x7C1]  }
0x45d: {  	[hbm4b:s3+s1] =	stream.linear.scatter [tilespmem:s13], [sflag:$0x2], $0x1900, $0x38;
	[tilespmem:$0x1C420] =	vst v63  }
0x45e: {  	s3 =	sld [smem:$0x7D6]  }
0x45f: {  	[hbm4b:s0+s1] =	stream.linear.scatter [tilespmem:s12], [sflag:$0x2], $0x1900, $0x38;
	[tilespmem:$0x1C420] =	vst v63  }
0x460: {  	_ = 	snop  }
0x461: {  	[tilespmem:s29], [sflag:$0x1] =	stream.linear.gather [hbm4b:s3+s1], $0xC8, $0x38;
	[tilespmem:$0x1C420] =	vst v63  }
0x462: {  	_ =	swait.ge [sflag:s5], $0xC8  }
0x463: {  	[sflag:s5] =	ssyncset.done $0x0  }
0x464: {  	[sflag:s5] =	ssyncadd.s32 $0xFFFFFF38  }
0x465: {  	_ =	swait.ge [sflag:s4], $0x6400  }
0x466: {  	s0 =	sld [smem:$0x7FA]  }
0x467: {  	[sflag:s4] =	ssyncset.done $0x0  }
0x468: {  	s3 =	sld [smem:$0x7C2];
	[sflag:s4] =	ssyncadd.s32 $0xFFFF9C00  }
0x469: {  	[hbm4b:s0+s1] =	stream.linear.scatter [tilespmem:s10], [sflag:$0x2], $0x1900, $0x38;
	[tilespmem:$0x1C420] =	vst v63  }
0x46a: {  	_ = 	snop  }
0x46b: {  	[hbm4b:s3+s1] =	stream.linear.scatter [tilespmem:s9], [sflag:$0x2], $0x1900, $0x38;
	[tilespmem:$0x1C420] =	vst v63  }
0x46c: {  	s3 =	sld [smem:$0x7C3];
	_ =	sdelay $0x1  }
0x46d: {  	s0 =	sld [smem:$0x7C4]  }
0x46e: {  	[hbm4b:s3+s1] =	stream.linear.scatter [tilespmem:s8], [sflag:$0x2], $0x1900, $0x38;
	[tilespmem:$0x1C420] =	vst v63  }
0x46f: {  	s3 =	sld [smem:$0x7D8]  }
0x470: {  	[hbm4b:s0+s1] =	stream.linear.scatter [tilespmem:s7], [sflag:$0x2], $0x1900, $0x38;
	[tilespmem:$0x1C420] =	vst v63  }
0x471: {  	_ = 	snop  }
0x472: {  	[tilespmem:s26], [sflag:$0x1] =	stream.linear.gather [hbm4b:s3+s1], $0xC8, $0x38;
	[tilespmem:$0x1C420] =	vst v63  }
0x473: {  	_ =	swait.ge [sflag:s5], $0xC8  }
0x474: {  	[sflag:s5] =	ssyncset.done $0x0  }
0x475: {  	[sflag:s5] =	ssyncadd.s32 $0xFFFFFF38  }
0x476: {  	_ =	swait.ge [sflag:s4], $0x6400  }
0x477: {  	s3 =	sld [smem:$0x7C7]  }
0x478: {  	[sflag:s4] =	ssyncset.done $0x0  }
0x479: {  	[sflag:s4] =	ssyncadd.s32 $0xFFFF9C00  }
0x47a: {  	[hbm4b:s3+s1] =	stream.linear.scatter [tilespmem:s24], [sflag:$0x2], $0x1900, $0x38;
	[tilespmem:$0x1C420] =	vst v63  }
0x47b: {  	s3 =	sld [smem:$0x7C5];
	_ =	sdelay $0x2  }
0x47c: {  	[hbm4b:s3+s1] =	stream.linear.scatter [tilespmem:s23], [sflag:$0x2], $0x1900, $0x38;
	[tilespmem:$0x1C420] =	vst v63  }
0x47d: {  	s3 =	sld [smem:$0x7C6];
	_ =	sdelay $0x2  }
0x47e: {  	[hbm4b:s3+s1] =	stream.linear.scatter [tilespmem:s22], [sflag:$0x2], $0x1900, $0x38;
	[tilespmem:$0x1C420] =	vst v63  }
0x47f: {  	s3 =	sld [smem:$0x7C8];
	_ =	sdelay $0x2  }
0x480: {  	[hbm4b:s3+s1] =	stream.linear.scatter [tilespmem:s21], [sflag:$0x2], $0x1900, $0x38;
	[tilespmem:$0x1C420] =	vst v63  }
0x481: {  	_ =	swait.ge [sflag:s5], $0xC8  }
0x482: {  	[sflag:s5] =	ssyncset.done $0x0  }
0x483: {  	[sflag:s5] =	ssyncadd.s32 $0xFFFFFF38  }
0x484: {  	_ =	swait.ge [sflag:s4], $0x6400  }
0x485: {  	s3 =	sld [smem:$0x7CD]  }
0x486: {  	[sflag:s4] =	ssyncset.done $0x0  }
0x487: {  	[sflag:s4] =	ssyncadd.s32 $0xFFFF9C00  }
0x488: {  	[hbm4b:s3+s1] =	stream.linear.scatter [tilespmem:s19], [sflag:$0x2], $0x1900, $0x38;
	[tilespmem:$0x1C420] =	vst v63  }
0x489: {  	s3 =	sld [smem:$0x7C9];
	_ =	sdelay $0x2  }
0x48a: {  	[hbm4b:s3+s1] =	stream.linear.scatter [tilespmem:s18], [sflag:$0x2], $0x1900, $0x38;
	[tilespmem:$0x1C420] =	vst v63  }
0x48b: {  	s3 =	sld [smem:$0x7CA];
	_ =	sdelay $0x2  }
0x48c: {  	[hbm4b:s3+s1] =	stream.linear.scatter [tilespmem:s17], [sflag:$0x2], $0x1900, $0x38;
	[tilespmem:$0x1C420] =	vst v63  }
0x48d: {  	s3 =	sld [smem:$0x7CB];
	_ =	sdelay $0x2  }
0x48e: {  	[hbm4b:s3+s1] =	stream.linear.scatter [tilespmem:s16], [sflag:$0x2], $0x1900, $0x38;
	[tilespmem:$0x1C420] =	vst v63  }
0x48f: {  	_ =	swait.ge [sflag:s5], $0xC8  }
0x490: {  	[sflag:s5] =	ssyncset.done $0x0  }
0x491: {  	[sflag:s5] =	ssyncadd.s32 $0xFFFFFF38  }
0x492: {  	_ =	swait.ge [sflag:s4], $0x6400  }
0x493: {  	s3 =	sld [smem:$0x7CC]  }
0x494: {  	[sflag:s4] =	ssyncset.done $0x0  }
0x495: {  	[sflag:s4] =	ssyncadd.s32 $0xFFFF9C00  }
0x496: {  	[hbm4b:s3+s1] =	stream.linear.scatter [tilespmem:s15], [sflag:$0x2], $0x1900, $0x38;
	[tilespmem:$0x1C420] =	vst v63  }
0x497: {  	s3 =	sld [smem:$0x7CE];
	_ =	sdelay $0x2  }
0x498: {  	[hbm4b:s3+s1] =	stream.linear.scatter [tilespmem:s14], [sflag:$0x2], $0x1900, $0x38;
	[tilespmem:$0x1C420] =	vst v63  }
0x499: {  	s3 =	sld [smem:$0x7CF];
	_ =	sdelay $0x2  }
0x49a: {  	[hbm4b:s3+s1] =	stream.linear.scatter [tilespmem:s13], [sflag:$0x2], $0x1900, $0x38;
	[tilespmem:$0x1C420] =	vst v63  }
0x49b: {  	_ = 	snop  }
0x49c: {  	[hbm4b:s11+s1] =	stream.linear.scatter [tilespmem:s12], [sflag:$0x2], $0x1900, $0x38;
	[tilespmem:$0x1C420] =	vst v63  }
0x49d: {  	_ =	swait.ge [sflag:s5], $0xC8  }
0x49e: {  	[sflag:s5] =	ssyncset.done $0x0  }
0x49f: {  	[sflag:s5] =	ssyncadd.s32 $0xFFFFFF38  }
0x4a0: {  	_ =	swait.ge [sflag:s4], $0x6400  }
0x4a1: {  	s3 =	sld [smem:$0x7FD]  }
0x4a2: {  	[sflag:s4] =	ssyncset.done $0x0  }
0x4a3: {  	[sflag:s4] =	ssyncadd.s32 $0xFFFF9C00  }
0x4a4: {  	[hbm4b:s3+s1] =	stream.linear.scatter [tilespmem:s10], [sflag:$0x2], $0x1900, $0x38;
	[tilespmem:$0x1C420] =	vst v63  }
0x4a5: {  	_ = 	snop  }
0x4a6: {  	[hbm4b:s20+s1] =	stream.linear.scatter [tilespmem:s9], [sflag:$0x2], $0x1900, $0x38;
	[tilespmem:$0x1C420] =	vst v63  }
0x4a7: {  	_ = 	snop  }
0x4a8: {  	[hbm4b:s25+s1] =	stream.linear.scatter [tilespmem:s8], [sflag:$0x2], $0x1900, $0x38;
	[tilespmem:$0x1C420] =	vst v63  }
0x4a9: {  	_ = 	snop  }
0x4aa: {  	[hbm4b:s6+s1] =	stream.linear.scatter [tilespmem:s7], [sflag:$0x2], $0x1900, $0x38;
	[tilespmem:$0x1C420] =	vst v63  }
0x4ab: {  	_ =	swait.ge [sflag:s4], $0x6400  }
0x4ac: {  	[sflag:s4] =	ssyncset.done $0x0  }
0x4ad: {  	[sflag:s4] =	ssyncadd.s32 $0xFFFF9C00  }
0x4ae: {  	_ =	swait.ge [sflag:s4], $0x6400  }
0x4af: {  	s28 =	sadd.s32 $0xFFFFFFFF, s28;
	[sflag:s4] =	ssyncset.done $0x0  }
0x4b0: {  	p2 =	sne.s32 s28, $0x0;
	[sflag:s4] =	ssyncadd.s32 $0xFFFF9C00  }
.Ltmp2:
0x4b1: {  	_ =	swait.ge [sflag:s4], $0x6400;
	(pc) =	sbr.rel @p2 .LBB2_4-.Ltmp2, $4  }
0x4b2: {  	[sflag:s4] =	ssyncset.done $0x0  }
0x4b3: {  	[sflag:s4] =	ssyncadd.s32 $0xFFFF9C00  }
0x4b4: {  	_ =	swait.ge [sflag:s4], $0x6400  }
0x4b5: {  	s30 =	sld [smem:$0x7FC];
	[sflag:s4] =	ssyncset.done $0x0  }
0x4b6: {  	s28 =	sld [smem:$0x7DB]  }
0x4b7: {  	s6 =	sld [smem:$0x7DE]  }
0x4b8: {  	s11 =	sld [smem:$0x7CC]  }
0x4b9: {  	s20 =	sld [smem:$0x7CD]  }
0x4ba: {  	s25 =	sld [smem:$0x7C7]  }
.LBB2_6:
0x4bb: {  	s0 =	rddreg [dreg:$0x5];
	[sflag:s4] =	ssyncadd.s32 @p1 $0xFFFF9C00;
	s3 =	simm.s32 @!p0 $0x1C03  }
0x4bc: {  	[spmem:s30], [sflag:s3] =	dma.local @!p0 [hbm:s0], $0x40  }
0x4bd: {  	s0 =	simm.s32 @!p0 $0x3  }
0x4be: {  	_ =	swait.ge @!p0 [sflag:s0], $0x40  }
0x4bf: {  	[sflag:s0] =	ssyncset.done @!p0 $0x0  }
0x4c0: {  	[sflag:s0] =	ssyncadd.s32 @!p0 $0xFFFFFFC0  }
0x4c1: {  	[bflag:$0x0] =	sbarrier.arrive $0xFFFF  }
0x4c2: {  	s3 =	rddreg [dreg:$0x6]  }
0x4c3: {  	[tilespmem:s2], [sflag:$0x1] =	stream.linear.gather [hbm4b:s3+s1], $0xC8, $0x38;
	[tilespmem:$0x1C420] =	vst v63  }
0x4c4: {  	s30 =	rddreg [dreg:$0x7]  }
0x4c5: {  	[tilespmem:s31], [sflag:$0x1] =	stream.linear.gather [hbm4b:s30+s1], $0xC8, $0x38;
	[tilespmem:$0x1C420] =	vst v63  }
0x4c6: {  	s0 =	rddreg [dreg:$0x8]  }
0x4c7: {  	[tilespmem:s29], [sflag:$0x1] =	stream.linear.gather [hbm4b:s0+s1], $0xC8, $0x38;
	[tilespmem:$0x1C420] =	vst v63  }
0x4c8: {  	s30 =	rddreg [dreg:$0x9]  }
0x4c9: {  	[tilespmem:s26], [sflag:$0x1] =	stream.linear.gather [hbm4b:s30+s1], $0xC8, $0x38;
	[tilespmem:$0x1C420] =	vst v63  }
0x4ca: {  	_ =	swait.ge [sflag:s5], $0xC8  }
0x4cb: {  	[sflag:s5] =	ssyncset.done $0x0  }
0x4cc: {  	[sflag:s5] =	ssyncadd.s32 $0xFFFFFF38  }
0x4cd: {  	[hbm4b:s28+s1] =	stream.linear.scatter [tilespmem:s24], [sflag:$0x2], $0x1900, $0x38;
	[tilespmem:$0x1C420] =	vst v63  }
0x4ce: {  	s3 =	sadd.s32 $0x380, s28  }
0x4cf: {  	[hbm4b:s3+s1] =	stream.linear.scatter [tilespmem:s23], [sflag:$0x2], $0x1900, $0x38;
	[tilespmem:$0x1C420] =	vst v63  }
0x4d0: {  	s30 =	sadd.s32 $0x700, s28  }
0x4d1: {  	[hbm4b:s30+s1] =	stream.linear.scatter [tilespmem:s22], [sflag:$0x2], $0x1900, $0x38;
	[tilespmem:$0x1C420] =	vst v63  }
0x4d2: {  	s3 =	sadd.s32 $0xA80, s28  }
0x4d3: {  	[hbm4b:s3+s1] =	stream.linear.scatter [tilespmem:s21], [sflag:$0x2], $0x1900, $0x38;
	[tilespmem:$0x1C420] =	vst v63  }
0x4d4: {  	s28 =	rddreg [dreg:$0xa]  }
0x4d5: {  	[tilespmem:s2], [sflag:$0x1] =	stream.linear.gather [hbm4b:s28+s1], $0xC8, $0x38;
	[tilespmem:$0x1C420] =	vst v63  }
0x4d6: {  	_ =	swait.ge [sflag:s5], $0xC8  }
0x4d7: {  	[sflag:s5] =	ssyncset.done $0x0  }
0x4d8: {  	[sflag:s5] =	ssyncadd.s32 $0xFFFFFF38  }
0x4d9: {  	[hbm4b:s6+s1] =	stream.linear.scatter [tilespmem:s19], [sflag:$0x2], $0x1900, $0x38;
	[tilespmem:$0x1C420] =	vst v63  }
0x4da: {  	s30 =	sadd.s32 $0x380, s6  }
0x4db: {  	[hbm4b:s30+s1] =	stream.linear.scatter [tilespmem:s18], [sflag:$0x2], $0x1900, $0x38;
	[tilespmem:$0x1C420] =	vst v63  }
0x4dc: {  	s3 =	sadd.s32 $0x700, s6  }
0x4dd: {  	[hbm4b:s3+s1] =	stream.linear.scatter [tilespmem:s17], [sflag:$0x2], $0x1900, $0x38;
	[tilespmem:$0x1C420] =	vst v63  }
0x4de: {  	s28 =	sadd.s32 $0xA80, s6  }
0x4df: {  	[hbm4b:s28+s1] =	stream.linear.scatter [tilespmem:s16], [sflag:$0x2], $0x1900, $0x38;
	[tilespmem:$0x1C420] =	vst v63  }
0x4e0: {  	s30 =	rddreg [dreg:$0xb]  }
0x4e1: {  	[tilespmem:s31], [sflag:$0x1] =	stream.linear.gather [hbm4b:s30+s1], $0xC8, $0x38;
	[tilespmem:$0x1C420] =	vst v63  }
0x4e2: {  	_ =	swait.ge [sflag:s5], $0xC8  }
0x4e3: {  	s3 =	sld [smem:$0x7E0]  }
0x4e4: {  	[sflag:s5] =	ssyncset.done $0x0  }
0x4e5: {  	[sflag:s5] =	ssyncadd.s32 $0xFFFFFF38  }
0x4e6: {  	[hbm4b:s3+s1] =	stream.linear.scatter [tilespmem:s15], [sflag:$0x2], $0x1900, $0x38;
	[tilespmem:$0x1C420] =	vst v63  }
0x4e7: {  	s6 =	sadd.s32 $0x380, s3  }
0x4e8: {  	[hbm4b:s6+s1] =	stream.linear.scatter [tilespmem:s14], [sflag:$0x2], $0x1900, $0x38;
	[tilespmem:$0x1C420] =	vst v63  }
0x4e9: {  	s30 =	sadd.s32 $0x700, s3  }
0x4ea: {  	[hbm4b:s30+s1] =	stream.linear.scatter [tilespmem:s13], [sflag:$0x2], $0x1900, $0x38;
	[tilespmem:$0x1C420] =	vst v63  }
0x4eb: {  	s3 =	sadd.s32 $0xA80, s3  }
0x4ec: {  	[hbm4b:s3+s1] =	stream.linear.scatter [tilespmem:s12], [sflag:$0x2], $0x1900, $0x38;
	[tilespmem:$0x1C420] =	vst v63  }
0x4ed: {  	s6 =	rddreg [dreg:$0xc]  }
0x4ee: {  	[tilespmem:s29], [sflag:$0x1] =	stream.linear.gather [hbm4b:s6+s1], $0xC8, $0x38;
	[tilespmem:$0x1C420] =	vst v63  }
0x4ef: {  	_ =	swait.ge [sflag:s5], $0xC8  }
0x4f0: {  	s28 =	sld [smem:$0x7E2]  }
0x4f1: {  	[sflag:s5] =	ssyncset.done $0x0  }
0x4f2: {  	[sflag:s5] =	ssyncadd.s32 $0xFFFFFF38  }
0x4f3: {  	[hbm4b:s28+s1] =	stream.linear.scatter [tilespmem:s10], [sflag:$0x2], $0x1900, $0x38;
	[tilespmem:$0x1C420] =	vst v63  }
0x4f4: {  	s30 =	sadd.s32 $0x380, s28  }
0x4f5: {  	[hbm4b:s30+s1] =	stream.linear.scatter [tilespmem:s9], [sflag:$0x2], $0x1900, $0x38;
	[tilespmem:$0x1C420] =	vst v63  }
0x4f6: {  	s3 =	sadd.s32 $0x700, s28  }
0x4f7: {  	[hbm4b:s3+s1] =	stream.linear.scatter [tilespmem:s8], [sflag:$0x2], $0x1900, $0x38;
	[tilespmem:$0x1C420] =	vst v63  }
0x4f8: {  	s28 =	sadd.s32 $0xA80, s28  }
0x4f9: {  	[hbm4b:s28+s1] =	stream.linear.scatter [tilespmem:s7], [sflag:$0x2], $0x1900, $0x38;
	[tilespmem:$0x1C420] =	vst v63  }
0x4fa: {  	s30 =	rddreg [dreg:$0xd]  }
0x4fb: {  	[tilespmem:s26], [sflag:$0x1] =	stream.linear.gather [hbm4b:s30+s1], $0xC8, $0x38;
	[tilespmem:$0x1C420] =	vst v63  }
0x4fc: {  	_ =	swait.ge [sflag:s5], $0xC8  }
0x4fd: {  	[sflag:s5] =	ssyncset.done $0x0  }
0x4fe: {  	[sflag:s5] =	ssyncadd.s32 $0xFFFFFF38  }
0x4ff: {  	_ =	swait.ge [sflag:s4], $0x6400  }
0x500: {  	s3 =	sld [smem:$0x7E3]  }
0x501: {  	[sflag:s4] =	ssyncset.done $0x0  }
0x502: {  	[sflag:s4] =	ssyncadd.s32 $0xFFFF9C00  }
0x503: {  	[hbm4b:s3+s1] =	stream.linear.scatter [tilespmem:s24], [sflag:$0x2], $0x1900, $0x38;
	[tilespmem:$0x1C420] =	vst v63  }
0x504: {  	s6 =	sadd.s32 $0x380, s3  }
0x505: {  	[hbm4b:s6+s1] =	stream.linear.scatter [tilespmem:s23], [sflag:$0x2], $0x1900, $0x38;
	[tilespmem:$0x1C420] =	vst v63  }
0x506: {  	s30 =	sadd.s32 $0x700, s3  }
0x507: {  	[hbm4b:s30+s1] =	stream.linear.scatter [tilespmem:s22], [sflag:$0x2], $0x1900, $0x38;
	[tilespmem:$0x1C420] =	vst v63  }
0x508: {  	s3 =	sadd.s32 $0xA80, s3  }
0x509: {  	[hbm4b:s3+s1] =	stream.linear.scatter [tilespmem:s21], [sflag:$0x2], $0x1900, $0x38;
	[tilespmem:$0x1C420] =	vst v63  }
0x50a: {  	s6 =	rddreg [dreg:$0xe]  }
0x50b: {  	[tilespmem:s2], [sflag:$0x1] =	stream.linear.gather [hbm4b:s6+s1], $0xC8, $0x38;
	[tilespmem:$0x1C420] =	vst v63  }
0x50c: {  	_ =	swait.ge [sflag:s5], $0xC8  }
0x50d: {  	[sflag:s5] =	ssyncset.done $0x0  }
0x50e: {  	[sflag:s5] =	ssyncadd.s32 $0xFFFFFF38  }
0x50f: {  	_ =	swait.ge [sflag:s4], $0x6400  }
0x510: {  	s28 =	sld [smem:$0x7E4]  }
0x511: {  	[sflag:s4] =	ssyncset.done $0x0  }
0x512: {  	[sflag:s4] =	ssyncadd.s32 $0xFFFF9C00  }
0x513: {  	[hbm4b:s28+s1] =	stream.linear.scatter [tilespmem:s19], [sflag:$0x2], $0x1900, $0x38;
	[tilespmem:$0x1C420] =	vst v63  }
0x514: {  	s30 =	sadd.s32 $0x380, s28  }
0x515: {  	[hbm4b:s30+s1] =	stream.linear.scatter [tilespmem:s18], [sflag:$0x2], $0x1900, $0x38;
	[tilespmem:$0x1C420] =	vst v63  }
0x516: {  	s3 =	sadd.s32 $0x700, s28  }
0x517: {  	[hbm4b:s3+s1] =	stream.linear.scatter [tilespmem:s17], [sflag:$0x2], $0x1900, $0x38;
	[tilespmem:$0x1C420] =	vst v63  }
0x518: {  	s6 =	sadd.s32 $0xA80, s28  }
0x519: {  	[hbm4b:s6+s1] =	stream.linear.scatter [tilespmem:s16], [sflag:$0x2], $0x1900, $0x38;
	[tilespmem:$0x1C420] =	vst v63  }
0x51a: {  	s28 =	rddreg [dreg:$0xf]  }
0x51b: {  	[tilespmem:s31], [sflag:$0x1] =	stream.linear.gather [hbm4b:s28+s1], $0xC8, $0x38;
	[tilespmem:$0x1C420] =	vst v63  }
0x51c: {  	_ =	swait.ge [sflag:s5], $0xC8  }
0x51d: {  	[sflag:s5] =	ssyncset.done $0x0  }
0x51e: {  	[sflag:s5] =	ssyncadd.s32 $0xFFFFFF38  }
0x51f: {  	_ =	swait.ge [sflag:s4], $0x6400  }
0x520: {  	s30 =	sld [smem:$0x7E5]  }
0x521: {  	[sflag:s4] =	ssyncset.done $0x0  }
0x522: {  	[sflag:s4] =	ssyncadd.s32 $0xFFFF9C00  }
0x523: {  	[hbm4b:s30+s1] =	stream.linear.scatter [tilespmem:s15], [sflag:$0x2], $0x1900, $0x38;
	[tilespmem:$0x1C420] =	vst v63  }
0x524: {  	s3 =	sadd.s32 $0x380, s30  }
0x525: {  	[hbm4b:s3+s1] =	stream.linear.scatter [tilespmem:s14], [sflag:$0x2], $0x1900, $0x38;
	[tilespmem:$0x1C420] =	vst v63  }
0x526: {  	s6 =	sadd.s32 $0x700, s30  }
0x527: {  	[hbm4b:s6+s1] =	stream.linear.scatter [tilespmem:s13], [sflag:$0x2], $0x1900, $0x38;
	[tilespmem:$0x1C420] =	vst v63  }
0x528: {  	s28 =	sadd.s32 $0xA80, s30  }
0x529: {  	[hbm4b:s28+s1] =	stream.linear.scatter [tilespmem:s12], [sflag:$0x2], $0x1900, $0x38;
	[tilespmem:$0x1C420] =	vst v63  }
0x52a: {  	s30 =	rddreg [dreg:$0x10]  }
0x52b: {  	[tilespmem:s29], [sflag:$0x1] =	stream.linear.gather [hbm4b:s30+s1], $0xC8, $0x38;
	[tilespmem:$0x1C420] =	vst v63  }
0x52c: {  	_ =	swait.ge [sflag:s5], $0xC8  }
0x52d: {  	[sflag:s5] =	ssyncset.done $0x0  }
0x52e: {  	[sflag:s5] =	ssyncadd.s32 $0xFFFFFF38  }
0x52f: {  	_ =	swait.ge [sflag:s4], $0x6400  }
0x530: {  	s6 =	sld [smem:$0x7E6]  }
0x531: {  	[sflag:s4] =	ssyncset.done $0x0  }
0x532: {  	[sflag:s4] =	ssyncadd.s32 $0xFFFF9C00  }
0x533: {  	[hbm4b:s6+s1] =	stream.linear.scatter [tilespmem:s10], [sflag:$0x2], $0x1900, $0x38;
	[tilespmem:$0x1C420] =	vst v63  }
0x534: {  	s30 =	sadd.s32 $0x380, s6  }
0x535: {  	[hbm4b:s30+s1] =	stream.linear.scatter [tilespmem:s9], [sflag:$0x2], $0x1900, $0x38;
	[tilespmem:$0x1C420] =	vst v63  }
0x536: {  	s3 =	sadd.s32 $0x700, s6  }
0x537: {  	[hbm4b:s3+s1] =	stream.linear.scatter [tilespmem:s8], [sflag:$0x2], $0x1900, $0x38;
	[tilespmem:$0x1C420] =	vst v63  }
0x538: {  	s6 =	sadd.s32 $0xA80, s6  }
0x539: {  	[hbm4b:s6+s1] =	stream.linear.scatter [tilespmem:s7], [sflag:$0x2], $0x1900, $0x38;
	[tilespmem:$0x1C420] =	vst v63  }
0x53a: {  	s28 =	rddreg [dreg:$0x11]  }
0x53b: {  	[tilespmem:s26], [sflag:$0x1] =	stream.linear.gather [hbm4b:s28+s1], $0xC8, $0x38;
	[tilespmem:$0x1C420] =	vst v63  }
0x53c: {  	_ =	swait.ge [sflag:s5], $0xC8  }
0x53d: {  	[sflag:s5] =	ssyncset.done $0x0  }
0x53e: {  	[sflag:s5] =	ssyncadd.s32 $0xFFFFFF38  }
0x53f: {  	_ =	swait.ge [sflag:s4], $0x6400  }
0x540: {  	s30 =	sld [smem:$0x7E7]  }
0x541: {  	[sflag:s4] =	ssyncset.done $0x0  }
0x542: {  	[sflag:s4] =	ssyncadd.s32 $0xFFFF9C00  }
0x543: {  	[hbm4b:s30+s1] =	stream.linear.scatter [tilespmem:s24], [sflag:$0x2], $0x1900, $0x38;
	[tilespmem:$0x1C420] =	vst v63  }
0x544: {  	s3 =	sadd.s32 $0x380, s30  }
0x545: {  	[hbm4b:s3+s1] =	stream.linear.scatter [tilespmem:s23], [sflag:$0x2], $0x1900, $0x38;
	[tilespmem:$0x1C420] =	vst v63  }
0x546: {  	s6 =	sadd.s32 $0x700, s30  }
0x547: {  	[hbm4b:s6+s1] =	stream.linear.scatter [tilespmem:s22], [sflag:$0x2], $0x1900, $0x38;
	[tilespmem:$0x1C420] =	vst v63  }
0x548: {  	s28 =	sadd.s32 $0xA80, s30  }
0x549: {  	[hbm4b:s28+s1] =	stream.linear.scatter [tilespmem:s21], [sflag:$0x2], $0x1900, $0x38;
	[tilespmem:$0x1C420] =	vst v63  }
0x54a: {  	s30 =	rddreg [dreg:$0x12]  }
0x54b: {  	[tilespmem:s2], [sflag:$0x1] =	stream.linear.gather [hbm4b:s30+s1], $0xC8, $0x38;
	[tilespmem:$0x1C420] =	vst v63  }
0x54c: {  	_ =	swait.ge [sflag:s5], $0xC8  }
0x54d: {  	[sflag:s5] =	ssyncset.done $0x0  }
0x54e: {  	[sflag:s5] =	ssyncadd.s32 $0xFFFFFF38  }
0x54f: {  	_ =	swait.ge [sflag:s4], $0x6400  }
0x550: {  	s6 =	sld [smem:$0x7E8]  }
0x551: {  	[sflag:s4] =	ssyncset.done $0x0  }
0x552: {  	[sflag:s4] =	ssyncadd.s32 $0xFFFF9C00  }
0x553: {  	[hbm4b:s6+s1] =	stream.linear.scatter [tilespmem:s19], [sflag:$0x2], $0x1900, $0x38;
	[tilespmem:$0x1C420] =	vst v63  }
0x554: {  	s30 =	sadd.s32 $0x380, s6  }
0x555: {  	[hbm4b:s30+s1] =	stream.linear.scatter [tilespmem:s18], [sflag:$0x2], $0x1900, $0x38;
	[tilespmem:$0x1C420] =	vst v63  }
0x556: {  	s3 =	sadd.s32 $0x700, s6  }
0x557: {  	[hbm4b:s3+s1] =	stream.linear.scatter [tilespmem:s17], [sflag:$0x2], $0x1900, $0x38;
	[tilespmem:$0x1C420] =	vst v63  }
0x558: {  	s6 =	sadd.s32 $0xA80, s6  }
0x559: {  	[hbm4b:s6+s1] =	stream.linear.scatter [tilespmem:s16], [sflag:$0x2], $0x1900, $0x38;
	[tilespmem:$0x1C420] =	vst v63  }
0x55a: {  	s28 =	rddreg [dreg:$0x13]  }
0x55b: {  	[tilespmem:s31], [sflag:$0x1] =	stream.linear.gather [hbm4b:s28+s1], $0xC8, $0x38;
	[tilespmem:$0x1C420] =	vst v63  }
0x55c: {  	_ =	swait.ge [sflag:s5], $0xC8  }
0x55d: {  	[sflag:s5] =	ssyncset.done $0x0  }
0x55e: {  	[sflag:s5] =	ssyncadd.s32 $0xFFFFFF38  }
0x55f: {  	_ =	swait.ge [sflag:s4], $0x6400  }
0x560: {  	s30 =	sld [smem:$0x7E9]  }
0x561: {  	[sflag:s4] =	ssyncset.done $0x0  }
0x562: {  	[sflag:s4] =	ssyncadd.s32 $0xFFFF9C00  }
0x563: {  	[hbm4b:s30+s1] =	stream.linear.scatter [tilespmem:s15], [sflag:$0x2], $0x1900, $0x38;
	[tilespmem:$0x1C420] =	vst v63  }
0x564: {  	s3 =	sadd.s32 $0x380, s30  }
0x565: {  	[hbm4b:s3+s1] =	stream.linear.scatter [tilespmem:s14], [sflag:$0x2], $0x1900, $0x38;
	[tilespmem:$0x1C420] =	vst v63  }
0x566: {  	s6 =	sadd.s32 $0x700, s30  }
0x567: {  	[hbm4b:s6+s1] =	stream.linear.scatter [tilespmem:s13], [sflag:$0x2], $0x1900, $0x38;
	[tilespmem:$0x1C420] =	vst v63  }
0x568: {  	s28 =	sadd.s32 $0xA80, s30  }
0x569: {  	[hbm4b:s28+s1] =	stream.linear.scatter [tilespmem:s12], [sflag:$0x2], $0x1900, $0x38;
	[tilespmem:$0x1C420] =	vst v63  }
0x56a: {  	s30 =	rddreg [dreg:$0x14]  }
0x56b: {  	[tilespmem:s29], [sflag:$0x1] =	stream.linear.gather [hbm4b:s30+s1], $0xC8, $0x38;
	[tilespmem:$0x1C420] =	vst v63  }
0x56c: {  	_ =	swait.ge [sflag:s5], $0xC8  }
0x56d: {  	[sflag:s5] =	ssyncset.done $0x0  }
0x56e: {  	[sflag:s5] =	ssyncadd.s32 $0xFFFFFF38  }
0x56f: {  	_ =	swait.ge [sflag:s4], $0x6400  }
0x570: {  	s6 =	sld [smem:$0x7EA]  }
0x571: {  	[sflag:s4] =	ssyncset.done $0x0  }
0x572: {  	[sflag:s4] =	ssyncadd.s32 $0xFFFF9C00  }
0x573: {  	[hbm4b:s6+s1] =	stream.linear.scatter [tilespmem:s10], [sflag:$0x2], $0x1900, $0x38;
	[tilespmem:$0x1C420] =	vst v63  }
0x574: {  	s30 =	sadd.s32 $0x380, s6  }
0x575: {  	[hbm4b:s30+s1] =	stream.linear.scatter [tilespmem:s9], [sflag:$0x2], $0x1900, $0x38;
	[tilespmem:$0x1C420] =	vst v63  }
0x576: {  	s3 =	sadd.s32 $0x700, s6  }
0x577: {  	[hbm4b:s3+s1] =	stream.linear.scatter [tilespmem:s8], [sflag:$0x2], $0x1900, $0x38;
	[tilespmem:$0x1C420] =	vst v63  }
0x578: {  	s6 =	sadd.s32 $0xA80, s6  }
0x579: {  	[hbm4b:s6+s1] =	stream.linear.scatter [tilespmem:s7], [sflag:$0x2], $0x1900, $0x38;
	[tilespmem:$0x1C420] =	vst v63  }
0x57a: {  	s28 =	rddreg [dreg:$0x15]  }
0x57b: {  	[tilespmem:s26], [sflag:$0x1] =	stream.linear.gather [hbm4b:s28+s1], $0xC8, $0x38;
	[tilespmem:$0x1C420] =	vst v63  }
0x57c: {  	_ =	swait.ge [sflag:s5], $0xC8  }
0x57d: {  	[sflag:s5] =	ssyncset.done $0x0  }
0x57e: {  	[sflag:s5] =	ssyncadd.s32 $0xFFFFFF38  }
0x57f: {  	_ =	swait.ge [sflag:s4], $0x6400  }
0x580: {  	s30 =	sld [smem:$0x7EB]  }
0x581: {  	[sflag:s4] =	ssyncset.done $0x0  }
0x582: {  	[sflag:s4] =	ssyncadd.s32 $0xFFFF9C00  }
0x583: {  	[hbm4b:s30+s1] =	stream.linear.scatter [tilespmem:s24], [sflag:$0x2], $0x1900, $0x38;
	[tilespmem:$0x1C420] =	vst v63  }
0x584: {  	s3 =	sadd.s32 $0x380, s30  }
0x585: {  	[hbm4b:s3+s1] =	stream.linear.scatter [tilespmem:s23], [sflag:$0x2], $0x1900, $0x38;
	[tilespmem:$0x1C420] =	vst v63  }
0x586: {  	s6 =	sadd.s32 $0x700, s30  }
0x587: {  	[hbm4b:s6+s1] =	stream.linear.scatter [tilespmem:s22], [sflag:$0x2], $0x1900, $0x38;
	[tilespmem:$0x1C420] =	vst v63  }
0x588: {  	s28 =	sadd.s32 $0xA80, s30  }
0x589: {  	[hbm4b:s28+s1] =	stream.linear.scatter [tilespmem:s21], [sflag:$0x2], $0x1900, $0x38;
	[tilespmem:$0x1C420] =	vst v63  }
0x58a: {  	s30 =	rddreg [dreg:$0x16]  }
0x58b: {  	[tilespmem:s2], [sflag:$0x1] =	stream.linear.gather [hbm4b:s30+s1], $0xC8, $0x38;
	[tilespmem:$0x1C420] =	vst v63  }
0x58c: {  	_ =	swait.ge [sflag:s5], $0xC8  }
0x58d: {  	[sflag:s5] =	ssyncset.done $0x0  }
0x58e: {  	[sflag:s5] =	ssyncadd.s32 $0xFFFFFF38  }
0x58f: {  	_ =	swait.ge [sflag:s4], $0x6400  }
0x590: {  	s6 =	sld [smem:$0x7EC]  }
0x591: {  	[sflag:s4] =	ssyncset.done $0x0  }
0x592: {  	[sflag:s4] =	ssyncadd.s32 $0xFFFF9C00  }
0x593: {  	[hbm4b:s6+s1] =	stream.linear.scatter [tilespmem:s19], [sflag:$0x2], $0x1900, $0x38;
	[tilespmem:$0x1C420] =	vst v63  }
0x594: {  	s30 =	sadd.s32 $0x380, s6  }
0x595: {  	[hbm4b:s30+s1] =	stream.linear.scatter [tilespmem:s18], [sflag:$0x2], $0x1900, $0x38;
	[tilespmem:$0x1C420] =	vst v63  }
0x596: {  	s3 =	sadd.s32 $0x700, s6  }
0x597: {  	[hbm4b:s3+s1] =	stream.linear.scatter [tilespmem:s17], [sflag:$0x2], $0x1900, $0x38;
	[tilespmem:$0x1C420] =	vst v63  }
0x598: {  	s6 =	sadd.s32 $0xA80, s6  }
0x599: {  	[hbm4b:s6+s1] =	stream.linear.scatter [tilespmem:s16], [sflag:$0x2], $0x1900, $0x38;
	[tilespmem:$0x1C420] =	vst v63  }
0x59a: {  	s28 =	rddreg [dreg:$0x17]  }
0x59b: {  	[tilespmem:s31], [sflag:$0x1] =	stream.linear.gather [hbm4b:s28+s1], $0xC8, $0x38;
	[tilespmem:$0x1C420] =	vst v63  }
0x59c: {  	_ =	swait.ge [sflag:s5], $0xC8  }
0x59d: {  	[sflag:s5] =	ssyncset.done $0x0  }
0x59e: {  	[sflag:s5] =	ssyncadd.s32 $0xFFFFFF38  }
0x59f: {  	_ =	swait.ge [sflag:s4], $0x6400  }
0x5a0: {  	s30 =	sld [smem:$0x7ED]  }
0x5a1: {  	[sflag:s4] =	ssyncset.done $0x0  }
0x5a2: {  	[sflag:s4] =	ssyncadd.s32 $0xFFFF9C00  }
0x5a3: {  	[hbm4b:s30+s1] =	stream.linear.scatter [tilespmem:s15], [sflag:$0x2], $0x1900, $0x38;
	[tilespmem:$0x1C420] =	vst v63  }
0x5a4: {  	s3 =	sadd.s32 $0x380, s30  }
0x5a5: {  	[hbm4b:s3+s1] =	stream.linear.scatter [tilespmem:s14], [sflag:$0x2], $0x1900, $0x38;
	[tilespmem:$0x1C420] =	vst v63  }
0x5a6: {  	s6 =	sadd.s32 $0x700, s30  }
0x5a7: {  	[hbm4b:s6+s1] =	stream.linear.scatter [tilespmem:s13], [sflag:$0x2], $0x1900, $0x38;
	[tilespmem:$0x1C420] =	vst v63  }
0x5a8: {  	s28 =	sadd.s32 $0xA80, s30  }
0x5a9: {  	[hbm4b:s28+s1] =	stream.linear.scatter [tilespmem:s12], [sflag:$0x2], $0x1900, $0x38;
	[tilespmem:$0x1C420] =	vst v63  }
0x5aa: {  	s30 =	rddreg [dreg:$0x18]  }
0x5ab: {  	[tilespmem:s29], [sflag:$0x1] =	stream.linear.gather [hbm4b:s30+s1], $0xC8, $0x38;
	[tilespmem:$0x1C420] =	vst v63  }
0x5ac: {  	_ =	swait.ge [sflag:s5], $0xC8  }
0x5ad: {  	[sflag:s5] =	ssyncset.done $0x0  }
0x5ae: {  	[sflag:s5] =	ssyncadd.s32 $0xFFFFFF38  }
0x5af: {  	_ =	swait.ge [sflag:s4], $0x6400  }
0x5b0: {  	s6 =	sld [smem:$0x7EE]  }
0x5b1: {  	[sflag:s4] =	ssyncset.done $0x0  }
0x5b2: {  	[sflag:s4] =	ssyncadd.s32 $0xFFFF9C00  }
0x5b3: {  	[hbm4b:s6+s1] =	stream.linear.scatter [tilespmem:s10], [sflag:$0x2], $0x1900, $0x38;
	[tilespmem:$0x1C420] =	vst v63  }
0x5b4: {  	s30 =	sadd.s32 $0x380, s6  }
0x5b5: {  	[hbm4b:s30+s1] =	stream.linear.scatter [tilespmem:s9], [sflag:$0x2], $0x1900, $0x38;
	[tilespmem:$0x1C420] =	vst v63  }
0x5b6: {  	s3 =	sadd.s32 $0x700, s6  }
0x5b7: {  	[hbm4b:s3+s1] =	stream.linear.scatter [tilespmem:s8], [sflag:$0x2], $0x1900, $0x38;
	[tilespmem:$0x1C420] =	vst v63  }
0x5b8: {  	s6 =	sadd.s32 $0xA80, s6  }
0x5b9: {  	[hbm4b:s6+s1] =	stream.linear.scatter [tilespmem:s7], [sflag:$0x2], $0x1900, $0x38;
	[tilespmem:$0x1C420] =	vst v63  }
0x5ba: {  	s28 =	rddreg [dreg:$0x19]  }
0x5bb: {  	[tilespmem:s26], [sflag:$0x1] =	stream.linear.gather [hbm4b:s28+s1], $0xC8, $0x38;
	[tilespmem:$0x1C420] =	vst v63  }
0x5bc: {  	_ =	swait.ge [sflag:s5], $0xC8  }
0x5bd: {  	[sflag:s5] =	ssyncset.done $0x0  }
0x5be: {  	[sflag:s5] =	ssyncadd.s32 $0xFFFFFF38  }
0x5bf: {  	_ =	swait.ge [sflag:s4], $0x6400  }
0x5c0: {  	s30 =	sld [smem:$0x7EF]  }
0x5c1: {  	[sflag:s4] =	ssyncset.done $0x0  }
0x5c2: {  	[sflag:s4] =	ssyncadd.s32 $0xFFFF9C00  }
0x5c3: {  	[hbm4b:s30+s1] =	stream.linear.scatter [tilespmem:s24], [sflag:$0x2], $0x1900, $0x38;
	[tilespmem:$0x1C420] =	vst v63  }
0x5c4: {  	s3 =	sadd.s32 $0x380, s30  }
0x5c5: {  	[hbm4b:s3+s1] =	stream.linear.scatter [tilespmem:s23], [sflag:$0x2], $0x1900, $0x38;
	[tilespmem:$0x1C420] =	vst v63  }
0x5c6: {  	s6 =	sadd.s32 $0x700, s30  }
0x5c7: {  	[hbm4b:s6+s1] =	stream.linear.scatter [tilespmem:s22], [sflag:$0x2], $0x1900, $0x38;
	[tilespmem:$0x1C420] =	vst v63  }
0x5c8: {  	s28 =	sadd.s32 $0xA80, s30  }
0x5c9: {  	[hbm4b:s28+s1] =	stream.linear.scatter [tilespmem:s21], [sflag:$0x2], $0x1900, $0x38;
	[tilespmem:$0x1C420] =	vst v63  }
0x5ca: {  	s30 =	rddreg [dreg:$0x1a]  }
0x5cb: {  	[tilespmem:s2], [sflag:$0x1] =	stream.linear.gather [hbm4b:s30+s1], $0xC8, $0x38;
	[tilespmem:$0x1C420] =	vst v63  }
0x5cc: {  	_ =	swait.ge [sflag:s5], $0xC8  }
0x5cd: {  	[sflag:s5] =	ssyncset.done $0x0  }
0x5ce: {  	[sflag:s5] =	ssyncadd.s32 $0xFFFFFF38  }
0x5cf: {  	_ =	swait.ge [sflag:s4], $0x6400  }
0x5d0: {  	s6 =	sld [smem:$0x7F0]  }
0x5d1: {  	[sflag:s4] =	ssyncset.done $0x0  }
0x5d2: {  	[sflag:s4] =	ssyncadd.s32 $0xFFFF9C00  }
0x5d3: {  	[hbm4b:s6+s1] =	stream.linear.scatter [tilespmem:s19], [sflag:$0x2], $0x1900, $0x38;
	[tilespmem:$0x1C420] =	vst v63  }
0x5d4: {  	s30 =	sadd.s32 $0x380, s6  }
0x5d5: {  	[hbm4b:s30+s1] =	stream.linear.scatter [tilespmem:s18], [sflag:$0x2], $0x1900, $0x38;
	[tilespmem:$0x1C420] =	vst v63  }
0x5d6: {  	s3 =	sadd.s32 $0x700, s6  }
0x5d7: {  	[hbm4b:s3+s1] =	stream.linear.scatter [tilespmem:s17], [sflag:$0x2], $0x1900, $0x38;
	[tilespmem:$0x1C420] =	vst v63  }
0x5d8: {  	s6 =	sadd.s32 $0xA80, s6  }
0x5d9: {  	[hbm4b:s6+s1] =	stream.linear.scatter [tilespmem:s16], [sflag:$0x2], $0x1900, $0x38;
	[tilespmem:$0x1C420] =	vst v63  }
0x5da: {  	s28 =	rddreg [dreg:$0x1b]  }
0x5db: {  	[tilespmem:s31], [sflag:$0x1] =	stream.linear.gather [hbm4b:s28+s1], $0xC8, $0x38;
	[tilespmem:$0x1C420] =	vst v63  }
0x5dc: {  	_ =	swait.ge [sflag:s5], $0xC8  }
0x5dd: {  	[sflag:s5] =	ssyncset.done $0x0  }
0x5de: {  	[sflag:s5] =	ssyncadd.s32 $0xFFFFFF38  }
0x5df: {  	_ =	swait.ge [sflag:s4], $0x6400  }
0x5e0: {  	s30 =	sld [smem:$0x7F1]  }
0x5e1: {  	[sflag:s4] =	ssyncset.done $0x0  }
0x5e2: {  	[sflag:s4] =	ssyncadd.s32 $0xFFFF9C00  }
0x5e3: {  	[hbm4b:s30+s1] =	stream.linear.scatter [tilespmem:s15], [sflag:$0x2], $0x1900, $0x38;
	[tilespmem:$0x1C420] =	vst v63  }
0x5e4: {  	s3 =	sadd.s32 $0x380, s30  }
0x5e5: {  	[hbm4b:s3+s1] =	stream.linear.scatter [tilespmem:s14], [sflag:$0x2], $0x1900, $0x38;
	[tilespmem:$0x1C420] =	vst v63  }
0x5e6: {  	s6 =	sadd.s32 $0x700, s30  }
0x5e7: {  	[hbm4b:s6+s1] =	stream.linear.scatter [tilespmem:s13], [sflag:$0x2], $0x1900, $0x38;
	[tilespmem:$0x1C420] =	vst v63  }
0x5e8: {  	s28 =	sadd.s32 $0xA80, s30  }
0x5e9: {  	[hbm4b:s28+s1] =	stream.linear.scatter [tilespmem:s12], [sflag:$0x2], $0x1900, $0x38;
	[tilespmem:$0x1C420] =	vst v63  }
0x5ea: {  	s30 =	rddreg [dreg:$0x1c]  }
0x5eb: {  	[tilespmem:s29], [sflag:$0x1] =	stream.linear.gather [hbm4b:s30+s1], $0xC8, $0x38;
	[tilespmem:$0x1C420] =	vst v63  }
0x5ec: {  	_ =	swait.ge [sflag:s5], $0xC8  }
0x5ed: {  	[sflag:s5] =	ssyncset.done $0x0  }
0x5ee: {  	[sflag:s5] =	ssyncadd.s32 $0xFFFFFF38  }
0x5ef: {  	_ =	swait.ge [sflag:s4], $0x6400  }
0x5f0: {  	s6 =	sld [smem:$0x7F2]  }
0x5f1: {  	[sflag:s4] =	ssyncset.done $0x0  }
0x5f2: {  	[sflag:s4] =	ssyncadd.s32 $0xFFFF9C00  }
0x5f3: {  	[hbm4b:s6+s1] =	stream.linear.scatter [tilespmem:s10], [sflag:$0x2], $0x1900, $0x38;
	[tilespmem:$0x1C420] =	vst v63  }
0x5f4: {  	s30 =	sadd.s32 $0x380, s6  }
0x5f5: {  	[hbm4b:s30+s1] =	stream.linear.scatter [tilespmem:s9], [sflag:$0x2], $0x1900, $0x38;
	[tilespmem:$0x1C420] =	vst v63  }
0x5f6: {  	s3 =	sadd.s32 $0x700, s6  }
0x5f7: {  	[hbm4b:s3+s1] =	stream.linear.scatter [tilespmem:s8], [sflag:$0x2], $0x1900, $0x38;
	[tilespmem:$0x1C420] =	vst v63  }
0x5f8: {  	s6 =	sadd.s32 $0xA80, s6  }
0x5f9: {  	[hbm4b:s6+s1] =	stream.linear.scatter [tilespmem:s7], [sflag:$0x2], $0x1900, $0x38;
	[tilespmem:$0x1C420] =	vst v63  }
0x5fa: {  	s28 =	rddreg [dreg:$0x1d]  }
0x5fb: {  	[tilespmem:s26], [sflag:$0x1] =	stream.linear.gather [hbm4b:s28+s1], $0xC8, $0x38;
	[tilespmem:$0x1C420] =	vst v63  }
0x5fc: {  	_ =	swait.ge [sflag:s5], $0xC8  }
0x5fd: {  	[sflag:s5] =	ssyncset.done $0x0  }
0x5fe: {  	[sflag:s5] =	ssyncadd.s32 $0xFFFFFF38  }
0x5ff: {  	_ =	swait.ge [sflag:s4], $0x6400  }
0x600: {  	s30 =	sld [smem:$0x7F3]  }
0x601: {  	[sflag:s4] =	ssyncset.done $0x0  }
0x602: {  	[sflag:s4] =	ssyncadd.s32 $0xFFFF9C00  }
0x603: {  	[hbm4b:s30+s1] =	stream.linear.scatter [tilespmem:s24], [sflag:$0x2], $0x1900, $0x38;
	[tilespmem:$0x1C420] =	vst v63  }
0x604: {  	s3 =	sadd.s32 $0x380, s30  }
0x605: {  	[hbm4b:s3+s1] =	stream.linear.scatter [tilespmem:s23], [sflag:$0x2], $0x1900, $0x38;
	[tilespmem:$0x1C420] =	vst v63  }
0x606: {  	s6 =	sadd.s32 $0x700, s30  }
0x607: {  	[hbm4b:s6+s1] =	stream.linear.scatter [tilespmem:s22], [sflag:$0x2], $0x1900, $0x38;
	[tilespmem:$0x1C420] =	vst v63  }
0x608: {  	s28 =	sadd.s32 $0xA80, s30  }
0x609: {  	[hbm4b:s28+s1] =	stream.linear.scatter [tilespmem:s21], [sflag:$0x2], $0x1900, $0x38;
	[tilespmem:$0x1C420] =	vst v63  }
0x60a: {  	s30 =	rddreg [dreg:$0x1e]  }
0x60b: {  	[tilespmem:s2], [sflag:$0x1] =	stream.linear.gather [hbm4b:s30+s1], $0xC8, $0x38;
	[tilespmem:$0x1C420] =	vst v63  }
0x60c: {  	_ =	swait.ge [sflag:s5], $0xC8  }
0x60d: {  	[sflag:s5] =	ssyncset.done $0x0  }
0x60e: {  	[sflag:s5] =	ssyncadd.s32 $0xFFFFFF38  }
0x60f: {  	_ =	swait.ge [sflag:s4], $0x6400  }
0x610: {  	s6 =	sld [smem:$0x7F4]  }
0x611: {  	[sflag:s4] =	ssyncset.done $0x0  }
0x612: {  	[sflag:s4] =	ssyncadd.s32 $0xFFFF9C00  }
0x613: {  	[hbm4b:s6+s1] =	stream.linear.scatter [tilespmem:s19], [sflag:$0x2], $0x1900, $0x38;
	[tilespmem:$0x1C420] =	vst v63  }
0x614: {  	s30 =	sadd.s32 $0x380, s6  }
0x615: {  	[hbm4b:s30+s1] =	stream.linear.scatter [tilespmem:s18], [sflag:$0x2], $0x1900, $0x38;
	[tilespmem:$0x1C420] =	vst v63  }
0x616: {  	s3 =	sadd.s32 $0x700, s6  }
0x617: {  	[hbm4b:s3+s1] =	stream.linear.scatter [tilespmem:s17], [sflag:$0x2], $0x1900, $0x38;
	[tilespmem:$0x1C420] =	vst v63  }
0x618: {  	s6 =	sadd.s32 $0xA80, s6  }
0x619: {  	[hbm4b:s6+s1] =	stream.linear.scatter [tilespmem:s16], [sflag:$0x2], $0x1900, $0x38;
	[tilespmem:$0x1C420] =	vst v63  }
0x61a: {  	s28 =	rddreg [dreg:$0x1f]  }
0x61b: {  	[tilespmem:s31], [sflag:$0x1] =	stream.linear.gather [hbm4b:s28+s1], $0xC8, $0x38;
	[tilespmem:$0x1C420] =	vst v63  }
0x61c: {  	_ =	swait.ge [sflag:s5], $0xC8  }
0x61d: {  	[sflag:s5] =	ssyncset.done $0x0  }
0x61e: {  	[sflag:s5] =	ssyncadd.s32 $0xFFFFFF38  }
0x61f: {  	_ =	swait.ge [sflag:s4], $0x6400  }
0x620: {  	s30 =	sld [smem:$0x7F5]  }
0x621: {  	[sflag:s4] =	ssyncset.done $0x0  }
0x622: {  	[sflag:s4] =	ssyncadd.s32 $0xFFFF9C00  }
0x623: {  	[hbm4b:s30+s1] =	stream.linear.scatter [tilespmem:s15], [sflag:$0x2], $0x1900, $0x38;
	[tilespmem:$0x1C420] =	vst v63  }
0x624: {  	s3 =	sadd.s32 $0x380, s30  }
0x625: {  	[hbm4b:s3+s1] =	stream.linear.scatter [tilespmem:s14], [sflag:$0x2], $0x1900, $0x38;
	[tilespmem:$0x1C420] =	vst v63  }
0x626: {  	s6 =	sadd.s32 $0x700, s30  }
0x627: {  	[hbm4b:s6+s1] =	stream.linear.scatter [tilespmem:s13], [sflag:$0x2], $0x1900, $0x38;
	[tilespmem:$0x1C420] =	vst v63  }
0x628: {  	s28 =	sadd.s32 $0xA80, s30;
	s30 =	sld [smem:$0x7D1]  }
0x629: {  	[hbm4b:s28+s1] =	stream.linear.scatter [tilespmem:s12], [sflag:$0x2], $0x1900, $0x38;
	[tilespmem:$0x1C420] =	vst v63  }
0x62a: {  	_ = 	snop  }
0x62b: {  	[tilespmem:s29], [sflag:$0x1] =	stream.linear.gather [hbm4b:s30+s1], $0xC8, $0x38;
	[tilespmem:$0x1C420] =	vst v63  }
0x62c: {  	_ =	swait.ge [sflag:s5], $0xC8  }
0x62d: {  	[sflag:s5] =	ssyncset.done $0x0  }
0x62e: {  	[sflag:s5] =	ssyncadd.s32 $0xFFFFFF38  }
0x62f: {  	_ =	swait.ge [sflag:s4], $0x6400  }
0x630: {  	s6 =	sld [smem:$0x7F6]  }
0x631: {  	[sflag:s4] =	ssyncset.done $0x0  }
0x632: {  	[sflag:s4] =	ssyncadd.s32 $0xFFFF9C00  }
0x633: {  	[hbm4b:s6+s1] =	stream.linear.scatter [tilespmem:s10], [sflag:$0x2], $0x1900, $0x38;
	[tilespmem:$0x1C420] =	vst v63  }
0x634: {  	s30 =	sadd.s32 $0x380, s6  }
0x635: {  	[hbm4b:s30+s1] =	stream.linear.scatter [tilespmem:s9], [sflag:$0x2], $0x1900, $0x38;
	[tilespmem:$0x1C420] =	vst v63  }
0x636: {  	s3 =	sadd.s32 $0x700, s6  }
0x637: {  	[hbm4b:s3+s1] =	stream.linear.scatter [tilespmem:s8], [sflag:$0x2], $0x1900, $0x38;
	[tilespmem:$0x1C420] =	vst v63  }
0x638: {  	s28 =	sld [smem:$0x7D2];
	s6 =	sadd.s32 $0xA80, s6  }
0x639: {  	[hbm4b:s6+s1] =	stream.linear.scatter [tilespmem:s7], [sflag:$0x2], $0x1900, $0x38;
	[tilespmem:$0x1C420] =	vst v63  }
0x63a: {  	_ = 	snop  }
0x63b: {  	[tilespmem:s26], [sflag:$0x1] =	stream.linear.gather [hbm4b:s28+s1], $0xC8, $0x38;
	[tilespmem:$0x1C420] =	vst v63  }
0x63c: {  	_ =	swait.ge [sflag:s5], $0xC8  }
0x63d: {  	[sflag:s5] =	ssyncset.done $0x0  }
0x63e: {  	[sflag:s5] =	ssyncadd.s32 $0xFFFFFF38  }
0x63f: {  	_ =	swait.ge [sflag:s4], $0x6400  }
0x640: {  	s30 =	sld [smem:$0x7F7]  }
0x641: {  	[sflag:s4] =	ssyncset.done $0x0  }
0x642: {  	[sflag:s4] =	ssyncadd.s32 $0xFFFF9C00  }
0x643: {  	[hbm4b:s30+s1] =	stream.linear.scatter [tilespmem:s24], [sflag:$0x2], $0x1900, $0x38;
	[tilespmem:$0x1C420] =	vst v63  }
0x644: {  	s3 =	sadd.s32 $0x380, s30  }
0x645: {  	[hbm4b:s3+s1] =	stream.linear.scatter [tilespmem:s23], [sflag:$0x2], $0x1900, $0x38;
	[tilespmem:$0x1C420] =	vst v63  }
0x646: {  	s6 =	sadd.s32 $0x700, s30  }
0x647: {  	[hbm4b:s6+s1] =	stream.linear.scatter [tilespmem:s22], [sflag:$0x2], $0x1900, $0x38;
	[tilespmem:$0x1C420] =	vst v63  }
0x648: {  	s28 =	sadd.s32 $0xA80, s30;
	s30 =	sld [smem:$0x7D3]  }
0x649: {  	[hbm4b:s28+s1] =	stream.linear.scatter [tilespmem:s21], [sflag:$0x2], $0x1900, $0x38;
	[tilespmem:$0x1C420] =	vst v63  }
0x64a: {  	_ = 	snop  }
0x64b: {  	[tilespmem:s2], [sflag:$0x1] =	stream.linear.gather [hbm4b:s30+s1], $0xC8, $0x38;
	[tilespmem:$0x1C420] =	vst v63  }
0x64c: {  	_ =	swait.ge [sflag:s5], $0xC8  }
0x64d: {  	[sflag:s5] =	ssyncset.done $0x0  }
0x64e: {  	[sflag:s5] =	ssyncadd.s32 $0xFFFFFF38  }
0x64f: {  	_ =	swait.ge [sflag:s4], $0x6400  }
0x650: {  	s2 =	sld [smem:$0x7F8]  }
0x651: {  	[sflag:s4] =	ssyncset.done $0x0  }
0x652: {  	[sflag:s4] =	ssyncadd.s32 $0xFFFF9C00  }
0x653: {  	[hbm4b:s2+s1] =	stream.linear.scatter [tilespmem:s19], [sflag:$0x2], $0x1900, $0x38;
	[tilespmem:$0x1C420] =	vst v63  }
0x654: {  	s3 =	sadd.s32 $0x380, s2  }
0x655: {  	[hbm4b:s3+s1] =	stream.linear.scatter [tilespmem:s18], [sflag:$0x2], $0x1900, $0x38;
	[tilespmem:$0x1C420] =	vst v63  }
0x656: {  	s6 =	sadd.s32 $0x700, s2  }
0x657: {  	[hbm4b:s6+s1] =	stream.linear.scatter [tilespmem:s17], [sflag:$0x2], $0x1900, $0x38;
	[tilespmem:$0x1C420] =	vst v63  }
0x658: {  	s30 =	sld [smem:$0x7D4];
	s28 =	sadd.s32 $0xA80, s2  }
0x659: {  	[hbm4b:s28+s1] =	stream.linear.scatter [tilespmem:s16], [sflag:$0x2], $0x1900, $0x38;
	[tilespmem:$0x1C420] =	vst v63  }
0x65a: {  	_ = 	snop  }
0x65b: {  	[tilespmem:s31], [sflag:$0x1] =	stream.linear.gather [hbm4b:s30+s1], $0xC8, $0x38;
	[tilespmem:$0x1C420] =	vst v63  }
0x65c: {  	_ =	swait.ge [sflag:s5], $0xC8  }
0x65d: {  	[sflag:s5] =	ssyncset.done $0x0  }
0x65e: {  	[sflag:s5] =	ssyncadd.s32 $0xFFFFFF38  }
0x65f: {  	_ =	swait.ge [sflag:s4], $0x6400  }
0x660: {  	s2 =	sld [smem:$0x7F9]  }
0x661: {  	[sflag:s4] =	ssyncset.done $0x0  }
0x662: {  	[sflag:s4] =	ssyncadd.s32 $0xFFFF9C00  }
0x663: {  	[hbm4b:s2+s1] =	stream.linear.scatter [tilespmem:s15], [sflag:$0x2], $0x1900, $0x38;
	[tilespmem:$0x1C420] =	vst v63  }
0x664: {  	s3 =	sadd.s32 $0x380, s2  }
0x665: {  	[hbm4b:s3+s1] =	stream.linear.scatter [tilespmem:s14], [sflag:$0x2], $0x1900, $0x38;
	[tilespmem:$0x1C420] =	vst v63  }
0x666: {  	s6 =	sadd.s32 $0x700, s2  }
0x667: {  	[hbm4b:s6+s1] =	stream.linear.scatter [tilespmem:s13], [sflag:$0x2], $0x1900, $0x38;
	[tilespmem:$0x1C420] =	vst v63  }
0x668: {  	s31 =	sld [smem:$0x7D6];
	s30 =	sadd.s32 $0xA80, s2  }
0x669: {  	[hbm4b:s30+s1] =	stream.linear.scatter [tilespmem:s12], [sflag:$0x2], $0x1900, $0x38;
	[tilespmem:$0x1C420] =	vst v63  }
0x66a: {  	_ = 	snop  }
0x66b: {  	[tilespmem:s29], [sflag:$0x1] =	stream.linear.gather [hbm4b:s31+s1], $0xC8, $0x38;
	[tilespmem:$0x1C420] =	vst v63  }
0x66c: {  	_ =	swait.ge [sflag:s5], $0xC8  }
0x66d: {  	[sflag:s5] =	ssyncset.done $0x0  }
0x66e: {  	[sflag:s5] =	ssyncadd.s32 $0xFFFFFF38  }
0x66f: {  	_ =	swait.ge [sflag:s4], $0x6400  }
0x670: {  	s3 =	sld [smem:$0x7FA]  }
0x671: {  	[sflag:s4] =	ssyncset.done $0x0  }
0x672: {  	[sflag:s4] =	ssyncadd.s32 $0xFFFF9C00  }
0x673: {  	[hbm4b:s3+s1] =	stream.linear.scatter [tilespmem:s10], [sflag:$0x2], $0x1900, $0x38;
	[tilespmem:$0x1C420] =	vst v63  }
0x674: {  	s6 =	sadd.s32 $0x380, s3  }
0x675: {  	[hbm4b:s6+s1] =	stream.linear.scatter [tilespmem:s9], [sflag:$0x2], $0x1900, $0x38;
	[tilespmem:$0x1C420] =	vst v63  }
0x676: {  	s29 =	sadd.s32 $0x700, s3  }
0x677: {  	[hbm4b:s29+s1] =	stream.linear.scatter [tilespmem:s8], [sflag:$0x2], $0x1900, $0x38;
	[tilespmem:$0x1C420] =	vst v63  }
0x678: {  	s31 =	sld [smem:$0x7D8];
	s30 =	sadd.s32 $0xA80, s3  }
0x679: {  	[hbm4b:s30+s1] =	stream.linear.scatter [tilespmem:s7], [sflag:$0x2], $0x1900, $0x38;
	[tilespmem:$0x1C420] =	vst v63  }
0x67a: {  	_ = 	snop  }
0x67b: {  	[tilespmem:s26], [sflag:$0x1] =	stream.linear.gather [hbm4b:s31+s1], $0xC8, $0x38;
	[tilespmem:$0x1C420] =	vst v63  }
0x67c: {  	_ =	swait.ge [sflag:s5], $0xC8  }
0x67d: {  	[sflag:s5] =	ssyncset.done $0x0  }
0x67e: {  	[sflag:s5] =	ssyncadd.s32 $0xFFFFFF38  }
0x67f: {  	_ =	swait.ge [sflag:s4], $0x6400  }
0x680: {  	[sflag:s4] =	ssyncset.done $0x0  }
0x681: {  	[sflag:s4] =	ssyncadd.s32 $0xFFFF9C00  }
0x682: {  	[hbm4b:s25+s1] =	stream.linear.scatter [tilespmem:s24], [sflag:$0x2], $0x1900, $0x38;
	[tilespmem:$0x1C420] =	vst v63  }
0x683: {  	s2 =	sadd.s32 $0x380, s25  }
0x684: {  	[hbm4b:s2+s1] =	stream.linear.scatter [tilespmem:s23], [sflag:$0x2], $0x1900, $0x38;
	[tilespmem:$0x1C420] =	vst v63  }
0x685: {  	s3 =	sadd.s32 $0x700, s25  }
0x686: {  	[hbm4b:s3+s1] =	stream.linear.scatter [tilespmem:s22], [sflag:$0x2], $0x1900, $0x38;
	[tilespmem:$0x1C420] =	vst v63  }
0x687: {  	s6 =	sadd.s32 $0xA80, s25  }
0x688: {  	[hbm4b:s6+s1] =	stream.linear.scatter [tilespmem:s21], [sflag:$0x2], $0x1900, $0x38;
	[tilespmem:$0x1C420] =	vst v63  }
0x689: {  	_ =	swait.ge [sflag:s5], $0xC8  }
0x68a: {  	[sflag:s5] =	ssyncset.done $0x0  }
0x68b: {  	[sflag:s5] =	ssyncadd.s32 $0xFFFFFF38  }
0x68c: {  	_ =	swait.ge [sflag:s4], $0x6400  }
0x68d: {  	[sflag:s4] =	ssyncset.done $0x0  }
0x68e: {  	[sflag:s4] =	ssyncadd.s32 $0xFFFF9C00  }
0x68f: {  	[hbm4b:s20+s1] =	stream.linear.scatter [tilespmem:s19], [sflag:$0x2], $0x1900, $0x38;
	[tilespmem:$0x1C420] =	vst v63  }
0x690: {  	s21 =	sadd.s32 $0x380, s20  }
0x691: {  	[hbm4b:s21+s1] =	stream.linear.scatter [tilespmem:s18], [sflag:$0x2], $0x1900, $0x38;
	[tilespmem:$0x1C420] =	vst v63  }
0x692: {  	s22 =	sadd.s32 $0x700, s20  }
0x693: {  	[hbm4b:s22+s1] =	stream.linear.scatter [tilespmem:s17], [sflag:$0x2], $0x1900, $0x38;
	[tilespmem:$0x1C420] =	vst v63  }
0x694: {  	s23 =	sadd.s32 $0xA80, s20  }
0x695: {  	[hbm4b:s23+s1] =	stream.linear.scatter [tilespmem:s16], [sflag:$0x2], $0x1900, $0x38;
	[tilespmem:$0x1C420] =	vst v63  }
0x696: {  	_ =	swait.ge [sflag:s5], $0xC8  }
0x697: {  	[sflag:s5] =	ssyncset.done $0x0  }
0x698: {  	[sflag:s5] =	ssyncadd.s32 $0xFFFFFF38  }
0x699: {  	_ =	swait.ge [sflag:s4], $0x6400  }
0x69a: {  	[sflag:s4] =	ssyncset.done $0x0  }
0x69b: {  	[sflag:s4] =	ssyncadd.s32 $0xFFFF9C00  }
0x69c: {  	[hbm4b:s11+s1] =	stream.linear.scatter [tilespmem:s15], [sflag:$0x2], $0x1900, $0x38;
	[tilespmem:$0x1C420] =	vst v63  }
0x69d: {  	s24 =	sadd.s32 $0x380, s11  }
0x69e: {  	[hbm4b:s24+s1] =	stream.linear.scatter [tilespmem:s14], [sflag:$0x2], $0x1900, $0x38;
	[tilespmem:$0x1C420] =	vst v63  }
0x69f: {  	s25 =	sadd.s32 $0x700, s11  }
0x6a0: {  	[hbm4b:s25+s1] =	stream.linear.scatter [tilespmem:s13], [sflag:$0x2], $0x1900, $0x38;
	[tilespmem:$0x1C420] =	vst v63  }
0x6a1: {  	s26 =	sadd.s32 $0xA80, s11  }
0x6a2: {  	[hbm4b:s26+s1] =	stream.linear.scatter [tilespmem:s12], [sflag:$0x2], $0x1900, $0x38;
	[tilespmem:$0x1C420] =	vst v63  }
0x6a3: {  	_ =	swait.ge [sflag:s5], $0xC8  }
0x6a4: {  	[sflag:s5] =	ssyncset.done $0x0  }
0x6a5: {  	[sflag:s5] =	ssyncadd.s32 $0xFFFFFF38  }
0x6a6: {  	_ =	swait.ge [sflag:s4], $0x6400  }
0x6a7: {  	s28 =	sld [smem:$0x7FD]  }
0x6a8: {  	[sflag:s4] =	ssyncset.done $0x0  }
0x6a9: {  	[sflag:s4] =	ssyncadd.s32 $0xFFFF9C00  }
0x6aa: {  	[hbm4b:s28+s1] =	stream.linear.scatter [tilespmem:s10], [sflag:$0x2], $0x1900, $0x38;
	[tilespmem:$0x1C420] =	vst v63  }
0x6ab: {  	s29 =	sadd.s32 $0x380, s28  }
0x6ac: {  	[hbm4b:s29+s1] =	stream.linear.scatter [tilespmem:s9], [sflag:$0x2], $0x1900, $0x38;
	[tilespmem:$0x1C420] =	vst v63  }
0x6ad: {  	s30 =	sadd.s32 $0x700, s28  }
0x6ae: {  	[hbm4b:s30+s1] =	stream.linear.scatter [tilespmem:s8], [sflag:$0x2], $0x1900, $0x38;
	[tilespmem:$0x1C420] =	vst v63  }
0x6af: {  	s31 =	sadd.s32 $0xA80, s28  }
0x6b0: {  	[hbm4b:s31+s1] =	stream.linear.scatter [tilespmem:s7], [sflag:$0x2], $0x1900, $0x38;
	[tilespmem:$0x1C420] =	vst v63  }
0x6b1: {  	_ =	swait.ge [sflag:s4], $0x6400  }
0x6b2: {  	[sflag:s4] =	ssyncset.done $0x0  }
0x6b3: {  	[sflag:s4] =	ssyncadd.s32 $0xFFFF9C00  }
0x6b4: {  	_ =	swait.ge [sflag:s4], $0x6400  }
0x6b5: {  	[sflag:s4] =	ssyncset.done $0x0  }
0x6b6: {  	[sflag:s4] =	ssyncadd.s32 $0xFFFF9C00  }
0x6b7: {  	_ =	swait.ge [sflag:s4], $0x6400  }
0x6b8: {  	[sflag:s4] =	ssyncset.done $0x0  }
0x6b9: {  	[sflag:s4] =	ssyncadd.s32 $0xFFFF9C00  }
0x6ba: {  	_ =	swait.ge [sflag:s4], $0x6400  }
0x6bb: {  	[sflag:s4] =	ssyncset.done $0x0  }
0x6bc: {  	[sflag:s4] =	ssyncadd.s32 $0xFFFF9C00  }
0x6bd: {  	_ =	sfence.sel $0x180000  }
0x6be: {  	[bflag:$0x0] =	sbarrier.arrive $0xFFFF  }
0x6bf: {  	_ =	strace $0x90000047  }
0x6c0: {  	[bflag:$0x2] =	sbarrier.arrive $0xFFFF  }
0x6c1: {  	s0 =	rddreg [dreg:$0x4]  }
0x6c2: {  	s0 =	sadd.s32 @!p0 $0x100000, s0  }
0x6c3: {  	[sflag:s0] =	ssyncadd.tile.s32 @!p0 $0x1;
	_ =	shalt  }
.LBB2_1:
.Ltmp3:
0x6c4: {  	(pc) =	sbr.rel .LBB2_6-.Ltmp3, $3  }
0x6c5: {  	_ =	sdelay $0x1  }
0x6c6: {  	s28 =	sld [smem:$0x7DB]  }
0x6c7: {  	s6 =	sld [smem:$0x7DE]  }
.LBB2_3:
.Ltmp4:
0x6c8: {  	s28 =	sld [smem:$0x7DB];
	(pc) =	sbr.rel .LBB2_6-.Ltmp4, $4  }
0x6c9: {  	s6 =	sld [smem:$0x7DE]  }
0x6ca: {  	s11 =	sld [smem:$0x7CC]  }
0x6cb: {  	s20 =	sld [smem:$0x7CD]  }
0x6cc: {  	s25 =	sld [smem:$0x7C7]  }
.Lfunc_end2:
_tile_overlayer_lowered:
.L_overlay_start_2:
0x6cd: {  	(tag) =	ssettag $0x2  }
0x6ce: {  	s0 =	rddreg [dreg:$0x0];
	s2 =	stileid.u32  }
0x6cf: {  	s1 =	rddreg [dreg:$0x1];
	p0 =	sne.s32 s2, $0x0  }
0x6d0: {  	s3 =	rddreg [dreg:$0x2];
	[bflag:$0x3] =	sbarrier.arrive $0xFFFF;
	s2 =	simm.s32 @!p0 $0x1C03  }
0x6d1: {  	[timem:s3], [sflag:s2] =	dma.local @!p0 [hbm:s0], s1  }
0x6d2: {  	s0 =	simm.s32 @!p0 $0x3  }
0x6d3: {  	_ =	swait.ge @!p0 [sflag:s0], s1  }
0x6d4: {  	s1 =	ssub.s32 @!p0 $0x0, s1;
	[sflag:s0] =	ssyncset.done @!p0 $0x0  }
0x6d5: {  	[sflag:s0] =	ssyncadd.s32 @!p0 s1  }
0x6d6: {  	[bflag:$0x3] =	sbarrier.arrive $0xFFFF  }
0x6d7: {  	_ =	shalt  }

</sc_bundles>
